<compile_context>
chip_gen: v7x
topology: tpu7x:2x2x1
jax: 0.10.2.dev20260603
libtpu: 0.0.44.dev20260713+nightly
codegen_flags: <defaults>
</compile_context>

<pallas_src>
import functools

import jax
import jax.numpy as jnp
from jax import lax
from jax.experimental import pallas as pl
from jax.experimental.pallas import tpu as pltpu
from jax.experimental.pallas import tpu_sc as plsc

N_NODES = 16384
SUBTOK = 20
EMBED = 128
L = 16
NF = EMBED // L
NC, NS = 2, 16
NW = NC * NS
NPW = N_NODES // NW
C = 16
NCHUNK = NPW // C


def _sc_embed_sum(x_flat, table):
    mesh = plsc.VectorSubcoreMesh(core_axis_name="c", subcore_axis_name="s")

    @functools.partial(
        pl.kernel,
        mesh=mesh,
        out_type=jax.ShapeDtypeStruct((N_NODES, EMBED), jnp.float32),
        compiler_params=pltpu.CompilerParams(needs_layout_passes=False),
        scratch_types=[
            pltpu.VMEM((C * SUBTOK,), jnp.int32),
            pltpu.VMEM((C * SUBTOK,), jnp.int32),
            pltpu.VMEM((C * SUBTOK, EMBED), jnp.float32),
            pltpu.VMEM((C * SUBTOK, EMBED), jnp.float32),
            pltpu.VMEM((C, EMBED), jnp.float32),
            pltpu.VMEM((C, EMBED), jnp.float32),
            pltpu.VMEM((1, EMBED), jnp.float32),
            pltpu.VMEM((L,), jnp.float32),
            pltpu.SemaphoreType.DMA,
            pltpu.SemaphoreType.DMA,
            pltpu.SemaphoreType.DMA,
            pltpu.SemaphoreType.DMA,
            pltpu.SemaphoreType.DMA,
            pltpu.SemaphoreType.DMA,
        ],
    )
    def k(x_hbm, table_hbm, out_hbm, idx0_v, idx1_v, rows0_v, rows1_v,
          outb0_v, outb1_v, t0_v, cnt_v, semi0, semi1, semg0, semg1,
          semo0, semo1):
        idx_b = (idx0_v, idx1_v)
        rows_b = (rows0_v, rows1_v)
        outb_b = (outb0_v, outb1_v)
        semi_b = (semi0, semi1)
        semg_b = (semg0, semg1)
        semo_b = (semo0, semo1)
        wid = lax.axis_index("s") * NC + lax.axis_index("c")
        nbase = wid * NPW
        pltpu.sync_copy(table_hbm.at[pl.ds(0, 1)], t0_v)

        def idx_copy(g, b):
            nb = nbase + g * C
            return pltpu.make_async_copy(
                x_hbm.at[pl.ds(nb * SUBTOK, C * SUBTOK)],
                idx_b[b], semi_b[b])

        def gather_copy(b):
            return pltpu.make_async_copy(
                table_hbm.at[idx_b[b]], rows_b[b], semg_b[b])

        def out_copy(g, b):
            nb = nbase + g * C
            return pltpu.make_async_copy(
                outb_b[b], out_hbm.at[pl.ds(nb, C)], semo_b[b])

        idx_copy(0, 0).start()
        idx_copy(0, 0).wait()
        gather_copy(0).start()
        idx_copy(1, 1).start()

        def pair_body(j, carry):
            for p in range(2):
                g = 2 * j + p
                bg = p
                bn = 1 - p

                @pl.when(g + 1 < NCHUNK)
                def _():
                    idx_copy(g + 1, bn).wait()
                    gather_copy(bn).start()

                rows_v = rows_b[bg]
                idx_v = idx_b[bg]

                lanes = lax.iota(jnp.int32, L)
                node_base = lanes * SUBTOK
                one = jnp.full((L,), 1.0, jnp.float32)
                zero = jnp.zeros((L,), jnp.float32)
                cntv = zero
                for s in range(SUBTOK):
                    vals = plsc.load_gather(idx_v, [node_base + s])
                    cntv = cntv + jnp.where(vals == 0, one, zero)
                cnt_v[...] = cntv

                gather_copy(bg).wait()

                @pl.when(g + 2 < NCHUNK)
                def _():
                    idx_copy(g + 2, bg).start()

                @pl.when(g >= 2)
                def _():
                    out_copy(g, bg).wait()

                outb_v = outb_b[bg]

                def node_body(n, carry2):
                    r0 = n * SUBTOK
                    cfv = cnt_v[...].at[jnp.full((L,), n, jnp.int32)].get(
                        mode="promise_in_bounds")
                    for f0 in range(0, NF, 4):
                        acc = [rows_v[r0, pl.ds((f0 + f) * L, L)]
                               for f in range(4)]
                        for s in range(1, SUBTOK):
                            for f in range(4):
                                acc[f] = acc[f] + rows_v[
                                    r0 + s, pl.ds((f0 + f) * L, L)]
                        for f in range(4):
                            outb_v[n, pl.ds((f0 + f) * L, L)] = (
                                acc[f] - cfv * t0_v[0, pl.ds((f0 + f) * L, L)])
                    return carry2

                lax.fori_loop(0, C, node_body, 0)
                out_copy(g, bg).start()
            return carry

        lax.fori_loop(0, NCHUNK // 2, pair_body, 0)
        out_copy(NCHUNK - 2, 0).wait()
        out_copy(NCHUNK - 1, 1).wait()

    return k(x_flat, table)


def kernel(x, table):
    x = x.astype(jnp.int32)
    return _sc_embed_sum(x.reshape(-1), table)

# --- scband reference (transcript-rebuilt; emitter-appended) ---
"""Pipeline reference for scband-bi-lstmencoder-1949915152750 (READ-ONLY COPY).

The authoritative reference and input builder live on the scoring server;
editing this copy changes nothing except your own understanding.
"""

import jax, jax.numpy as jnp
import numpy as np

VOCAB = 100000
EMBED = 128
PAD_IDX = 0
N_NODES = 16384
SUBTOK = 20


def setup_inputs(seed: int = 0) -> dict:
    key = jax.random.key(seed)
    k1, k2 = jax.random.split(key)
    x = jax.random.randint(k1, (N_NODES, SUBTOK), 0, VOCAB, dtype=jnp.int64)
    table = jax.random.normal(k2, (VOCAB, EMBED), dtype=jnp.float32) * 0.02
    return {"x": x, "table": table}


def reference(x, table):
    # STEncoder: subtoken embedding lookup, mask pad tokens, sum over subtoken axis
    emb = jnp.take(table, x, axis=0)            # [N, SUBTOK, EMBED] gather
    mask = (x != PAD_IDX).astype(emb.dtype)     # [N, SUBTOK]
    emb = emb * mask[..., None]
    node_embedding = jnp.sum(emb, axis=1)       # [N, EMBED]
    # Original forward computes node_embedding then returns None (truncated module);
    # we return the computed node embedding as the forward output.
    return node_embedding

if __name__ == "__main__":
    import jax
    _d = setup_inputs()
    print(jax.jit(kernel)(*tuple(_d.values())))

</pallas_src>

<mosaic_0001>
#map = affine_map<(d0, d1) -> (0)>
#map1 = affine_map<(d0, d1) -> (0, 0)>
module attributes {stable_mosaic.version = 14 : i64} {
  func.func @k(%arg0: i32, %arg1: i32, %arg2: memref<327680xi32, #tpu.memory_space<hbm>>, %arg3: memref<100000x128xf32, #tpu.memory_space<hbm>>, %arg4: memref<16384x128xf32, #tpu.memory_space<hbm>>, %arg5: memref<320xi32, #tpu.memory_space<vmem>>, %arg6: memref<320xi32, #tpu.memory_space<vmem>>, %arg7: memref<320x128xf32, #tpu.memory_space<vmem>>, %arg8: memref<320x128xf32, #tpu.memory_space<vmem>>, %arg9: memref<16x128xf32, #tpu.memory_space<vmem>>, %arg10: memref<16x128xf32, #tpu.memory_space<vmem>>, %arg11: memref<1x128xf32, #tpu.memory_space<vmem>>, %arg12: memref<16xf32, #tpu.memory_space<vmem>>, %arg13: memref<!tpu.dma_semaphore, #tpu.memory_space<semaphore_mem>>, %arg14: memref<!tpu.dma_semaphore, #tpu.memory_space<semaphore_mem>>, %arg15: memref<!tpu.dma_semaphore, #tpu.memory_space<semaphore_mem>>, %arg16: memref<!tpu.dma_semaphore, #tpu.memory_space<semaphore_mem>>, %arg17: memref<!tpu.dma_semaphore, #tpu.memory_space<semaphore_mem>>, %arg18: memref<!tpu.dma_semaphore, #tpu.memory_space<semaphore_mem>>) attributes {dimension_semantics = [#tpu.dimension_semantics<core_parallel>, #tpu.dimension_semantics<subcore_parallel>], iteration_bounds = array<i64: 2, 16>, scalar_prefetch = 0 : i64, scratch_operands = 14 : i64, tpu.core_type = #tpu.core_type<sc_vector_subcore>, window_params = [{transform_indices = #map}, {transform_indices = #map1}, {transform_indices = #map1}]} {
    %mul3A = arith.constant 2 : i32
    %mul3A_0 = arith.muli %arg1, %mul3A : i32
    %add3A = arith.addi %mul3A_0, %arg0 : i32
    %mul3A_1 = arith.constant 512 : i32
    %mul3A_2 = arith.muli %add3A, %mul3A_1 : i32
    "tpu.region"() ({
      %run_scoped3A = tpu.sem_alloc : memref<!tpu.dma_semaphore, #tpu.memory_space<semaphore_mem>>
      %dma_start3A_39 = arith.constant 0 : i32
      %dma_start3A_40 = arith.constant 0 : i32
      %dma_start3A_41 = tpu.memref_slice %arg3[%dma_start3A_39, %dma_start3A_40] : memref<100000x128xf32, #tpu.memory_space<hbm>> -> memref<1x128xf32, #tpu.memory_space<hbm>>
      %dma_start3A_42 = arith.constant 0 : i32
      %dma_start3A_43 = arith.constant 0 : i32
      %dma_start3A_44 = tpu.memref_slice %arg3[%dma_start3A_42, %dma_start3A_43] : memref<100000x128xf32, #tpu.memory_space<hbm>> -> memref<1x128xf32, #tpu.memory_space<hbm>>
      tpu.enqueue_dma source(%dma_start3A_44 : memref<1x128xf32, #tpu.memory_space<hbm>>) target(%arg11 : memref<1x128xf32, #tpu.memory_space<vmem>>) target_semaphore(%run_scoped3A : memref<!tpu.dma_semaphore, #tpu.memory_space<semaphore_mem>>)
      %dma_wait3A_45 = arith.constant 0 : i32
      %dma_wait3A_46 = arith.constant 0 : i32
      %dma_wait3A_47 = tpu.memref_slice %arg3[%dma_wait3A_45, %dma_wait3A_46] : memref<100000x128xf32, #tpu.memory_space<hbm>> -> memref<1x128xf32, #tpu.memory_space<hbm>>
      %dma_wait3A_48 = arith.constant 0 : i32
      %dma_wait3A_49 = arith.constant 0 : i32
      %dma_wait3A_50 = tpu.memref_slice %arg3[%dma_wait3A_48, %dma_wait3A_49] : memref<100000x128xf32, #tpu.memory_space<hbm>> -> memref<1x128xf32, #tpu.memory_space<hbm>>
      tpu.wait_dma2 semaphore(%run_scoped3A : memref<!tpu.dma_semaphore, #tpu.memory_space<semaphore_mem>>) src(%dma_wait3A_50 : memref<1x128xf32, #tpu.memory_space<hbm>>) dst(%arg11 : memref<1x128xf32, #tpu.memory_space<vmem>>)
      tpu.yield
    }) : () -> ()
    %add3A_3 = arith.constant 0 : i32
    %add3A_4 = arith.addi %mul3A_2, %add3A_3 : i32
    %mul3A_5 = arith.constant 20 : i32
    %mul3A_6 = arith.muli %add3A_4, %mul3A_5 : i32
    %dma_start3A = tpu.memref_slice %arg2[%mul3A_6] : memref<327680xi32, #tpu.memory_space<hbm>> -> memref<320xi32, #tpu.memory_space<hbm>>
    %dma_start3A_7 = tpu.memref_slice %arg2[%mul3A_6] : memref<327680xi32, #tpu.memory_space<hbm>> -> memref<320xi32, #tpu.memory_space<hbm>>
    tpu.enqueue_dma source(%dma_start3A_7 : memref<320xi32, #tpu.memory_space<hbm>>) target(%arg5 : memref<320xi32, #tpu.memory_space<vmem>>) target_semaphore(%arg13 : memref<!tpu.dma_semaphore, #tpu.memory_space<semaphore_mem>>)
    %add3A_8 = arith.constant 0 : i32
    %add3A_9 = arith.addi %mul3A_2, %add3A_8 : i32
    %mul3A_10 = arith.constant 20 : i32
    %mul3A_11 = arith.muli %add3A_9, %mul3A_10 : i32
    %dma_wait3A = tpu.memref_slice %arg2[%mul3A_11] : memref<327680xi32, #tpu.memory_space<hbm>> -> memref<320xi32, #tpu.memory_space<hbm>>
    %dma_wait3A_12 = tpu.memref_slice %arg2[%mul3A_11] : memref<327680xi32, #tpu.memory_space<hbm>> -> memref<320xi32, #tpu.memory_space<hbm>>
    tpu.wait_dma2 semaphore(%arg13 : memref<!tpu.dma_semaphore, #tpu.memory_space<semaphore_mem>>) src(%dma_wait3A_12 : memref<320xi32, #tpu.memory_space<hbm>>) dst(%arg5 : memref<320xi32, #tpu.memory_space<vmem>>)
    %dma_start3A_13 = arith.constant 0 : i32
    %dma_start3A_14 = arith.constant 0 : i32
    %dma_start3A_15 = tpu.memref_slice %arg3[%dma_start3A_13, %dma_start3A_14] : memref<100000x128xf32, #tpu.memory_space<hbm>> -> memref<100000x128xf32, #tpu.memory_space<hbm>>
    tpu.enqueue_indirect_dma source(%dma_start3A_15 : memref<100000x128xf32, #tpu.memory_space<hbm>>) target(%arg7 : memref<320x128xf32, #tpu.memory_space<vmem>>) offsets(%arg5 : memref<320xi32, #tpu.memory_space<vmem>>) semaphore(%arg15 : memref<!tpu.dma_semaphore, #tpu.memory_space<semaphore_mem>>)
    %add3A_16 = arith.constant 16 : i32
    %add3A_17 = arith.addi %mul3A_2, %add3A_16 : i32
    %mul3A_18 = arith.constant 20 : i32
    %mul3A_19 = arith.muli %add3A_17, %mul3A_18 : i32
    %dma_start3A_20 = tpu.memref_slice %arg2[%mul3A_19] : memref<327680xi32, #tpu.memory_space<hbm>> -> memref<320xi32, #tpu.memory_space<hbm>>
    %dma_start3A_21 = tpu.memref_slice %arg2[%mul3A_19] : memref<327680xi32, #tpu.memory_space<hbm>> -> memref<320xi32, #tpu.memory_space<hbm>>
    tpu.enqueue_dma source(%dma_start3A_21 : memref<320xi32, #tpu.memory_space<hbm>>) target(%arg6 : memref<320xi32, #tpu.memory_space<vmem>>) target_semaphore(%arg14 : memref<!tpu.dma_semaphore, #tpu.memory_space<semaphore_mem>>)
    %scan3A = arith.constant 0 : i32
    %scan3A_22 = arith.constant 0 : i32
    %scan3A_23 = arith.constant 16 : i32
    %scan3A_24 = arith.addi %scan3A_22, %scan3A_23 : i32
    %scan3A_25 = arith.constant 1 : i32
    scf.for %scan3A_39 = %scan3A_22 to %scan3A_24 step %scan3A_25  : i32 {
      %mul3A_40 = arith.constant 2 : i32
      %mul3A_41 = arith.muli %mul3A_40, %scan3A_39 : i32
      %add3A_42 = arith.constant 0 : i32
      %add3A_43 = arith.addi %mul3A_41, %add3A_42 : i32
      %add3A_44 = arith.constant 1 : i32
      %add3A_45 = arith.addi %add3A_43, %add3A_44 : i32
      %lt3A = arith.constant 32 : i32
      %lt3A_46 = arith.cmpi slt, %add3A_45, %lt3A : i32
      %convert_element_type3A = arith.extui %lt3A_46 : i1 to i32
      %cond3A = arith.constant 0 : i32
      %cond3A_47 = arith.cmpi ne, %convert_element_type3A, %cond3A : i32
      scf.if %cond3A_47 {
        %add3A_488 = arith.constant 1 : i32
        %add3A_489 = arith.addi %add3A_43, %add3A_488 : i32
        %mul3A_490 = arith.constant 16 : i32
        %mul3A_491 = arith.muli %add3A_489, %mul3A_490 : i32
        %add3A_492 = arith.addi %mul3A_2, %mul3A_491 : i32
        %mul3A_493 = arith.constant 20 : i32
        %mul3A_494 = arith.muli %add3A_492, %mul3A_493 : i32
        %dma_wait3A_495 = tpu.memref_slice %arg2[%mul3A_494] : memref<327680xi32, #tpu.memory_space<hbm>> -> memref<320xi32, #tpu.memory_space<hbm>>
        %dma_wait3A_496 = tpu.memref_slice %arg2[%mul3A_494] : memref<327680xi32, #tpu.memory_space<hbm>> -> memref<320xi32, #tpu.memory_space<hbm>>
        tpu.wait_dma2 semaphore(%arg14 : memref<!tpu.dma_semaphore, #tpu.memory_space<semaphore_mem>>) src(%dma_wait3A_496 : memref<320xi32, #tpu.memory_space<hbm>>) dst(%arg6 : memref<320xi32, #tpu.memory_space<vmem>>)
        %dma_start3A_497 = arith.constant 0 : i32
        %dma_start3A_498 = arith.constant 0 : i32
        %dma_start3A_499 = tpu.memref_slice %arg3[%dma_start3A_497, %dma_start3A_498] : memref<100000x128xf32, #tpu.memory_space<hbm>> -> memref<100000x128xf32, #tpu.memory_space<hbm>>
        tpu.enqueue_indirect_dma source(%dma_start3A_499 : memref<100000x128xf32, #tpu.memory_space<hbm>>) target(%arg8 : memref<320x128xf32, #tpu.memory_space<vmem>>) offsets(%arg6 : memref<320xi32, #tpu.memory_space<vmem>>) semaphore(%arg16 : memref<!tpu.dma_semaphore, #tpu.memory_space<semaphore_mem>>)
      } else {
      }
      %iota3A = tpu.iota {dimensions = array<i32: 0>} : vector<16xi32>
      %mul3A_48 = arith.constant 20 : i32
      %mul3A_49 = vector.broadcast %mul3A_48 : i32 to vector<16xi32>
      %mul3A_50 = arith.muli %iota3A, %mul3A_49 : vector<16xi32>
      %broadcast_in_dim3A = arith.constant 1.000000e+00 : f32
      %broadcast_in_dim3A_51 = vector.broadcast %broadcast_in_dim3A : f32 to vector<16xf32>
      %broadcast_in_dim3A_52 = arith.constant 0.000000e+00 : f32
      %broadcast_in_dim3A_53 = vector.broadcast %broadcast_in_dim3A_52 : f32 to vector<16xf32>
      %add3A_54 = arith.constant 0 : i32
      %add3A_55 = vector.broadcast %add3A_54 : i32 to vector<16xi32>
      %add3A_56 = arith.addi %mul3A_50, %add3A_55 : vector<16xi32>
      %gather3A = tpu.vector_load_idx %arg5[%add3A_56] : memref<320xi32, #tpu.memory_space<vmem>>[vector<16xi32>], vector<16xi32>,
      %eq3A = arith.constant 0 : i32
      %eq3A_57 = vector.broadcast %eq3A : i32 to vector<16xi32>
      %eq3A_58 = arith.cmpi eq, %gather3A, %eq3A_57 : vector<16xi32>
      %select_n3A = arith.select %eq3A_58, %broadcast_in_dim3A_51, %broadcast_in_dim3A_53 : vector<16xi1>, vector<16xf32>
      %add3A_59 = arith.addf %broadcast_in_dim3A_53, %select_n3A : vector<16xf32>
      %add3A_60 = arith.constant 1 : i32
      %add3A_61 = vector.broadcast %add3A_60 : i32 to vector<16xi32>
      %add3A_62 = arith.addi %mul3A_50, %add3A_61 : vector<16xi32>
      %gather3A_63 = tpu.vector_load_idx %arg5[%add3A_62] : memref<320xi32, #tpu.memory_space<vmem>>[vector<16xi32>], vector<16xi32>,
      %eq3A_64 = arith.constant 0 : i32
      %eq3A_65 = vector.broadcast %eq3A_64 : i32 to vector<16xi32>
      %eq3A_66 = arith.cmpi eq, %gather3A_63, %eq3A_65 : vector<16xi32>
      %select_n3A_67 = arith.select %eq3A_66, %broadcast_in_dim3A_51, %broadcast_in_dim3A_53 : vector<16xi1>, vector<16xf32>
      %add3A_68 = arith.addf %add3A_59, %select_n3A_67 : vector<16xf32>
      %add3A_69 = arith.constant 2 : i32
      %add3A_70 = vector.broadcast %add3A_69 : i32 to vector<16xi32>
      %add3A_71 = arith.addi %mul3A_50, %add3A_70 : vector<16xi32>
      %gather3A_72 = tpu.vector_load_idx %arg5[%add3A_71] : memref<320xi32, #tpu.memory_space<vmem>>[vector<16xi32>], vector<16xi32>,
      %eq3A_73 = arith.constant 0 : i32
      %eq3A_74 = vector.broadcast %eq3A_73 : i32 to vector<16xi32>
      %eq3A_75 = arith.cmpi eq, %gather3A_72, %eq3A_74 : vector<16xi32>
      %select_n3A_76 = arith.select %eq3A_75, %broadcast_in_dim3A_51, %broadcast_in_dim3A_53 : vector<16xi1>, vector<16xf32>
      %add3A_77 = arith.addf %add3A_68, %select_n3A_76 : vector<16xf32>
      %add3A_78 = arith.constant 3 : i32
      %add3A_79 = vector.broadcast %add3A_78 : i32 to vector<16xi32>
      %add3A_80 = arith.addi %mul3A_50, %add3A_79 : vector<16xi32>
      %gather3A_81 = tpu.vector_load_idx %arg5[%add3A_80] : memref<320xi32, #tpu.memory_space<vmem>>[vector<16xi32>], vector<16xi32>,
      %eq3A_82 = arith.constant 0 : i32
      %eq3A_83 = vector.broadcast %eq3A_82 : i32 to vector<16xi32>
      %eq3A_84 = arith.cmpi eq, %gather3A_81, %eq3A_83 : vector<16xi32>
      %select_n3A_85 = arith.select %eq3A_84, %broadcast_in_dim3A_51, %broadcast_in_dim3A_53 : vector<16xi1>, vector<16xf32>
      %add3A_86 = arith.addf %add3A_77, %select_n3A_85 : vector<16xf32>
      %add3A_87 = arith.constant 4 : i32
      %add3A_88 = vector.broadcast %add3A_87 : i32 to vector<16xi32>
      %add3A_89 = arith.addi %mul3A_50, %add3A_88 : vector<16xi32>
      %gather3A_90 = tpu.vector_load_idx %arg5[%add3A_89] : memref<320xi32, #tpu.memory_space<vmem>>[vector<16xi32>], vector<16xi32>,
      %eq3A_91 = arith.constant 0 : i32
      %eq3A_92 = vector.broadcast %eq3A_91 : i32 to vector<16xi32>
      %eq3A_93 = arith.cmpi eq, %gather3A_90, %eq3A_92 : vector<16xi32>
      %select_n3A_94 = arith.select %eq3A_93, %broadcast_in_dim3A_51, %broadcast_in_dim3A_53 : vector<16xi1>, vector<16xf32>
      %add3A_95 = arith.addf %add3A_86, %select_n3A_94 : vector<16xf32>
      %add3A_96 = arith.constant 5 : i32
      %add3A_97 = vector.broadcast %add3A_96 : i32 to vector<16xi32>
      %add3A_98 = arith.addi %mul3A_50, %add3A_97 : vector<16xi32>
      %gather3A_99 = tpu.vector_load_idx %arg5[%add3A_98] : memref<320xi32, #tpu.memory_space<vmem>>[vector<16xi32>], vector<16xi32>,
      %eq3A_100 = arith.constant 0 : i32
      %eq3A_101 = vector.broadcast %eq3A_100 : i32 to vector<16xi32>
      %eq3A_102 = arith.cmpi eq, %gather3A_99, %eq3A_101 : vector<16xi32>
      %select_n3A_103 = arith.select %eq3A_102, %broadcast_in_dim3A_51, %broadcast_in_dim3A_53 : vector<16xi1>, vector<16xf32>
      %add3A_104 = arith.addf %add3A_95, %select_n3A_103 : vector<16xf32>
      %add3A_105 = arith.constant 6 : i32
      %add3A_106 = vector.broadcast %add3A_105 : i32 to vector<16xi32>
      %add3A_107 = arith.addi %mul3A_50, %add3A_106 : vector<16xi32>
      %gather3A_108 = tpu.vector_load_idx %arg5[%add3A_107] : memref<320xi32, #tpu.memory_space<vmem>>[vector<16xi32>], vector<16xi32>,
      %eq3A_109 = arith.constant 0 : i32
      %eq3A_110 = vector.broadcast %eq3A_109 : i32 to vector<16xi32>
      %eq3A_111 = arith.cmpi eq, %gather3A_108, %eq3A_110 : vector<16xi32>
      %select_n3A_112 = arith.select %eq3A_111, %broadcast_in_dim3A_51, %broadcast_in_dim3A_53 : vector<16xi1>, vector<16xf32>
      %add3A_113 = arith.addf %add3A_104, %select_n3A_112 : vector<16xf32>
      %add3A_114 = arith.constant 7 : i32
      %add3A_115 = vector.broadcast %add3A_114 : i32 to vector<16xi32>
      %add3A_116 = arith.addi %mul3A_50, %add3A_115 : vector<16xi32>
      %gather3A_117 = tpu.vector_load_idx %arg5[%add3A_116] : memref<320xi32, #tpu.memory_space<vmem>>[vector<16xi32>], vector<16xi32>,
      %eq3A_118 = arith.constant 0 : i32
      %eq3A_119 = vector.broadcast %eq3A_118 : i32 to vector<16xi32>
      %eq3A_120 = arith.cmpi eq, %gather3A_117, %eq3A_119 : vector<16xi32>
      %select_n3A_121 = arith.select %eq3A_120, %broadcast_in_dim3A_51, %broadcast_in_dim3A_53 : vector<16xi1>, vector<16xf32>
      %add3A_122 = arith.addf %add3A_113, %select_n3A_121 : vector<16xf32>
      %add3A_123 = arith.constant 8 : i32
      %add3A_124 = vector.broadcast %add3A_123 : i32 to vector<16xi32>
      %add3A_125 = arith.addi %mul3A_50, %add3A_124 : vector<16xi32>
      %gather3A_126 = tpu.vector_load_idx %arg5[%add3A_125] : memref<320xi32, #tpu.memory_space<vmem>>[vector<16xi32>], vector<16xi32>,
      %eq3A_127 = arith.constant 0 : i32
      %eq3A_128 = vector.broadcast %eq3A_127 : i32 to vector<16xi32>
      %eq3A_129 = arith.cmpi eq, %gather3A_126, %eq3A_128 : vector<16xi32>
      %select_n3A_130 = arith.select %eq3A_129, %broadcast_in_dim3A_51, %broadcast_in_dim3A_53 : vector<16xi1>, vector<16xf32>
      %add3A_131 = arith.addf %add3A_122, %select_n3A_130 : vector<16xf32>
      %add3A_132 = arith.constant 9 : i32
      %add3A_133 = vector.broadcast %add3A_132 : i32 to vector<16xi32>
      %add3A_134 = arith.addi %mul3A_50, %add3A_133 : vector<16xi32>
      %gather3A_135 = tpu.vector_load_idx %arg5[%add3A_134] : memref<320xi32, #tpu.memory_space<vmem>>[vector<16xi32>], vector<16xi32>,
      %eq3A_136 = arith.constant 0 : i32
      %eq3A_137 = vector.broadcast %eq3A_136 : i32 to vector<16xi32>
      %eq3A_138 = arith.cmpi eq, %gather3A_135, %eq3A_137 : vector<16xi32>
      %select_n3A_139 = arith.select %eq3A_138, %broadcast_in_dim3A_51, %broadcast_in_dim3A_53 : vector<16xi1>, vector<16xf32>
      %add3A_140 = arith.addf %add3A_131, %select_n3A_139 : vector<16xf32>
      %add3A_141 = arith.constant 10 : i32
      %add3A_142 = vector.broadcast %add3A_141 : i32 to vector<16xi32>
      %add3A_143 = arith.addi %mul3A_50, %add3A_142 : vector<16xi32>
      %gather3A_144 = tpu.vector_load_idx %arg5[%add3A_143] : memref<320xi32, #tpu.memory_space<vmem>>[vector<16xi32>], vector<16xi32>,
      %eq3A_145 = arith.constant 0 : i32
      %eq3A_146 = vector.broadcast %eq3A_145 : i32 to vector<16xi32>
      %eq3A_147 = arith.cmpi eq, %gather3A_144, %eq3A_146 : vector<16xi32>
      %select_n3A_148 = arith.select %eq3A_147, %broadcast_in_dim3A_51, %broadcast_in_dim3A_53 : vector<16xi1>, vector<16xf32>
      %add3A_149 = arith.addf %add3A_140, %select_n3A_148 : vector<16xf32>
      %add3A_150 = arith.constant 11 : i32
      %add3A_151 = vector.broadcast %add3A_150 : i32 to vector<16xi32>
      %add3A_152 = arith.addi %mul3A_50, %add3A_151 : vector<16xi32>
      %gather3A_153 = tpu.vector_load_idx %arg5[%add3A_152] : memref<320xi32, #tpu.memory_space<vmem>>[vector<16xi32>], vector<16xi32>,
      %eq3A_154 = arith.constant 0 : i32
      %eq3A_155 = vector.broadcast %eq3A_154 : i32 to vector<16xi32>
      %eq3A_156 = arith.cmpi eq, %gather3A_153, %eq3A_155 : vector<16xi32>
      %select_n3A_157 = arith.select %eq3A_156, %broadcast_in_dim3A_51, %broadcast_in_dim3A_53 : vector<16xi1>, vector<16xf32>
      %add3A_158 = arith.addf %add3A_149, %select_n3A_157 : vector<16xf32>
      %add3A_159 = arith.constant 12 : i32
      %add3A_160 = vector.broadcast %add3A_159 : i32 to vector<16xi32>
      %add3A_161 = arith.addi %mul3A_50, %add3A_160 : vector<16xi32>
      %gather3A_162 = tpu.vector_load_idx %arg5[%add3A_161] : memref<320xi32, #tpu.memory_space<vmem>>[vector<16xi32>], vector<16xi32>,
      %eq3A_163 = arith.constant 0 : i32
      %eq3A_164 = vector.broadcast %eq3A_163 : i32 to vector<16xi32>
      %eq3A_165 = arith.cmpi eq, %gather3A_162, %eq3A_164 : vector<16xi32>
      %select_n3A_166 = arith.select %eq3A_165, %broadcast_in_dim3A_51, %broadcast_in_dim3A_53 : vector<16xi1>, vector<16xf32>
      %add3A_167 = arith.addf %add3A_158, %select_n3A_166 : vector<16xf32>
      %add3A_168 = arith.constant 13 : i32
      %add3A_169 = vector.broadcast %add3A_168 : i32 to vector<16xi32>
      %add3A_170 = arith.addi %mul3A_50, %add3A_169 : vector<16xi32>
      %gather3A_171 = tpu.vector_load_idx %arg5[%add3A_170] : memref<320xi32, #tpu.memory_space<vmem>>[vector<16xi32>], vector<16xi32>,
      %eq3A_172 = arith.constant 0 : i32
      %eq3A_173 = vector.broadcast %eq3A_172 : i32 to vector<16xi32>
      %eq3A_174 = arith.cmpi eq, %gather3A_171, %eq3A_173 : vector<16xi32>
      %select_n3A_175 = arith.select %eq3A_174, %broadcast_in_dim3A_51, %broadcast_in_dim3A_53 : vector<16xi1>, vector<16xf32>
      %add3A_176 = arith.addf %add3A_167, %select_n3A_175 : vector<16xf32>
      %add3A_177 = arith.constant 14 : i32
      %add3A_178 = vector.broadcast %add3A_177 : i32 to vector<16xi32>
      %add3A_179 = arith.addi %mul3A_50, %add3A_178 : vector<16xi32>
      %gather3A_180 = tpu.vector_load_idx %arg5[%add3A_179] : memref<320xi32, #tpu.memory_space<vmem>>[vector<16xi32>], vector<16xi32>,
      %eq3A_181 = arith.constant 0 : i32
      %eq3A_182 = vector.broadcast %eq3A_181 : i32 to vector<16xi32>
      %eq3A_183 = arith.cmpi eq, %gather3A_180, %eq3A_182 : vector<16xi32>
      %select_n3A_184 = arith.select %eq3A_183, %broadcast_in_dim3A_51, %broadcast_in_dim3A_53 : vector<16xi1>, vector<16xf32>
      %add3A_185 = arith.addf %add3A_176, %select_n3A_184 : vector<16xf32>
      %add3A_186 = arith.constant 15 : i32
      %add3A_187 = vector.broadcast %add3A_186 : i32 to vector<16xi32>
      %add3A_188 = arith.addi %mul3A_50, %add3A_187 : vector<16xi32>
      %gather3A_189 = tpu.vector_load_idx %arg5[%add3A_188] : memref<320xi32, #tpu.memory_space<vmem>>[vector<16xi32>], vector<16xi32>,
      %eq3A_190 = arith.constant 0 : i32
      %eq3A_191 = vector.broadcast %eq3A_190 : i32 to vector<16xi32>
      %eq3A_192 = arith.cmpi eq, %gather3A_189, %eq3A_191 : vector<16xi32>
      %select_n3A_193 = arith.select %eq3A_192, %broadcast_in_dim3A_51, %broadcast_in_dim3A_53 : vector<16xi1>, vector<16xf32>
      %add3A_194 = arith.addf %add3A_185, %select_n3A_193 : vector<16xf32>
      %add3A_195 = arith.constant 16 : i32
      %add3A_196 = vector.broadcast %add3A_195 : i32 to vector<16xi32>
      %add3A_197 = arith.addi %mul3A_50, %add3A_196 : vector<16xi32>
      %gather3A_198 = tpu.vector_load_idx %arg5[%add3A_197] : memref<320xi32, #tpu.memory_space<vmem>>[vector<16xi32>], vector<16xi32>,
      %eq3A_199 = arith.constant 0 : i32
      %eq3A_200 = vector.broadcast %eq3A_199 : i32 to vector<16xi32>
      %eq3A_201 = arith.cmpi eq, %gather3A_198, %eq3A_200 : vector<16xi32>
      %select_n3A_202 = arith.select %eq3A_201, %broadcast_in_dim3A_51, %broadcast_in_dim3A_53 : vector<16xi1>, vector<16xf32>
      %add3A_203 = arith.addf %add3A_194, %select_n3A_202 : vector<16xf32>
      %add3A_204 = arith.constant 17 : i32
      %add3A_205 = vector.broadcast %add3A_204 : i32 to vector<16xi32>
      %add3A_206 = arith.addi %mul3A_50, %add3A_205 : vector<16xi32>
      %gather3A_207 = tpu.vector_load_idx %arg5[%add3A_206] : memref<320xi32, #tpu.memory_space<vmem>>[vector<16xi32>], vector<16xi32>,
      %eq3A_208 = arith.constant 0 : i32
      %eq3A_209 = vector.broadcast %eq3A_208 : i32 to vector<16xi32>
      %eq3A_210 = arith.cmpi eq, %gather3A_207, %eq3A_209 : vector<16xi32>
      %select_n3A_211 = arith.select %eq3A_210, %broadcast_in_dim3A_51, %broadcast_in_dim3A_53 : vector<16xi1>, vector<16xf32>
      %add3A_212 = arith.addf %add3A_203, %select_n3A_211 : vector<16xf32>
      %add3A_213 = arith.constant 18 : i32
      %add3A_214 = vector.broadcast %add3A_213 : i32 to vector<16xi32>
      %add3A_215 = arith.addi %mul3A_50, %add3A_214 : vector<16xi32>
      %gather3A_216 = tpu.vector_load_idx %arg5[%add3A_215] : memref<320xi32, #tpu.memory_space<vmem>>[vector<16xi32>], vector<16xi32>,
      %eq3A_217 = arith.constant 0 : i32
      %eq3A_218 = vector.broadcast %eq3A_217 : i32 to vector<16xi32>
      %eq3A_219 = arith.cmpi eq, %gather3A_216, %eq3A_218 : vector<16xi32>
      %select_n3A_220 = arith.select %eq3A_219, %broadcast_in_dim3A_51, %broadcast_in_dim3A_53 : vector<16xi1>, vector<16xf32>
      %add3A_221 = arith.addf %add3A_212, %select_n3A_220 : vector<16xf32>
      %add3A_222 = arith.constant 19 : i32
      %add3A_223 = vector.broadcast %add3A_222 : i32 to vector<16xi32>
      %add3A_224 = arith.addi %mul3A_50, %add3A_223 : vector<16xi32>
      %gather3A_225 = tpu.vector_load_idx %arg5[%add3A_224] : memref<320xi32, #tpu.memory_space<vmem>>[vector<16xi32>], vector<16xi32>,
      %eq3A_226 = arith.constant 0 : i32
      %eq3A_227 = vector.broadcast %eq3A_226 : i32 to vector<16xi32>
      %eq3A_228 = arith.cmpi eq, %gather3A_225, %eq3A_227 : vector<16xi32>
      %select_n3A_229 = arith.select %eq3A_228, %broadcast_in_dim3A_51, %broadcast_in_dim3A_53 : vector<16xi1>, vector<16xf32>
      %add3A_230 = arith.addf %add3A_221, %select_n3A_229 : vector<16xf32>
      %swap3A = arith.constant 0 : index
      %swap3A_231 = tpu.vector_load %arg12[%swap3A] {strides = array<i32>} : memref<16xf32, #tpu.memory_space<vmem>>, vector<16xf32>,
      tpu.vector_store %arg12[%swap3A], %add3A_230 {strides = array<i32>} : memref<16xf32, #tpu.memory_space<vmem>>, vector<16xf32>,
      %dma_wait3A_232 = arith.constant 0 : i32
      %dma_wait3A_233 = arith.constant 0 : i32
      %dma_wait3A_234 = tpu.memref_slice %arg3[%dma_wait3A_232, %dma_wait3A_233] : memref<100000x128xf32, #tpu.memory_space<hbm>> -> memref<100000x128xf32, #tpu.memory_space<hbm>>
      tpu.wait_indirect_dma semaphore(%arg15 : memref<!tpu.dma_semaphore, #tpu.memory_space<semaphore_mem>>) src(%dma_wait3A_234 : memref<100000x128xf32, #tpu.memory_space<hbm>>) dst(%arg7 : memref<320x128xf32, #tpu.memory_space<vmem>>)
      %add3A_235 = arith.constant 2 : i32
      %add3A_236 = arith.addi %add3A_43, %add3A_235 : i32
      %lt3A_237 = arith.constant 32 : i32
      %lt3A_238 = arith.cmpi slt, %add3A_236, %lt3A_237 : i32
      %convert_element_type3A_239 = arith.extui %lt3A_238 : i1 to i32
      %cond3A_240 = arith.constant 0 : i32
      %cond3A_241 = arith.cmpi ne, %convert_element_type3A_239, %cond3A_240 : i32
      scf.if %cond3A_241 {
        %add3A_488 = arith.constant 2 : i32
        %add3A_489 = arith.addi %add3A_43, %add3A_488 : i32
        %mul3A_490 = arith.constant 16 : i32
        %mul3A_491 = arith.muli %add3A_489, %mul3A_490 : i32
        %add3A_492 = arith.addi %mul3A_2, %mul3A_491 : i32
        %mul3A_493 = arith.constant 20 : i32
        %mul3A_494 = arith.muli %add3A_492, %mul3A_493 : i32
        %dma_start3A_495 = tpu.memref_slice %arg2[%mul3A_494] : memref<327680xi32, #tpu.memory_space<hbm>> -> memref<320xi32, #tpu.memory_space<hbm>>
        %dma_start3A_496 = tpu.memref_slice %arg2[%mul3A_494] : memref<327680xi32, #tpu.memory_space<hbm>> -> memref<320xi32, #tpu.memory_space<hbm>>
        tpu.enqueue_dma source(%dma_start3A_496 : memref<320xi32, #tpu.memory_space<hbm>>) target(%arg5 : memref<320xi32, #tpu.memory_space<vmem>>) target_semaphore(%arg13 : memref<!tpu.dma_semaphore, #tpu.memory_space<semaphore_mem>>)
      } else {
      }
      %ge3A = arith.constant 2 : i32
      %ge3A_242 = arith.cmpi sge, %add3A_43, %ge3A : i32
      %convert_element_type3A_243 = arith.extui %ge3A_242 : i1 to i32
      %cond3A_244 = arith.constant 0 : i32
      %cond3A_245 = arith.cmpi ne, %convert_element_type3A_243, %cond3A_244 : i32
      scf.if %cond3A_245 {
        %mul3A_488 = arith.constant 16 : i32
        %mul3A_489 = arith.muli %add3A_43, %mul3A_488 : i32
        %add3A_490 = arith.addi %mul3A_2, %mul3A_489 : i32
        %dma_wait3A_491 = arith.constant 0 : i32
        %dma_wait3A_492 = tpu.memref_slice %arg4[%add3A_490, %dma_wait3A_491] : memref<16384x128xf32, #tpu.memory_space<hbm>> -> memref<16x128xf32, #tpu.memory_space<hbm>>
        %dma_wait3A_493 = arith.constant 0 : i32
        %dma_wait3A_494 = tpu.memref_slice %arg4[%add3A_490, %dma_wait3A_493] : memref<16384x128xf32, #tpu.memory_space<hbm>> -> memref<16x128xf32, #tpu.memory_space<hbm>>
        tpu.wait_dma2 semaphore(%arg17 : memref<!tpu.dma_semaphore, #tpu.memory_space<semaphore_mem>>) src(%arg9 : memref<16x128xf32, #tpu.memory_space<vmem>>) dst(%dma_wait3A_494 : memref<16x128xf32, #tpu.memory_space<hbm>>)
      } else {
      }
      %scan3A_246 = arith.constant 0 : i32
      %scan3A_247 = arith.constant 0 : i32
      %scan3A_248 = arith.constant 16 : i32
      %scan3A_249 = arith.addi %scan3A_247, %scan3A_248 : i32
      %scan3A_250 = arith.constant 1 : i32
      scf.for %scan3A_488 = %scan3A_247 to %scan3A_249 step %scan3A_250  : i32 {
        %mul3A_489 = arith.constant 20 : i32
        %mul3A_490 = arith.muli %scan3A_488, %mul3A_489 : i32
        %get3A = arith.constant 0 : index
        %get3A_491 = tpu.vector_load %arg12[%get3A] {strides = array<i32>} : memref<16xf32, #tpu.memory_space<vmem>>, vector<16xf32>,
        %broadcast_in_dim3A_492 = vector.broadcast %scan3A_488 : i32 to vector<16xi32>
        %lt3A_493 = arith.constant 0 : i32
        %lt3A_494 = vector.broadcast %lt3A_493 : i32 to vector<16xi32>
        %lt3A_495 = arith.cmpi slt, %broadcast_in_dim3A_492, %lt3A_494 : vector<16xi32>
        %add3A_496 = arith.constant 16 : i32
        %add3A_497 = vector.broadcast %add3A_496 : i32 to vector<16xi32>
        %add3A_498 = arith.addi %broadcast_in_dim3A_492, %add3A_497 : vector<16xi32>
        %select_n3A_499 = arith.select %lt3A_495, %add3A_498, %broadcast_in_dim3A_492 : vector<16xi1>, vector<16xi32>
        %broadcast_in_dim3A_500 = vector.shape_cast %select_n3A_499 : vector<16xi32> to vector<16x1xi32>
        %gather3A_501 = vector.shape_cast %broadcast_in_dim3A_500 : vector<16x1xi32> to vector<16xi32>
        %gather3A_502 = tpu.dynamic_gather %get3A_491[%gather3A_501] in [0] : vector<16xf32>, vector<16xi32> -> vector<16xf32>
        %get3A_503 = arith.index_cast %mul3A_490 : i32 to index
        %get3A_504 = arith.constant 0 : index
        %get3A_505 = tpu.vector_load %arg7[%get3A_503, %get3A_504] {strides = array<i32>} : memref<320x128xf32, #tpu.memory_space<vmem>>, vector<16xf32>,
        %get3A_506 = arith.index_cast %mul3A_490 : i32 to index
        %get3A_507 = arith.constant 16 : index
        %get3A_508 = tpu.vector_load %arg7[%get3A_506, %get3A_507] {strides = array<i32>} : memref<320x128xf32, #tpu.memory_space<vmem>>, vector<16xf32>,
        %get3A_509 = arith.index_cast %mul3A_490 : i32 to index
        %get3A_510 = arith.constant 32 : index
        %get3A_511 = tpu.vector_load %arg7[%get3A_509, %get3A_510] {strides = array<i32>} : memref<320x128xf32, #tpu.memory_space<vmem>>, vector<16xf32>,
        %get3A_512 = arith.index_cast %mul3A_490 : i32 to index
        %get3A_513 = arith.constant 48 : index
        %get3A_514 = tpu.vector_load %arg7[%get3A_512, %get3A_513] {strides = array<i32>} : memref<320x128xf32, #tpu.memory_space<vmem>>, vector<16xf32>,
        %add3A_515 = arith.constant 1 : i32
        %add3A_516 = arith.addi %mul3A_490, %add3A_515 : i32
        %get3A_517 = arith.index_cast %add3A_516 : i32 to index
        %get3A_518 = arith.constant 0 : index
        %get3A_519 = tpu.vector_load %arg7[%get3A_517, %get3A_518] {strides = array<i32>} : memref<320x128xf32, #tpu.memory_space<vmem>>, vector<16xf32>,
        %add3A_520 = arith.addf %get3A_505, %get3A_519 : vector<16xf32>
        %add3A_521 = arith.constant 1 : i32
        %add3A_522 = arith.addi %mul3A_490, %add3A_521 : i32
        %get3A_523 = arith.index_cast %add3A_522 : i32 to index
        %get3A_524 = arith.constant 16 : index
        %get3A_525 = tpu.vector_load %arg7[%get3A_523, %get3A_524] {strides = array<i32>} : memref<320x128xf32, #tpu.memory_space<vmem>>, vector<16xf32>,
        %add3A_526 = arith.addf %get3A_508, %get3A_525 : vector<16xf32>
        %add3A_527 = arith.constant 1 : i32
        %add3A_528 = arith.addi %mul3A_490, %add3A_527 : i32
        %get3A_529 = arith.index_cast %add3A_528 : i32 to index
        %get3A_530 = arith.constant 32 : index
        %get3A_531 = tpu.vector_load %arg7[%get3A_529, %get3A_530] {strides = array<i32>} : memref<320x128xf32, #tpu.memory_space<vmem>>, vector<16xf32>,
        %add3A_532 = arith.addf %get3A_511, %get3A_531 : vector<16xf32>
        %add3A_533 = arith.constant 1 : i32
        %add3A_534 = arith.addi %mul3A_490, %add3A_533 : i32
        %get3A_535 = arith.index_cast %add3A_534 : i32 to index
        %get3A_536 = arith.constant 48 : index
        %get3A_537 = tpu.vector_load %arg7[%get3A_535, %get3A_536] {strides = array<i32>} : memref<320x128xf32, #tpu.memory_space<vmem>>, vector<16xf32>,
        %add3A_538 = arith.addf %get3A_514, %get3A_537 : vector<16xf32>
        %add3A_539 = arith.constant 2 : i32
        %add3A_540 = arith.addi %mul3A_490, %add3A_539 : i32
        %get3A_541 = arith.index_cast %add3A_540 : i32 to index
        %get3A_542 = arith.constant 0 : index
        %get3A_543 = tpu.vector_load %arg7[%get3A_541, %get3A_542] {strides = array<i32>} : memref<320x128xf32, #tpu.memory_space<vmem>>, vector<16xf32>,
        %add3A_544 = arith.addf %add3A_520, %get3A_543 : vector<16xf32>
        %add3A_545 = arith.constant 2 : i32
        %add3A_546 = arith.addi %mul3A_490, %add3A_545 : i32
        %get3A_547 = arith.index_cast %add3A_546 : i32 to index
        %get3A_548 = arith.constant 16 : index
        %get3A_549 = tpu.vector_load %arg7[%get3A_547, %get3A_548] {strides = array<i32>} : memref<320x128xf32, #tpu.memory_space<vmem>>, vector<16xf32>,
        %add3A_550 = arith.addf %add3A_526, %get3A_549 : vector<16xf32>
        %add3A_551 = arith.constant 2 : i32
        %add3A_552 = arith.addi %mul3A_490, %add3A_551 : i32
        %get3A_553 = arith.index_cast %add3A_552 : i32 to index
        %get3A_554 = arith.constant 32 : index
        %get3A_555 = tpu.vector_load %arg7[%get3A_553, %get3A_554] {strides = array<i32>} : memref<320x128xf32, #tpu.memory_space<vmem>>, vector<16xf32>,
        %add3A_556 = arith.addf %add3A_532, %get3A_555 : vector<16xf32>
        %add3A_557 = arith.constant 2 : i32
        %add3A_558 = arith.addi %mul3A_490, %add3A_557 : i32
        %get3A_559 = arith.index_cast %add3A_558 : i32 to index
        %get3A_560 = arith.constant 48 : index
        %get3A_561 = tpu.vector_load %arg7[%get3A_559, %get3A_560] {strides = array<i32>} : memref<320x128xf32, #tpu.memory_space<vmem>>, vector<16xf32>,
        %add3A_562 = arith.addf %add3A_538, %get3A_561 : vector<16xf32>
        %add3A_563 = arith.constant 3 : i32
        %add3A_564 = arith.addi %mul3A_490, %add3A_563 : i32
        %get3A_565 = arith.index_cast %add3A_564 : i32 to index
        %get3A_566 = arith.constant 0 : index
        %get3A_567 = tpu.vector_load %arg7[%get3A_565, %get3A_566] {strides = array<i32>} : memref<320x128xf32, #tpu.memory_space<vmem>>, vector<16xf32>,
        %add3A_568 = arith.addf %add3A_544, %get3A_567 : vector<16xf32>
        %add3A_569 = arith.constant 3 : i32
        %add3A_570 = arith.addi %mul3A_490, %add3A_569 : i32
        %get3A_571 = arith.index_cast %add3A_570 : i32 to index
        %get3A_572 = arith.constant 16 : index
        %get3A_573 = tpu.vector_load %arg7[%get3A_571, %get3A_572] {strides = array<i32>} : memref<320x128xf32, #tpu.memory_space<vmem>>, vector<16xf32>,
        %add3A_574 = arith.addf %add3A_550, %get3A_573 : vector<16xf32>
        %add3A_575 = arith.constant 3 : i32
        %add3A_576 = arith.addi %mul3A_490, %add3A_575 : i32
        %get3A_577 = arith.index_cast %add3A_576 : i32 to index
        %get3A_578 = arith.constant 32 : index
        %get3A_579 = tpu.vector_load %arg7[%get3A_577, %get3A_578] {strides = array<i32>} : memref<320x128xf32, #tpu.memory_space<vmem>>, vector<16xf32>,
        %add3A_580 = arith.addf %add3A_556, %get3A_579 : vector<16xf32>
        %add3A_581 = arith.constant 3 : i32
        %add3A_582 = arith.addi %mul3A_490, %add3A_581 : i32
        %get3A_583 = arith.index_cast %add3A_582 : i32 to index
        %get3A_584 = arith.constant 48 : index
        %get3A_585 = tpu.vector_load %arg7[%get3A_583, %get3A_584] {strides = array<i32>} : memref<320x128xf32, #tpu.memory_space<vmem>>, vector<16xf32>,
        %add3A_586 = arith.addf %add3A_562, %get3A_585 : vector<16xf32>
        %add3A_587 = arith.constant 4 : i32
        %add3A_588 = arith.addi %mul3A_490, %add3A_587 : i32
        %get3A_589 = arith.index_cast %add3A_588 : i32 to index
        %get3A_590 = arith.constant 0 : index
        %get3A_591 = tpu.vector_load %arg7[%get3A_589, %get3A_590] {strides = array<i32>} : memref<320x128xf32, #tpu.memory_space<vmem>>, vector<16xf32>,
        %add3A_592 = arith.addf %add3A_568, %get3A_591 : vector<16xf32>
        %add3A_593 = arith.constant 4 : i32
        %add3A_594 = arith.addi %mul3A_490, %add3A_593 : i32
        %get3A_595 = arith.index_cast %add3A_594 : i32 to index
        %get3A_596 = arith.constant 16 : index
        %get3A_597 = tpu.vector_load %arg7[%get3A_595, %get3A_596] {strides = array<i32>} : memref<320x128xf32, #tpu.memory_space<vmem>>, vector<16xf32>,
        %add3A_598 = arith.addf %add3A_574, %get3A_597 : vector<16xf32>
        %add3A_599 = arith.constant 4 : i32
        %add3A_600 = arith.addi %mul3A_490, %add3A_599 : i32
        %get3A_601 = arith.index_cast %add3A_600 : i32 to index
        %get3A_602 = arith.constant 32 : index
        %get3A_603 = tpu.vector_load %arg7[%get3A_601, %get3A_602] {strides = array<i32>} : memref<320x128xf32, #tpu.memory_space<vmem>>, vector<16xf32>,
        %add3A_604 = arith.addf %add3A_580, %get3A_603 : vector<16xf32>
        %add3A_605 = arith.constant 4 : i32
        %add3A_606 = arith.addi %mul3A_490, %add3A_605 : i32
        %get3A_607 = arith.index_cast %add3A_606 : i32 to index
        %get3A_608 = arith.constant 48 : index
        %get3A_609 = tpu.vector_load %arg7[%get3A_607, %get3A_608] {strides = array<i32>} : memref<320x128xf32, #tpu.memory_space<vmem>>, vector<16xf32>,
        %add3A_610 = arith.addf %add3A_586, %get3A_609 : vector<16xf32>
        %add3A_611 = arith.constant 5 : i32
        %add3A_612 = arith.addi %mul3A_490, %add3A_611 : i32
        %get3A_613 = arith.index_cast %add3A_612 : i32 to index
        %get3A_614 = arith.constant 0 : index
        %get3A_615 = tpu.vector_load %arg7[%get3A_613, %get3A_614] {strides = array<i32>} : memref<320x128xf32, #tpu.memory_space<vmem>>, vector<16xf32>,
        %add3A_616 = arith.addf %add3A_592, %get3A_615 : vector<16xf32>
        %add3A_617 = arith.constant 5 : i32
        %add3A_618 = arith.addi %mul3A_490, %add3A_617 : i32
        %get3A_619 = arith.index_cast %add3A_618 : i32 to index
        %get3A_620 = arith.constant 16 : index
        %get3A_621 = tpu.vector_load %arg7[%get3A_619, %get3A_620] {strides = array<i32>} : memref<320x128xf32, #tpu.memory_space<vmem>>, vector<16xf32>,
        %add3A_622 = arith.addf %add3A_598, %get3A_621 : vector<16xf32>
        %add3A_623 = arith.constant 5 : i32
        %add3A_624 = arith.addi %mul3A_490, %add3A_623 : i32
        %get3A_625 = arith.index_cast %add3A_624 : i32 to index
        %get3A_626 = arith.constant 32 : index
        %get3A_627 = tpu.vector_load %arg7[%get3A_625, %get3A_626] {strides = array<i32>} : memref<320x128xf32, #tpu.memory_space<vmem>>, vector<16xf32>,
        %add3A_628 = arith.addf %add3A_604, %get3A_627 : vector<16xf32>
        %add3A_629 = arith.constant 5 : i32
        %add3A_630 = arith.addi %mul3A_490, %add3A_629 : i32
        %get3A_631 = arith.index_cast %add3A_630 : i32 to index
        %get3A_632 = arith.constant 48 : index
        %get3A_633 = tpu.vector_load %arg7[%get3A_631, %get3A_632] {strides = array<i32>} : memref<320x128xf32, #tpu.memory_space<vmem>>, vector<16xf32>,
        %add3A_634 = arith.addf %add3A_610, %get3A_633 : vector<16xf32>
        %add3A_635 = arith.constant 6 : i32
        %add3A_636 = arith.addi %mul3A_490, %add3A_635 : i32
        %get3A_637 = arith.index_cast %add3A_636 : i32 to index
        %get3A_638 = arith.constant 0 : index
        %get3A_639 = tpu.vector_load %arg7[%get3A_637, %get3A_638] {strides = array<i32>} : memref<320x128xf32, #tpu.memory_space<vmem>>, vector<16xf32>,
        %add3A_640 = arith.addf %add3A_616, %get3A_639 : vector<16xf32>
        %add3A_641 = arith.constant 6 : i32
        %add3A_642 = arith.addi %mul3A_490, %add3A_641 : i32
        %get3A_643 = arith.index_cast %add3A_642 : i32 to index
        %get3A_644 = arith.constant 16 : index
        %get3A_645 = tpu.vector_load %arg7[%get3A_643, %get3A_644] {strides = array<i32>} : memref<320x128xf32, #tpu.memory_space<vmem>>, vector<16xf32>,
        %add3A_646 = arith.addf %add3A_622, %get3A_645 : vector<16xf32>
        %add3A_647 = arith.constant 6 : i32
        %add3A_648 = arith.addi %mul3A_490, %add3A_647 : i32
        %get3A_649 = arith.index_cast %add3A_648 : i32 to index
        %get3A_650 = arith.constant 32 : index
        %get3A_651 = tpu.vector_load %arg7[%get3A_649, %get3A_650] {strides = array<i32>} : memref<320x128xf32, #tpu.memory_space<vmem>>, vector<16xf32>,
        %add3A_652 = arith.addf %add3A_628, %get3A_651 : vector<16xf32>
        %add3A_653 = arith.constant 6 : i32
        %add3A_654 = arith.addi %mul3A_490, %add3A_653 : i32
        %get3A_655 = arith.index_cast %add3A_654 : i32 to index
        %get3A_656 = arith.constant 48 : index
        %get3A_657 = tpu.vector_load %arg7[%get3A_655, %get3A_656] {strides = array<i32>} : memref<320x128xf32, #tpu.memory_space<vmem>>, vector<16xf32>,
        %add3A_658 = arith.addf %add3A_634, %get3A_657 : vector<16xf32>
        %add3A_659 = arith.constant 7 : i32
        %add3A_660 = arith.addi %mul3A_490, %add3A_659 : i32
        %get3A_661 = arith.index_cast %add3A_660 : i32 to index
        %get3A_662 = arith.constant 0 : index
        %get3A_663 = tpu.vector_load %arg7[%get3A_661, %get3A_662] {strides = array<i32>} : memref<320x128xf32, #tpu.memory_space<vmem>>, vector<16xf32>,
        %add3A_664 = arith.addf %add3A_640, %get3A_663 : vector<16xf32>
        %add3A_665 = arith.constant 7 : i32
        %add3A_666 = arith.addi %mul3A_490, %add3A_665 : i32
        %get3A_667 = arith.index_cast %add3A_666 : i32 to index
        %get3A_668 = arith.constant 16 : index
        %get3A_669 = tpu.vector_load %arg7[%get3A_667, %get3A_668] {strides = array<i32>} : memref<320x128xf32, #tpu.memory_space<vmem>>, vector<16xf32>,
        %add3A_670 = arith.addf %add3A_646, %get3A_669 : vector<16xf32>
        %add3A_671 = arith.constant 7 : i32
        %add3A_672 = arith.addi %mul3A_490, %add3A_671 : i32
        %get3A_673 = arith.index_cast %add3A_672 : i32 to index
        %get3A_674 = arith.constant 32 : index
        %get3A_675 = tpu.vector_load %arg7[%get3A_673, %get3A_674] {strides = array<i32>} : memref<320x128xf32, #tpu.memory_space<vmem>>, vector<16xf32>,
        %add3A_676 = arith.addf %add3A_652, %get3A_675 : vector<16xf32>
        %add3A_677 = arith.constant 7 : i32
        %add3A_678 = arith.addi %mul3A_490, %add3A_677 : i32
        %get3A_679 = arith.index_cast %add3A_678 : i32 to index
        %get3A_680 = arith.constant 48 : index
        %get3A_681 = tpu.vector_load %arg7[%get3A_679, %get3A_680] {strides = array<i32>} : memref<320x128xf32, #tpu.memory_space<vmem>>, vector<16xf32>,
        %add3A_682 = arith.addf %add3A_658, %get3A_681 : vector<16xf32>
        %add3A_683 = arith.constant 8 : i32
        %add3A_684 = arith.addi %mul3A_490, %add3A_683 : i32
        %get3A_685 = arith.index_cast %add3A_684 : i32 to index
        %get3A_686 = arith.constant 0 : index
        %get3A_687 = tpu.vector_load %arg7[%get3A_685, %get3A_686] {strides = array<i32>} : memref<320x128xf32, #tpu.memory_space<vmem>>, vector<16xf32>,
        %add3A_688 = arith.addf %add3A_664, %get3A_687 : vector<16xf32>
        %add3A_689 = arith.constant 8 : i32
        %add3A_690 = arith.addi %mul3A_490, %add3A_689 : i32
        %get3A_691 = arith.index_cast %add3A_690 : i32 to index
        %get3A_692 = arith.constant 16 : index
        %get3A_693 = tpu.vector_load %arg7[%get3A_691, %get3A_692] {strides = array<i32>} : memref<320x128xf32, #tpu.memory_space<vmem>>, vector<16xf32>,
        %add3A_694 = arith.addf %add3A_670, %get3A_693 : vector<16xf32>
        %add3A_695 = arith.constant 8 : i32
        %add3A_696 = arith.addi %mul3A_490, %add3A_695 : i32
        %get3A_697 = arith.index_cast %add3A_696 : i32 to index
        %get3A_698 = arith.constant 32 : index
        %get3A_699 = tpu.vector_load %arg7[%get3A_697, %get3A_698] {strides = array<i32>} : memref<320x128xf32, #tpu.memory_space<vmem>>, vector<16xf32>,
        %add3A_700 = arith.addf %add3A_676, %get3A_699 : vector<16xf32>
        %add3A_701 = arith.constant 8 : i32
        %add3A_702 = arith.addi %mul3A_490, %add3A_701 : i32
        %get3A_703 = arith.index_cast %add3A_702 : i32 to index
        %get3A_704 = arith.constant 48 : index
        %get3A_705 = tpu.vector_load %arg7[%get3A_703, %get3A_704] {strides = array<i32>} : memref<320x128xf32, #tpu.memory_space<vmem>>, vector<16xf32>,
        %add3A_706 = arith.addf %add3A_682, %get3A_705 : vector<16xf32>
        %add3A_707 = arith.constant 9 : i32
        %add3A_708 = arith.addi %mul3A_490, %add3A_707 : i32
        %get3A_709 = arith.index_cast %add3A_708 : i32 to index
        %get3A_710 = arith.constant 0 : index
        %get3A_711 = tpu.vector_load %arg7[%get3A_709, %get3A_710] {strides = array<i32>} : memref<320x128xf32, #tpu.memory_space<vmem>>, vector<16xf32>,
        %add3A_712 = arith.addf %add3A_688, %get3A_711 : vector<16xf32>
        %add3A_713 = arith.constant 9 : i32
        %add3A_714 = arith.addi %mul3A_490, %add3A_713 : i32
        %get3A_715 = arith.index_cast %add3A_714 : i32 to index
        %get3A_716 = arith.constant 16 : index
        %get3A_717 = tpu.vector_load %arg7[%get3A_715, %get3A_716] {strides = array<i32>} : memref<320x128xf32, #tpu.memory_space<vmem>>, vector<16xf32>,
        %add3A_718 = arith.addf %add3A_694, %get3A_717 : vector<16xf32>
        %add3A_719 = arith.constant 9 : i32
        %add3A_720 = arith.addi %mul3A_490, %add3A_719 : i32
        %get3A_721 = arith.index_cast %add3A_720 : i32 to index
        %get3A_722 = arith.constant 32 : index
        %get3A_723 = tpu.vector_load %arg7[%get3A_721, %get3A_722] {strides = array<i32>} : memref<320x128xf32, #tpu.memory_space<vmem>>, vector<16xf32>,
        %add3A_724 = arith.addf %add3A_700, %get3A_723 : vector<16xf32>
        %add3A_725 = arith.constant 9 : i32
        %add3A_726 = arith.addi %mul3A_490, %add3A_725 : i32
        %get3A_727 = arith.index_cast %add3A_726 : i32 to index
        %get3A_728 = arith.constant 48 : index
        %get3A_729 = tpu.vector_load %arg7[%get3A_727, %get3A_728] {strides = array<i32>} : memref<320x128xf32, #tpu.memory_space<vmem>>, vector<16xf32>,
        %add3A_730 = arith.addf %add3A_706, %get3A_729 : vector<16xf32>
        %add3A_731 = arith.constant 10 : i32
        %add3A_732 = arith.addi %mul3A_490, %add3A_731 : i32
        %get3A_733 = arith.index_cast %add3A_732 : i32 to index
        %get3A_734 = arith.constant 0 : index
        %get3A_735 = tpu.vector_load %arg7[%get3A_733, %get3A_734] {strides = array<i32>} : memref<320x128xf32, #tpu.memory_space<vmem>>, vector<16xf32>,
        %add3A_736 = arith.addf %add3A_712, %get3A_735 : vector<16xf32>
        %add3A_737 = arith.constant 10 : i32
        %add3A_738 = arith.addi %mul3A_490, %add3A_737 : i32
        %get3A_739 = arith.index_cast %add3A_738 : i32 to index
        %get3A_740 = arith.constant 16 : index
        %get3A_741 = tpu.vector_load %arg7[%get3A_739, %get3A_740] {strides = array<i32>} : memref<320x128xf32, #tpu.memory_space<vmem>>, vector<16xf32>,
        %add3A_742 = arith.addf %add3A_718, %get3A_741 : vector<16xf32>
        %add3A_743 = arith.constant 10 : i32
        %add3A_744 = arith.addi %mul3A_490, %add3A_743 : i32
        %get3A_745 = arith.index_cast %add3A_744 : i32 to index
        %get3A_746 = arith.constant 32 : index
        %get3A_747 = tpu.vector_load %arg7[%get3A_745, %get3A_746] {strides = array<i32>} : memref<320x128xf32, #tpu.memory_space<vmem>>, vector<16xf32>,
        %add3A_748 = arith.addf %add3A_724, %get3A_747 : vector<16xf32>
        %add3A_749 = arith.constant 10 : i32
        %add3A_750 = arith.addi %mul3A_490, %add3A_749 : i32
        %get3A_751 = arith.index_cast %add3A_750 : i32 to index
        %get3A_752 = arith.constant 48 : index
        %get3A_753 = tpu.vector_load %arg7[%get3A_751, %get3A_752] {strides = array<i32>} : memref<320x128xf32, #tpu.memory_space<vmem>>, vector<16xf32>,
        %add3A_754 = arith.addf %add3A_730, %get3A_753 : vector<16xf32>
        %add3A_755 = arith.constant 11 : i32
        %add3A_756 = arith.addi %mul3A_490, %add3A_755 : i32
        %get3A_757 = arith.index_cast %add3A_756 : i32 to index
        %get3A_758 = arith.constant 0 : index
        %get3A_759 = tpu.vector_load %arg7[%get3A_757, %get3A_758] {strides = array<i32>} : memref<320x128xf32, #tpu.memory_space<vmem>>, vector<16xf32>,
        %add3A_760 = arith.addf %add3A_736, %get3A_759 : vector<16xf32>
        %add3A_761 = arith.constant 11 : i32
        %add3A_762 = arith.addi %mul3A_490, %add3A_761 : i32
        %get3A_763 = arith.index_cast %add3A_762 : i32 to index
        %get3A_764 = arith.constant 16 : index
        %get3A_765 = tpu.vector_load %arg7[%get3A_763, %get3A_764] {strides = array<i32>} : memref<320x128xf32, #tpu.memory_space<vmem>>, vector<16xf32>,
        %add3A_766 = arith.addf %add3A_742, %get3A_765 : vector<16xf32>
        %add3A_767 = arith.constant 11 : i32
        %add3A_768 = arith.addi %mul3A_490, %add3A_767 : i32
        %get3A_769 = arith.index_cast %add3A_768 : i32 to index
        %get3A_770 = arith.constant 32 : index
        %get3A_771 = tpu.vector_load %arg7[%get3A_769, %get3A_770] {strides = array<i32>} : memref<320x128xf32, #tpu.memory_space<vmem>>, vector<16xf32>,
        %add3A_772 = arith.addf %add3A_748, %get3A_771 : vector<16xf32>
        %add3A_773 = arith.constant 11 : i32
        %add3A_774 = arith.addi %mul3A_490, %add3A_773 : i32
        %get3A_775 = arith.index_cast %add3A_774 : i32 to index
        %get3A_776 = arith.constant 48 : index
        %get3A_777 = tpu.vector_load %arg7[%get3A_775, %get3A_776] {strides = array<i32>} : memref<320x128xf32, #tpu.memory_space<vmem>>, vector<16xf32>,
        %add3A_778 = arith.addf %add3A_754, %get3A_777 : vector<16xf32>
        %add3A_779 = arith.constant 12 : i32
        %add3A_780 = arith.addi %mul3A_490, %add3A_779 : i32
        %get3A_781 = arith.index_cast %add3A_780 : i32 to index
        %get3A_782 = arith.constant 0 : index
        %get3A_783 = tpu.vector_load %arg7[%get3A_781, %get3A_782] {strides = array<i32>} : memref<320x128xf32, #tpu.memory_space<vmem>>, vector<16xf32>,
        %add3A_784 = arith.addf %add3A_760, %get3A_783 : vector<16xf32>
        %add3A_785 = arith.constant 12 : i32
        %add3A_786 = arith.addi %mul3A_490, %add3A_785 : i32
        %get3A_787 = arith.index_cast %add3A_786 : i32 to index
        %get3A_788 = arith.constant 16 : index
        %get3A_789 = tpu.vector_load %arg7[%get3A_787, %get3A_788] {strides = array<i32>} : memref<320x128xf32, #tpu.memory_space<vmem>>, vector<16xf32>,
        %add3A_790 = arith.addf %add3A_766, %get3A_789 : vector<16xf32>
        %add3A_791 = arith.constant 12 : i32
        %add3A_792 = arith.addi %mul3A_490, %add3A_791 : i32
        %get3A_793 = arith.index_cast %add3A_792 : i32 to index
        %get3A_794 = arith.constant 32 : index
        %get3A_795 = tpu.vector_load %arg7[%get3A_793, %get3A_794] {strides = array<i32>} : memref<320x128xf32, #tpu.memory_space<vmem>>, vector<16xf32>,
        %add3A_796 = arith.addf %add3A_772, %get3A_795 : vector<16xf32>
        %add3A_797 = arith.constant 12 : i32
        %add3A_798 = arith.addi %mul3A_490, %add3A_797 : i32
        %get3A_799 = arith.index_cast %add3A_798 : i32 to index
        %get3A_800 = arith.constant 48 : index
        %get3A_801 = tpu.vector_load %arg7[%get3A_799, %get3A_800] {strides = array<i32>} : memref<320x128xf32, #tpu.memory_space<vmem>>, vector<16xf32>,
        %add3A_802 = arith.addf %add3A_778, %get3A_801 : vector<16xf32>
        %add3A_803 = arith.constant 13 : i32
        %add3A_804 = arith.addi %mul3A_490, %add3A_803 : i32
        %get3A_805 = arith.index_cast %add3A_804 : i32 to index
        %get3A_806 = arith.constant 0 : index
        %get3A_807 = tpu.vector_load %arg7[%get3A_805, %get3A_806] {strides = array<i32>} : memref<320x128xf32, #tpu.memory_space<vmem>>, vector<16xf32>,
        %add3A_808 = arith.addf %add3A_784, %get3A_807 : vector<16xf32>
        %add3A_809 = arith.constant 13 : i32
        %add3A_810 = arith.addi %mul3A_490, %add3A_809 : i32
        %get3A_811 = arith.index_cast %add3A_810 : i32 to index
        %get3A_812 = arith.constant 16 : index
        %get3A_813 = tpu.vector_load %arg7[%get3A_811, %get3A_812] {strides = array<i32>} : memref<320x128xf32, #tpu.memory_space<vmem>>, vector<16xf32>,
        %add3A_814 = arith.addf %add3A_790, %get3A_813 : vector<16xf32>
        %add3A_815 = arith.constant 13 : i32
        %add3A_816 = arith.addi %mul3A_490, %add3A_815 : i32
        %get3A_817 = arith.index_cast %add3A_816 : i32 to index
        %get3A_818 = arith.constant 32 : index
        %get3A_819 = tpu.vector_load %arg7[%get3A_817, %get3A_818] {strides = array<i32>} : memref<320x128xf32, #tpu.memory_space<vmem>>, vector<16xf32>,
        %add3A_820 = arith.addf %add3A_796, %get3A_819 : vector<16xf32>
        %add3A_821 = arith.constant 13 : i32
        %add3A_822 = arith.addi %mul3A_490, %add3A_821 : i32
        %get3A_823 = arith.index_cast %add3A_822 : i32 to index
        %get3A_824 = arith.constant 48 : index
        %get3A_825 = tpu.vector_load %arg7[%get3A_823, %get3A_824] {strides = array<i32>} : memref<320x128xf32, #tpu.memory_space<vmem>>, vector<16xf32>,
        %add3A_826 = arith.addf %add3A_802, %get3A_825 : vector<16xf32>
        %add3A_827 = arith.constant 14 : i32
        %add3A_828 = arith.addi %mul3A_490, %add3A_827 : i32
        %get3A_829 = arith.index_cast %add3A_828 : i32 to index
        %get3A_830 = arith.constant 0 : index
        %get3A_831 = tpu.vector_load %arg7[%get3A_829, %get3A_830] {strides = array<i32>} : memref<320x128xf32, #tpu.memory_space<vmem>>, vector<16xf32>,
        %add3A_832 = arith.addf %add3A_808, %get3A_831 : vector<16xf32>
        %add3A_833 = arith.constant 14 : i32
        %add3A_834 = arith.addi %mul3A_490, %add3A_833 : i32
        %get3A_835 = arith.index_cast %add3A_834 : i32 to index
        %get3A_836 = arith.constant 16 : index
        %get3A_837 = tpu.vector_load %arg7[%get3A_835, %get3A_836] {strides = array<i32>} : memref<320x128xf32, #tpu.memory_space<vmem>>, vector<16xf32>,
        %add3A_838 = arith.addf %add3A_814, %get3A_837 : vector<16xf32>
        %add3A_839 = arith.constant 14 : i32
        %add3A_840 = arith.addi %mul3A_490, %add3A_839 : i32
        %get3A_841 = arith.index_cast %add3A_840 : i32 to index
        %get3A_842 = arith.constant 32 : index
        %get3A_843 = tpu.vector_load %arg7[%get3A_841, %get3A_842] {strides = array<i32>} : memref<320x128xf32, #tpu.memory_space<vmem>>, vector<16xf32>,
        %add3A_844 = arith.addf %add3A_820, %get3A_843 : vector<16xf32>
        %add3A_845 = arith.constant 14 : i32
        %add3A_846 = arith.addi %mul3A_490, %add3A_845 : i32
        %get3A_847 = arith.index_cast %add3A_846 : i32 to index
        %get3A_848 = arith.constant 48 : index
        %get3A_849 = tpu.vector_load %arg7[%get3A_847, %get3A_848] {strides = array<i32>} : memref<320x128xf32, #tpu.memory_space<vmem>>, vector<16xf32>,
        %add3A_850 = arith.addf %add3A_826, %get3A_849 : vector<16xf32>
        %add3A_851 = arith.constant 15 : i32
        %add3A_852 = arith.addi %mul3A_490, %add3A_851 : i32
        %get3A_853 = arith.index_cast %add3A_852 : i32 to index
        %get3A_854 = arith.constant 0 : index
        %get3A_855 = tpu.vector_load %arg7[%get3A_853, %get3A_854] {strides = array<i32>} : memref<320x128xf32, #tpu.memory_space<vmem>>, vector<16xf32>,
        %add3A_856 = arith.addf %add3A_832, %get3A_855 : vector<16xf32>
        %add3A_857 = arith.constant 15 : i32
        %add3A_858 = arith.addi %mul3A_490, %add3A_857 : i32
        %get3A_859 = arith.index_cast %add3A_858 : i32 to index
        %get3A_860 = arith.constant 16 : index
        %get3A_861 = tpu.vector_load %arg7[%get3A_859, %get3A_860] {strides = array<i32>} : memref<320x128xf32, #tpu.memory_space<vmem>>, vector<16xf32>,
        %add3A_862 = arith.addf %add3A_838, %get3A_861 : vector<16xf32>
        %add3A_863 = arith.constant 15 : i32
        %add3A_864 = arith.addi %mul3A_490, %add3A_863 : i32
        %get3A_865 = arith.index_cast %add3A_864 : i32 to index
        %get3A_866 = arith.constant 32 : index
        %get3A_867 = tpu.vector_load %arg7[%get3A_865, %get3A_866] {strides = array<i32>} : memref<320x128xf32, #tpu.memory_space<vmem>>, vector<16xf32>,
        %add3A_868 = arith.addf %add3A_844, %get3A_867 : vector<16xf32>
        %add3A_869 = arith.constant 15 : i32
        %add3A_870 = arith.addi %mul3A_490, %add3A_869 : i32
        %get3A_871 = arith.index_cast %add3A_870 : i32 to index
        %get3A_872 = arith.constant 48 : index
        %get3A_873 = tpu.vector_load %arg7[%get3A_871, %get3A_872] {strides = array<i32>} : memref<320x128xf32, #tpu.memory_space<vmem>>, vector<16xf32>,
        %add3A_874 = arith.addf %add3A_850, %get3A_873 : vector<16xf32>
        %add3A_875 = arith.constant 16 : i32
        %add3A_876 = arith.addi %mul3A_490, %add3A_875 : i32
        %get3A_877 = arith.index_cast %add3A_876 : i32 to index
        %get3A_878 = arith.constant 0 : index
        %get3A_879 = tpu.vector_load %arg7[%get3A_877, %get3A_878] {strides = array<i32>} : memref<320x128xf32, #tpu.memory_space<vmem>>, vector<16xf32>,
        %add3A_880 = arith.addf %add3A_856, %get3A_879 : vector<16xf32>
        %add3A_881 = arith.constant 16 : i32
        %add3A_882 = arith.addi %mul3A_490, %add3A_881 : i32
        %get3A_883 = arith.index_cast %add3A_882 : i32 to index
        %get3A_884 = arith.constant 16 : index
        %get3A_885 = tpu.vector_load %arg7[%get3A_883, %get3A_884] {strides = array<i32>} : memref<320x128xf32, #tpu.memory_space<vmem>>, vector<16xf32>,
        %add3A_886 = arith.addf %add3A_862, %get3A_885 : vector<16xf32>
        %add3A_887 = arith.constant 16 : i32
        %add3A_888 = arith.addi %mul3A_490, %add3A_887 : i32
        %get3A_889 = arith.index_cast %add3A_888 : i32 to index
        %get3A_890 = arith.constant 32 : index
        %get3A_891 = tpu.vector_load %arg7[%get3A_889, %get3A_890] {strides = array<i32>} : memref<320x128xf32, #tpu.memory_space<vmem>>, vector<16xf32>,
        %add3A_892 = arith.addf %add3A_868, %get3A_891 : vector<16xf32>
        %add3A_893 = arith.constant 16 : i32
        %add3A_894 = arith.addi %mul3A_490, %add3A_893 : i32
        %get3A_895 = arith.index_cast %add3A_894 : i32 to index
        %get3A_896 = arith.constant 48 : index
        %get3A_897 = tpu.vector_load %arg7[%get3A_895, %get3A_896] {strides = array<i32>} : memref<320x128xf32, #tpu.memory_space<vmem>>, vector<16xf32>,
        %add3A_898 = arith.addf %add3A_874, %get3A_897 : vector<16xf32>
        %add3A_899 = arith.constant 17 : i32
        %add3A_900 = arith.addi %mul3A_490, %add3A_899 : i32
        %get3A_901 = arith.index_cast %add3A_900 : i32 to index
        %get3A_902 = arith.constant 0 : index
        %get3A_903 = tpu.vector_load %arg7[%get3A_901, %get3A_902] {strides = array<i32>} : memref<320x128xf32, #tpu.memory_space<vmem>>, vector<16xf32>,
        %add3A_904 = arith.addf %add3A_880, %get3A_903 : vector<16xf32>
        %add3A_905 = arith.constant 17 : i32
        %add3A_906 = arith.addi %mul3A_490, %add3A_905 : i32
        %get3A_907 = arith.index_cast %add3A_906 : i32 to index
        %get3A_908 = arith.constant 16 : index
        %get3A_909 = tpu.vector_load %arg7[%get3A_907, %get3A_908] {strides = array<i32>} : memref<320x128xf32, #tpu.memory_space<vmem>>, vector<16xf32>,
        %add3A_910 = arith.addf %add3A_886, %get3A_909 : vector<16xf32>
        %add3A_911 = arith.constant 17 : i32
        %add3A_912 = arith.addi %mul3A_490, %add3A_911 : i32
        %get3A_913 = arith.index_cast %add3A_912 : i32 to index
        %get3A_914 = arith.constant 32 : index
        %get3A_915 = tpu.vector_load %arg7[%get3A_913, %get3A_914] {strides = array<i32>} : memref<320x128xf32, #tpu.memory_space<vmem>>, vector<16xf32>,
        %add3A_916 = arith.addf %add3A_892, %get3A_915 : vector<16xf32>
        %add3A_917 = arith.constant 17 : i32
        %add3A_918 = arith.addi %mul3A_490, %add3A_917 : i32
        %get3A_919 = arith.index_cast %add3A_918 : i32 to index
        %get3A_920 = arith.constant 48 : index
        %get3A_921 = tpu.vector_load %arg7[%get3A_919, %get3A_920] {strides = array<i32>} : memref<320x128xf32, #tpu.memory_space<vmem>>, vector<16xf32>,
        %add3A_922 = arith.addf %add3A_898, %get3A_921 : vector<16xf32>
        %add3A_923 = arith.constant 18 : i32
        %add3A_924 = arith.addi %mul3A_490, %add3A_923 : i32
        %get3A_925 = arith.index_cast %add3A_924 : i32 to index
        %get3A_926 = arith.constant 0 : index
        %get3A_927 = tpu.vector_load %arg7[%get3A_925, %get3A_926] {strides = array<i32>} : memref<320x128xf32, #tpu.memory_space<vmem>>, vector<16xf32>,
        %add3A_928 = arith.addf %add3A_904, %get3A_927 : vector<16xf32>
        %add3A_929 = arith.constant 18 : i32
        %add3A_930 = arith.addi %mul3A_490, %add3A_929 : i32
        %get3A_931 = arith.index_cast %add3A_930 : i32 to index
        %get3A_932 = arith.constant 16 : index
        %get3A_933 = tpu.vector_load %arg7[%get3A_931, %get3A_932] {strides = array<i32>} : memref<320x128xf32, #tpu.memory_space<vmem>>, vector<16xf32>,
        %add3A_934 = arith.addf %add3A_910, %get3A_933 : vector<16xf32>
        %add3A_935 = arith.constant 18 : i32
        %add3A_936 = arith.addi %mul3A_490, %add3A_935 : i32
        %get3A_937 = arith.index_cast %add3A_936 : i32 to index
        %get3A_938 = arith.constant 32 : index
        %get3A_939 = tpu.vector_load %arg7[%get3A_937, %get3A_938] {strides = array<i32>} : memref<320x128xf32, #tpu.memory_space<vmem>>, vector<16xf32>,
        %add3A_940 = arith.addf %add3A_916, %get3A_939 : vector<16xf32>
        %add3A_941 = arith.constant 18 : i32
        %add3A_942 = arith.addi %mul3A_490, %add3A_941 : i32
        %get3A_943 = arith.index_cast %add3A_942 : i32 to index
        %get3A_944 = arith.constant 48 : index
        %get3A_945 = tpu.vector_load %arg7[%get3A_943, %get3A_944] {strides = array<i32>} : memref<320x128xf32, #tpu.memory_space<vmem>>, vector<16xf32>,
        %add3A_946 = arith.addf %add3A_922, %get3A_945 : vector<16xf32>
        %add3A_947 = arith.constant 19 : i32
        %add3A_948 = arith.addi %mul3A_490, %add3A_947 : i32
        %get3A_949 = arith.index_cast %add3A_948 : i32 to index
        %get3A_950 = arith.constant 0 : index
        %get3A_951 = tpu.vector_load %arg7[%get3A_949, %get3A_950] {strides = array<i32>} : memref<320x128xf32, #tpu.memory_space<vmem>>, vector<16xf32>,
        %add3A_952 = arith.addf %add3A_928, %get3A_951 : vector<16xf32>
        %add3A_953 = arith.constant 19 : i32
        %add3A_954 = arith.addi %mul3A_490, %add3A_953 : i32
        %get3A_955 = arith.index_cast %add3A_954 : i32 to index
        %get3A_956 = arith.constant 16 : index
        %get3A_957 = tpu.vector_load %arg7[%get3A_955, %get3A_956] {strides = array<i32>} : memref<320x128xf32, #tpu.memory_space<vmem>>, vector<16xf32>,
        %add3A_958 = arith.addf %add3A_934, %get3A_957 : vector<16xf32>
        %add3A_959 = arith.constant 19 : i32
        %add3A_960 = arith.addi %mul3A_490, %add3A_959 : i32
        %get3A_961 = arith.index_cast %add3A_960 : i32 to index
        %get3A_962 = arith.constant 32 : index
        %get3A_963 = tpu.vector_load %arg7[%get3A_961, %get3A_962] {strides = array<i32>} : memref<320x128xf32, #tpu.memory_space<vmem>>, vector<16xf32>,
        %add3A_964 = arith.addf %add3A_940, %get3A_963 : vector<16xf32>
        %add3A_965 = arith.constant 19 : i32
        %add3A_966 = arith.addi %mul3A_490, %add3A_965 : i32
        %get3A_967 = arith.index_cast %add3A_966 : i32 to index
        %get3A_968 = arith.constant 48 : index
        %get3A_969 = tpu.vector_load %arg7[%get3A_967, %get3A_968] {strides = array<i32>} : memref<320x128xf32, #tpu.memory_space<vmem>>, vector<16xf32>,
        %add3A_970 = arith.addf %add3A_946, %get3A_969 : vector<16xf32>
        %get3A_971 = arith.constant 0 : i32
        %get3A_972 = arith.index_cast %get3A_971 : i32 to index
        %get3A_973 = arith.constant 0 : index
        %get3A_974 = tpu.vector_load %arg11[%get3A_972, %get3A_973] {strides = array<i32>} : memref<1x128xf32, #tpu.memory_space<vmem>>, vector<16xf32>,
        %mul3A_975 = arith.mulf %gather3A_502, %get3A_974 : vector<16xf32>
        %sub3A = arith.subf %add3A_952, %mul3A_975 : vector<16xf32>
        %swap3A_976 = arith.index_cast %scan3A_488 : i32 to index
        %swap3A_977 = arith.constant 0 : index
        %swap3A_978 = tpu.vector_load %arg9[%swap3A_976, %swap3A_977] {strides = array<i32>} : memref<16x128xf32, #tpu.memory_space<vmem>>, vector<16xf32>,
        tpu.vector_store %arg9[%swap3A_976, %swap3A_977], %sub3A {strides = array<i32>} : memref<16x128xf32, #tpu.memory_space<vmem>>, vector<16xf32>,
        %get3A_979 = arith.constant 0 : i32
        %get3A_980 = arith.index_cast %get3A_979 : i32 to index
        %get3A_981 = arith.constant 16 : index
        %get3A_982 = tpu.vector_load %arg11[%get3A_980, %get3A_981] {strides = array<i32>} : memref<1x128xf32, #tpu.memory_space<vmem>>, vector<16xf32>,
        %mul3A_983 = arith.mulf %gather3A_502, %get3A_982 : vector<16xf32>
        %sub3A_984 = arith.subf %add3A_958, %mul3A_983 : vector<16xf32>
        %swap3A_985 = arith.index_cast %scan3A_488 : i32 to index
        %swap3A_986 = arith.constant 16 : index
        %swap3A_987 = tpu.vector_load %arg9[%swap3A_985, %swap3A_986] {strides = array<i32>} : memref<16x128xf32, #tpu.memory_space<vmem>>, vector<16xf32>,
        tpu.vector_store %arg9[%swap3A_985, %swap3A_986], %sub3A_984 {strides = array<i32>} : memref<16x128xf32, #tpu.memory_space<vmem>>, vector<16xf32>,
        %get3A_988 = arith.constant 0 : i32
        %get3A_989 = arith.index_cast %get3A_988 : i32 to index
        %get3A_990 = arith.constant 32 : index
        %get3A_991 = tpu.vector_load %arg11[%get3A_989, %get3A_990] {strides = array<i32>} : memref<1x128xf32, #tpu.memory_space<vmem>>, vector<16xf32>,
        %mul3A_992 = arith.mulf %gather3A_502, %get3A_991 : vector<16xf32>
        %sub3A_993 = arith.subf %add3A_964, %mul3A_992 : vector<16xf32>
        %swap3A_994 = arith.index_cast %scan3A_488 : i32 to index
        %swap3A_995 = arith.constant 32 : index
        %swap3A_996 = tpu.vector_load %arg9[%swap3A_994, %swap3A_995] {strides = array<i32>} : memref<16x128xf32, #tpu.memory_space<vmem>>, vector<16xf32>,
        tpu.vector_store %arg9[%swap3A_994, %swap3A_995], %sub3A_993 {strides = array<i32>} : memref<16x128xf32, #tpu.memory_space<vmem>>, vector<16xf32>,
        %get3A_997 = arith.constant 0 : i32
        %get3A_998 = arith.index_cast %get3A_997 : i32 to index
        %get3A_999 = arith.constant 48 : index
        %get3A_1000 = tpu.vector_load %arg11[%get3A_998, %get3A_999] {strides = array<i32>} : memref<1x128xf32, #tpu.memory_space<vmem>>, vector<16xf32>,
        %mul3A_1001 = arith.mulf %gather3A_502, %get3A_1000 : vector<16xf32>
        %sub3A_1002 = arith.subf %add3A_970, %mul3A_1001 : vector<16xf32>
        %swap3A_1003 = arith.index_cast %scan3A_488 : i32 to index
        %swap3A_1004 = arith.constant 48 : index
        %swap3A_1005 = tpu.vector_load %arg9[%swap3A_1003, %swap3A_1004] {strides = array<i32>} : memref<16x128xf32, #tpu.memory_space<vmem>>, vector<16xf32>,
        tpu.vector_store %arg9[%swap3A_1003, %swap3A_1004], %sub3A_1002 {strides = array<i32>} : memref<16x128xf32, #tpu.memory_space<vmem>>, vector<16xf32>,
        %get3A_1006 = arith.index_cast %mul3A_490 : i32 to index
        %get3A_1007 = arith.constant 64 : index
        %get3A_1008 = tpu.vector_load %arg7[%get3A_1006, %get3A_1007] {strides = array<i32>} : memref<320x128xf32, #tpu.memory_space<vmem>>, vector<16xf32>,
        %get3A_1009 = arith.index_cast %mul3A_490 : i32 to index
        %get3A_1010 = arith.constant 80 : index
        %get3A_1011 = tpu.vector_load %arg7[%get3A_1009, %get3A_1010] {strides = array<i32>} : memref<320x128xf32, #tpu.memory_space<vmem>>, vector<16xf32>,
        %get3A_1012 = arith.index_cast %mul3A_490 : i32 to index
        %get3A_1013 = arith.constant 96 : index
        %get3A_1014 = tpu.vector_load %arg7[%get3A_1012, %get3A_1013] {strides = array<i32>} : memref<320x128xf32, #tpu.memory_space<vmem>>, vector<16xf32>,
        %get3A_1015 = arith.index_cast %mul3A_490 : i32 to index
        %get3A_1016 = arith.constant 112 : index
        %get3A_1017 = tpu.vector_load %arg7[%get3A_1015, %get3A_1016] {strides = array<i32>} : memref<320x128xf32, #tpu.memory_space<vmem>>, vector<16xf32>,
        %add3A_1018 = arith.constant 1 : i32
        %add3A_1019 = arith.addi %mul3A_490, %add3A_1018 : i32
        %get3A_1020 = arith.index_cast %add3A_1019 : i32 to index
        %get3A_1021 = arith.constant 64 : index
        %get3A_1022 = tpu.vector_load %arg7[%get3A_1020, %get3A_1021] {strides = array<i32>} : memref<320x128xf32, #tpu.memory_space<vmem>>, vector<16xf32>,
        %add3A_1023 = arith.addf %get3A_1008, %get3A_1022 : vector<16xf32>
        %add3A_1024 = arith.constant 1 : i32
        %add3A_1025 = arith.addi %mul3A_490, %add3A_1024 : i32
        %get3A_1026 = arith.index_cast %add3A_1025 : i32 to index
        %get3A_1027 = arith.constant 80 : index
        %get3A_1028 = tpu.vector_load %arg7[%get3A_1026, %get3A_1027] {strides = array<i32>} : memref<320x128xf32, #tpu.memory_space<vmem>>, vector<16xf32>,
        %add3A_1029 = arith.addf %get3A_1011, %get3A_1028 : vector<16xf32>
        %add3A_1030 = arith.constant 1 : i32
        %add3A_1031 = arith.addi %mul3A_490, %add3A_1030 : i32
        %get3A_1032 = arith.index_cast %add3A_1031 : i32 to index
        %get3A_1033 = arith.constant 96 : index
        %get3A_1034 = tpu.vector_load %arg7[%get3A_1032, %get3A_1033] {strides = array<i32>} : memref<320x128xf32, #tpu.memory_space<vmem>>, vector<16xf32>,
        %add3A_1035 = arith.addf %get3A_1014, %get3A_1034 : vector<16xf32>
        %add3A_1036 = arith.constant 1 : i32
        %add3A_1037 = arith.addi %mul3A_490, %add3A_1036 : i32
        %get3A_1038 = arith.index_cast %add3A_1037 : i32 to index
        %get3A_1039 = arith.constant 112 : index
        %get3A_1040 = tpu.vector_load %arg7[%get3A_1038, %get3A_1039] {strides = array<i32>} : memref<320x128xf32, #tpu.memory_space<vmem>>, vector<16xf32>,
        %add3A_1041 = arith.addf %get3A_1017, %get3A_1040 : vector<16xf32>
        %add3A_1042 = arith.constant 2 : i32
        %add3A_1043 = arith.addi %mul3A_490, %add3A_1042 : i32
        %get3A_1044 = arith.index_cast %add3A_1043 : i32 to index
        %get3A_1045 = arith.constant 64 : index
        %get3A_1046 = tpu.vector_load %arg7[%get3A_1044, %get3A_1045] {strides = array<i32>} : memref<320x128xf32, #tpu.memory_space<vmem>>, vector<16xf32>,
        %add3A_1047 = arith.addf %add3A_1023, %get3A_1046 : vector<16xf32>
        %add3A_1048 = arith.constant 2 : i32
        %add3A_1049 = arith.addi %mul3A_490, %add3A_1048 : i32
        %get3A_1050 = arith.index_cast %add3A_1049 : i32 to index
        %get3A_1051 = arith.constant 80 : index
        %get3A_1052 = tpu.vector_load %arg7[%get3A_1050, %get3A_1051] {strides = array<i32>} : memref<320x128xf32, #tpu.memory_space<vmem>>, vector<16xf32>,
        %add3A_1053 = arith.addf %add3A_1029, %get3A_1052 : vector<16xf32>
        %add3A_1054 = arith.constant 2 : i32
        %add3A_1055 = arith.addi %mul3A_490, %add3A_1054 : i32
        %get3A_1056 = arith.index_cast %add3A_1055 : i32 to index
        %get3A_1057 = arith.constant 96 : index
        %get3A_1058 = tpu.vector_load %arg7[%get3A_1056, %get3A_1057] {strides = array<i32>} : memref<320x128xf32, #tpu.memory_space<vmem>>, vector<16xf32>,
        %add3A_1059 = arith.addf %add3A_1035, %get3A_1058 : vector<16xf32>
        %add3A_1060 = arith.constant 2 : i32
        %add3A_1061 = arith.addi %mul3A_490, %add3A_1060 : i32
        %get3A_1062 = arith.index_cast %add3A_1061 : i32 to index
        %get3A_1063 = arith.constant 112 : index
        %get3A_1064 = tpu.vector_load %arg7[%get3A_1062, %get3A_1063] {strides = array<i32>} : memref<320x128xf32, #tpu.memory_space<vmem>>, vector<16xf32>,
        %add3A_1065 = arith.addf %add3A_1041, %get3A_1064 : vector<16xf32>
        %add3A_1066 = arith.constant 3 : i32
        %add3A_1067 = arith.addi %mul3A_490, %add3A_1066 : i32
        %get3A_1068 = arith.index_cast %add3A_1067 : i32 to index
        %get3A_1069 = arith.constant 64 : index
        %get3A_1070 = tpu.vector_load %arg7[%get3A_1068, %get3A_1069] {strides = array<i32>} : memref<320x128xf32, #tpu.memory_space<vmem>>, vector<16xf32>,
        %add3A_1071 = arith.addf %add3A_1047, %get3A_1070 : vector<16xf32>
        %add3A_1072 = arith.constant 3 : i32
        %add3A_1073 = arith.addi %mul3A_490, %add3A_1072 : i32
        %get3A_1074 = arith.index_cast %add3A_1073 : i32 to index
        %get3A_1075 = arith.constant 80 : index
        %get3A_1076 = tpu.vector_load %arg7[%get3A_1074, %get3A_1075] {strides = array<i32>} : memref<320x128xf32, #tpu.memory_space<vmem>>, vector<16xf32>,
        %add3A_1077 = arith.addf %add3A_1053, %get3A_1076 : vector<16xf32>
        %add3A_1078 = arith.constant 3 : i32
        %add3A_1079 = arith.addi %mul3A_490, %add3A_1078 : i32
        %get3A_1080 = arith.index_cast %add3A_1079 : i32 to index
        %get3A_1081 = arith.constant 96 : index
        %get3A_1082 = tpu.vector_load %arg7[%get3A_1080, %get3A_1081] {strides = array<i32>} : memref<320x128xf32, #tpu.memory_space<vmem>>, vector<16xf32>,
        %add3A_1083 = arith.addf %add3A_1059, %get3A_1082 : vector<16xf32>
        %add3A_1084 = arith.constant 3 : i32
        %add3A_1085 = arith.addi %mul3A_490, %add3A_1084 : i32
        %get3A_1086 = arith.index_cast %add3A_1085 : i32 to index
        %get3A_1087 = arith.constant 112 : index
        %get3A_1088 = tpu.vector_load %arg7[%get3A_1086, %get3A_1087] {strides = array<i32>} : memref<320x128xf32, #tpu.memory_space<vmem>>, vector<16xf32>,
        %add3A_1089 = arith.addf %add3A_1065, %get3A_1088 : vector<16xf32>
        %add3A_1090 = arith.constant 4 : i32
        %add3A_1091 = arith.addi %mul3A_490, %add3A_1090 : i32
        %get3A_1092 = arith.index_cast %add3A_1091 : i32 to index
        %get3A_1093 = arith.constant 64 : index
        %get3A_1094 = tpu.vector_load %arg7[%get3A_1092, %get3A_1093] {strides = array<i32>} : memref<320x128xf32, #tpu.memory_space<vmem>>, vector<16xf32>,
        %add3A_1095 = arith.addf %add3A_1071, %get3A_1094 : vector<16xf32>
        %add3A_1096 = arith.constant 4 : i32
        %add3A_1097 = arith.addi %mul3A_490, %add3A_1096 : i32
        %get3A_1098 = arith.index_cast %add3A_1097 : i32 to index
        %get3A_1099 = arith.constant 80 : index
        %get3A_1100 = tpu.vector_load %arg7[%get3A_1098, %get3A_1099] {strides = array<i32>} : memref<320x128xf32, #tpu.memory_space<vmem>>, vector<16xf32>,
        %add3A_1101 = arith.addf %add3A_1077, %get3A_1100 : vector<16xf32>
        %add3A_1102 = arith.constant 4 : i32
        %add3A_1103 = arith.addi %mul3A_490, %add3A_1102 : i32
        %get3A_1104 = arith.index_cast %add3A_1103 : i32 to index
        %get3A_1105 = arith.constant 96 : index
        %get3A_1106 = tpu.vector_load %arg7[%get3A_1104, %get3A_1105] {strides = array<i32>} : memref<320x128xf32, #tpu.memory_space<vmem>>, vector<16xf32>,
        %add3A_1107 = arith.addf %add3A_1083, %get3A_1106 : vector<16xf32>
        %add3A_1108 = arith.constant 4 : i32
        %add3A_1109 = arith.addi %mul3A_490, %add3A_1108 : i32
        %get3A_1110 = arith.index_cast %add3A_1109 : i32 to index
        %get3A_1111 = arith.constant 112 : index
        %get3A_1112 = tpu.vector_load %arg7[%get3A_1110, %get3A_1111] {strides = array<i32>} : memref<320x128xf32, #tpu.memory_space<vmem>>, vector<16xf32>,
        %add3A_1113 = arith.addf %add3A_1089, %get3A_1112 : vector<16xf32>
        %add3A_1114 = arith.constant 5 : i32
        %add3A_1115 = arith.addi %mul3A_490, %add3A_1114 : i32
        %get3A_1116 = arith.index_cast %add3A_1115 : i32 to index
        %get3A_1117 = arith.constant 64 : index
        %get3A_1118 = tpu.vector_load %arg7[%get3A_1116, %get3A_1117] {strides = array<i32>} : memref<320x128xf32, #tpu.memory_space<vmem>>, vector<16xf32>,
        %add3A_1119 = arith.addf %add3A_1095, %get3A_1118 : vector<16xf32>
        %add3A_1120 = arith.constant 5 : i32
        %add3A_1121 = arith.addi %mul3A_490, %add3A_1120 : i32
        %get3A_1122 = arith.index_cast %add3A_1121 : i32 to index
        %get3A_1123 = arith.constant 80 : index
        %get3A_1124 = tpu.vector_load %arg7[%get3A_1122, %get3A_1123] {strides = array<i32>} : memref<320x128xf32, #tpu.memory_space<vmem>>, vector<16xf32>,
        %add3A_1125 = arith.addf %add3A_1101, %get3A_1124 : vector<16xf32>
        %add3A_1126 = arith.constant 5 : i32
        %add3A_1127 = arith.addi %mul3A_490, %add3A_1126 : i32
        %get3A_1128 = arith.index_cast %add3A_1127 : i32 to index
        %get3A_1129 = arith.constant 96 : index
        %get3A_1130 = tpu.vector_load %arg7[%get3A_1128, %get3A_1129] {strides = array<i32>} : memref<320x128xf32, #tpu.memory_space<vmem>>, vector<16xf32>,
        %add3A_1131 = arith.addf %add3A_1107, %get3A_1130 : vector<16xf32>
        %add3A_1132 = arith.constant 5 : i32
        %add3A_1133 = arith.addi %mul3A_490, %add3A_1132 : i32
        %get3A_1134 = arith.index_cast %add3A_1133 : i32 to index
        %get3A_1135 = arith.constant 112 : index
        %get3A_1136 = tpu.vector_load %arg7[%get3A_1134, %get3A_1135] {strides = array<i32>} : memref<320x128xf32, #tpu.memory_space<vmem>>, vector<16xf32>,
        %add3A_1137 = arith.addf %add3A_1113, %get3A_1136 : vector<16xf32>
        %add3A_1138 = arith.constant 6 : i32
        %add3A_1139 = arith.addi %mul3A_490, %add3A_1138 : i32
        %get3A_1140 = arith.index_cast %add3A_1139 : i32 to index
        %get3A_1141 = arith.constant 64 : index
        %get3A_1142 = tpu.vector_load %arg7[%get3A_1140, %get3A_1141] {strides = array<i32>} : memref<320x128xf32, #tpu.memory_space<vmem>>, vector<16xf32>,
        %add3A_1143 = arith.addf %add3A_1119, %get3A_1142 : vector<16xf32>
        %add3A_1144 = arith.constant 6 : i32
        %add3A_1145 = arith.addi %mul3A_490, %add3A_1144 : i32
        %get3A_1146 = arith.index_cast %add3A_1145 : i32 to index
        %get3A_1147 = arith.constant 80 : index
        %get3A_1148 = tpu.vector_load %arg7[%get3A_1146, %get3A_1147] {strides = array<i32>} : memref<320x128xf32, #tpu.memory_space<vmem>>, vector<16xf32>,
        %add3A_1149 = arith.addf %add3A_1125, %get3A_1148 : vector<16xf32>
        %add3A_1150 = arith.constant 6 : i32
        %add3A_1151 = arith.addi %mul3A_490, %add3A_1150 : i32
        %get3A_1152 = arith.index_cast %add3A_1151 : i32 to index
        %get3A_1153 = arith.constant 96 : index
        %get3A_1154 = tpu.vector_load %arg7[%get3A_1152, %get3A_1153] {strides = array<i32>} : memref<320x128xf32, #tpu.memory_space<vmem>>, vector<16xf32>,
        %add3A_1155 = arith.addf %add3A_1131, %get3A_1154 : vector<16xf32>
        %add3A_1156 = arith.constant 6 : i32
        %add3A_1157 = arith.addi %mul3A_490, %add3A_1156 : i32
        %get3A_1158 = arith.index_cast %add3A_1157 : i32 to index
        %get3A_1159 = arith.constant 112 : index
        %get3A_1160 = tpu.vector_load %arg7[%get3A_1158, %get3A_1159] {strides = array<i32>} : memref<320x128xf32, #tpu.memory_space<vmem>>, vector<16xf32>,
        %add3A_1161 = arith.addf %add3A_1137, %get3A_1160 : vector<16xf32>
        %add3A_1162 = arith.constant 7 : i32
        %add3A_1163 = arith.addi %mul3A_490, %add3A_1162 : i32
        %get3A_1164 = arith.index_cast %add3A_1163 : i32 to index
        %get3A_1165 = arith.constant 64 : index
        %get3A_1166 = tpu.vector_load %arg7[%get3A_1164, %get3A_1165] {strides = array<i32>} : memref<320x128xf32, #tpu.memory_space<vmem>>, vector<16xf32>,
        %add3A_1167 = arith.addf %add3A_1143, %get3A_1166 : vector<16xf32>
        %add3A_1168 = arith.constant 7 : i32
        %add3A_1169 = arith.addi %mul3A_490, %add3A_1168 : i32
        %get3A_1170 = arith.index_cast %add3A_1169 : i32 to index
        %get3A_1171 = arith.constant 80 : index
        %get3A_1172 = tpu.vector_load %arg7[%get3A_1170, %get3A_1171] {strides = array<i32>} : memref<320x128xf32, #tpu.memory_space<vmem>>, vector<16xf32>,
        %add3A_1173 = arith.addf %add3A_1149, %get3A_1172 : vector<16xf32>
        %add3A_1174 = arith.constant 7 : i32
        %add3A_1175 = arith.addi %mul3A_490, %add3A_1174 : i32
        %get3A_1176 = arith.index_cast %add3A_1175 : i32 to index
        %get3A_1177 = arith.constant 96 : index
        %get3A_1178 = tpu.vector_load %arg7[%get3A_1176, %get3A_1177] {strides = array<i32>} : memref<320x128xf32, #tpu.memory_space<vmem>>, vector<16xf32>,
        %add3A_1179 = arith.addf %add3A_1155, %get3A_1178 : vector<16xf32>
        %add3A_1180 = arith.constant 7 : i32
        %add3A_1181 = arith.addi %mul3A_490, %add3A_1180 : i32
        %get3A_1182 = arith.index_cast %add3A_1181 : i32 to index
        %get3A_1183 = arith.constant 112 : index
        %get3A_1184 = tpu.vector_load %arg7[%get3A_1182, %get3A_1183] {strides = array<i32>} : memref<320x128xf32, #tpu.memory_space<vmem>>, vector<16xf32>,
        %add3A_1185 = arith.addf %add3A_1161, %get3A_1184 : vector<16xf32>
        %add3A_1186 = arith.constant 8 : i32
        %add3A_1187 = arith.addi %mul3A_490, %add3A_1186 : i32
        %get3A_1188 = arith.index_cast %add3A_1187 : i32 to index
        %get3A_1189 = arith.constant 64 : index
        %get3A_1190 = tpu.vector_load %arg7[%get3A_1188, %get3A_1189] {strides = array<i32>} : memref<320x128xf32, #tpu.memory_space<vmem>>, vector<16xf32>,
        %add3A_1191 = arith.addf %add3A_1167, %get3A_1190 : vector<16xf32>
        %add3A_1192 = arith.constant 8 : i32
        %add3A_1193 = arith.addi %mul3A_490, %add3A_1192 : i32
        %get3A_1194 = arith.index_cast %add3A_1193 : i32 to index
        %get3A_1195 = arith.constant 80 : index
        %get3A_1196 = tpu.vector_load %arg7[%get3A_1194, %get3A_1195] {strides = array<i32>} : memref<320x128xf32, #tpu.memory_space<vmem>>, vector<16xf32>,
        %add3A_1197 = arith.addf %add3A_1173, %get3A_1196 : vector<16xf32>
        %add3A_1198 = arith.constant 8 : i32
        %add3A_1199 = arith.addi %mul3A_490, %add3A_1198 : i32
        %get3A_1200 = arith.index_cast %add3A_1199 : i32 to index
        %get3A_1201 = arith.constant 96 : index
        %get3A_1202 = tpu.vector_load %arg7[%get3A_1200, %get3A_1201] {strides = array<i32>} : memref<320x128xf32, #tpu.memory_space<vmem>>, vector<16xf32>,
        %add3A_1203 = arith.addf %add3A_1179, %get3A_1202 : vector<16xf32>
        %add3A_1204 = arith.constant 8 : i32
        %add3A_1205 = arith.addi %mul3A_490, %add3A_1204 : i32
        %get3A_1206 = arith.index_cast %add3A_1205 : i32 to index
        %get3A_1207 = arith.constant 112 : index
        %get3A_1208 = tpu.vector_load %arg7[%get3A_1206, %get3A_1207] {strides = array<i32>} : memref<320x128xf32, #tpu.memory_space<vmem>>, vector<16xf32>,
        %add3A_1209 = arith.addf %add3A_1185, %get3A_1208 : vector<16xf32>
        %add3A_1210 = arith.constant 9 : i32
        %add3A_1211 = arith.addi %mul3A_490, %add3A_1210 : i32
        %get3A_1212 = arith.index_cast %add3A_1211 : i32 to index
        %get3A_1213 = arith.constant 64 : index
        %get3A_1214 = tpu.vector_load %arg7[%get3A_1212, %get3A_1213] {strides = array<i32>} : memref<320x128xf32, #tpu.memory_space<vmem>>, vector<16xf32>,
        %add3A_1215 = arith.addf %add3A_1191, %get3A_1214 : vector<16xf32>
        %add3A_1216 = arith.constant 9 : i32
        %add3A_1217 = arith.addi %mul3A_490, %add3A_1216 : i32
        %get3A_1218 = arith.index_cast %add3A_1217 : i32 to index
        %get3A_1219 = arith.constant 80 : index
        %get3A_1220 = tpu.vector_load %arg7[%get3A_1218, %get3A_1219] {strides = array<i32>} : memref<320x128xf32, #tpu.memory_space<vmem>>, vector<16xf32>,
        %add3A_1221 = arith.addf %add3A_1197, %get3A_1220 : vector<16xf32>
        %add3A_1222 = arith.constant 9 : i32
        %add3A_1223 = arith.addi %mul3A_490, %add3A_1222 : i32
        %get3A_1224 = arith.index_cast %add3A_1223 : i32 to index
        %get3A_1225 = arith.constant 96 : index
        %get3A_1226 = tpu.vector_load %arg7[%get3A_1224, %get3A_1225] {strides = array<i32>} : memref<320x128xf32, #tpu.memory_space<vmem>>, vector<16xf32>,
        %add3A_1227 = arith.addf %add3A_1203, %get3A_1226 : vector<16xf32>
        %add3A_1228 = arith.constant 9 : i32
        %add3A_1229 = arith.addi %mul3A_490, %add3A_1228 : i32
        %get3A_1230 = arith.index_cast %add3A_1229 : i32 to index
        %get3A_1231 = arith.constant 112 : index
        %get3A_1232 = tpu.vector_load %arg7[%get3A_1230, %get3A_1231] {strides = array<i32>} : memref<320x128xf32, #tpu.memory_space<vmem>>, vector<16xf32>,
        %add3A_1233 = arith.addf %add3A_1209, %get3A_1232 : vector<16xf32>
        %add3A_1234 = arith.constant 10 : i32
        %add3A_1235 = arith.addi %mul3A_490, %add3A_1234 : i32
        %get3A_1236 = arith.index_cast %add3A_1235 : i32 to index
        %get3A_1237 = arith.constant 64 : index
        %get3A_1238 = tpu.vector_load %arg7[%get3A_1236, %get3A_1237] {strides = array<i32>} : memref<320x128xf32, #tpu.memory_space<vmem>>, vector<16xf32>,
        %add3A_1239 = arith.addf %add3A_1215, %get3A_1238 : vector<16xf32>
        %add3A_1240 = arith.constant 10 : i32
        %add3A_1241 = arith.addi %mul3A_490, %add3A_1240 : i32
        %get3A_1242 = arith.index_cast %add3A_1241 : i32 to index
        %get3A_1243 = arith.constant 80 : index
        %get3A_1244 = tpu.vector_load %arg7[%get3A_1242, %get3A_1243] {strides = array<i32>} : memref<320x128xf32, #tpu.memory_space<vmem>>, vector<16xf32>,
        %add3A_1245 = arith.addf %add3A_1221, %get3A_1244 : vector<16xf32>
        %add3A_1246 = arith.constant 10 : i32
        %add3A_1247 = arith.addi %mul3A_490, %add3A_1246 : i32
        %get3A_1248 = arith.index_cast %add3A_1247 : i32 to index
        %get3A_1249 = arith.constant 96 : index
        %get3A_1250 = tpu.vector_load %arg7[%get3A_1248, %get3A_1249] {strides = array<i32>} : memref<320x128xf32, #tpu.memory_space<vmem>>, vector<16xf32>,
        %add3A_1251 = arith.addf %add3A_1227, %get3A_1250 : vector<16xf32>
        %add3A_1252 = arith.constant 10 : i32
        %add3A_1253 = arith.addi %mul3A_490, %add3A_1252 : i32
        %get3A_1254 = arith.index_cast %add3A_1253 : i32 to index
        %get3A_1255 = arith.constant 112 : index
        %get3A_1256 = tpu.vector_load %arg7[%get3A_1254, %get3A_1255] {strides = array<i32>} : memref<320x128xf32, #tpu.memory_space<vmem>>, vector<16xf32>,
        %add3A_1257 = arith.addf %add3A_1233, %get3A_1256 : vector<16xf32>
        %add3A_1258 = arith.constant 11 : i32
        %add3A_1259 = arith.addi %mul3A_490, %add3A_1258 : i32
        %get3A_1260 = arith.index_cast %add3A_1259 : i32 to index
        %get3A_1261 = arith.constant 64 : index
        %get3A_1262 = tpu.vector_load %arg7[%get3A_1260, %get3A_1261] {strides = array<i32>} : memref<320x128xf32, #tpu.memory_space<vmem>>, vector<16xf32>,
        %add3A_1263 = arith.addf %add3A_1239, %get3A_1262 : vector<16xf32>
        %add3A_1264 = arith.constant 11 : i32
        %add3A_1265 = arith.addi %mul3A_490, %add3A_1264 : i32
        %get3A_1266 = arith.index_cast %add3A_1265 : i32 to index
        %get3A_1267 = arith.constant 80 : index
        %get3A_1268 = tpu.vector_load %arg7[%get3A_1266, %get3A_1267] {strides = array<i32>} : memref<320x128xf32, #tpu.memory_space<vmem>>, vector<16xf32>,
        %add3A_1269 = arith.addf %add3A_1245, %get3A_1268 : vector<16xf32>
        %add3A_1270 = arith.constant 11 : i32
        %add3A_1271 = arith.addi %mul3A_490, %add3A_1270 : i32
        %get3A_1272 = arith.index_cast %add3A_1271 : i32 to index
        %get3A_1273 = arith.constant 96 : index
        %get3A_1274 = tpu.vector_load %arg7[%get3A_1272, %get3A_1273] {strides = array<i32>} : memref<320x128xf32, #tpu.memory_space<vmem>>, vector<16xf32>,
        %add3A_1275 = arith.addf %add3A_1251, %get3A_1274 : vector<16xf32>
        %add3A_1276 = arith.constant 11 : i32
        %add3A_1277 = arith.addi %mul3A_490, %add3A_1276 : i32
        %get3A_1278 = arith.index_cast %add3A_1277 : i32 to index
        %get3A_1279 = arith.constant 112 : index
        %get3A_1280 = tpu.vector_load %arg7[%get3A_1278, %get3A_1279] {strides = array<i32>} : memref<320x128xf32, #tpu.memory_space<vmem>>, vector<16xf32>,
        %add3A_1281 = arith.addf %add3A_1257, %get3A_1280 : vector<16xf32>
        %add3A_1282 = arith.constant 12 : i32
        %add3A_1283 = arith.addi %mul3A_490, %add3A_1282 : i32
        %get3A_1284 = arith.index_cast %add3A_1283 : i32 to index
        %get3A_1285 = arith.constant 64 : index
        %get3A_1286 = tpu.vector_load %arg7[%get3A_1284, %get3A_1285] {strides = array<i32>} : memref<320x128xf32, #tpu.memory_space<vmem>>, vector<16xf32>,
        %add3A_1287 = arith.addf %add3A_1263, %get3A_1286 : vector<16xf32>
        %add3A_1288 = arith.constant 12 : i32
        %add3A_1289 = arith.addi %mul3A_490, %add3A_1288 : i32
        %get3A_1290 = arith.index_cast %add3A_1289 : i32 to index
        %get3A_1291 = arith.constant 80 : index
        %get3A_1292 = tpu.vector_load %arg7[%get3A_1290, %get3A_1291] {strides = array<i32>} : memref<320x128xf32, #tpu.memory_space<vmem>>, vector<16xf32>,
        %add3A_1293 = arith.addf %add3A_1269, %get3A_1292 : vector<16xf32>
        %add3A_1294 = arith.constant 12 : i32
        %add3A_1295 = arith.addi %mul3A_490, %add3A_1294 : i32
        %get3A_1296 = arith.index_cast %add3A_1295 : i32 to index
        %get3A_1297 = arith.constant 96 : index
        %get3A_1298 = tpu.vector_load %arg7[%get3A_1296, %get3A_1297] {strides = array<i32>} : memref<320x128xf32, #tpu.memory_space<vmem>>, vector<16xf32>,
        %add3A_1299 = arith.addf %add3A_1275, %get3A_1298 : vector<16xf32>
        %add3A_1300 = arith.constant 12 : i32
        %add3A_1301 = arith.addi %mul3A_490, %add3A_1300 : i32
        %get3A_1302 = arith.index_cast %add3A_1301 : i32 to index
        %get3A_1303 = arith.constant 112 : index
        %get3A_1304 = tpu.vector_load %arg7[%get3A_1302, %get3A_1303] {strides = array<i32>} : memref<320x128xf32, #tpu.memory_space<vmem>>, vector<16xf32>,
        %add3A_1305 = arith.addf %add3A_1281, %get3A_1304 : vector<16xf32>
        %add3A_1306 = arith.constant 13 : i32
        %add3A_1307 = arith.addi %mul3A_490, %add3A_1306 : i32
        %get3A_1308 = arith.index_cast %add3A_1307 : i32 to index
        %get3A_1309 = arith.constant 64 : index
        %get3A_1310 = tpu.vector_load %arg7[%get3A_1308, %get3A_1309] {strides = array<i32>} : memref<320x128xf32, #tpu.memory_space<vmem>>, vector<16xf32>,
        %add3A_1311 = arith.addf %add3A_1287, %get3A_1310 : vector<16xf32>
        %add3A_1312 = arith.constant 13 : i32
        %add3A_1313 = arith.addi %mul3A_490, %add3A_1312 : i32
        %get3A_1314 = arith.index_cast %add3A_1313 : i32 to index
        %get3A_1315 = arith.constant 80 : index
        %get3A_1316 = tpu.vector_load %arg7[%get3A_1314, %get3A_1315] {strides = array<i32>} : memref<320x128xf32, #tpu.memory_space<vmem>>, vector<16xf32>,
        %add3A_1317 = arith.addf %add3A_1293, %get3A_1316 : vector<16xf32>
        %add3A_1318 = arith.constant 13 : i32
        %add3A_1319 = arith.addi %mul3A_490, %add3A_1318 : i32
        %get3A_1320 = arith.index_cast %add3A_1319 : i32 to index
        %get3A_1321 = arith.constant 96 : index
        %get3A_1322 = tpu.vector_load %arg7[%get3A_1320, %get3A_1321] {strides = array<i32>} : memref<320x128xf32, #tpu.memory_space<vmem>>, vector<16xf32>,
        %add3A_1323 = arith.addf %add3A_1299, %get3A_1322 : vector<16xf32>
        %add3A_1324 = arith.constant 13 : i32
        %add3A_1325 = arith.addi %mul3A_490, %add3A_1324 : i32
        %get3A_1326 = arith.index_cast %add3A_1325 : i32 to index
        %get3A_1327 = arith.constant 112 : index
        %get3A_1328 = tpu.vector_load %arg7[%get3A_1326, %get3A_1327] {strides = array<i32>} : memref<320x128xf32, #tpu.memory_space<vmem>>, vector<16xf32>,
        %add3A_1329 = arith.addf %add3A_1305, %get3A_1328 : vector<16xf32>
        %add3A_1330 = arith.constant 14 : i32
        %add3A_1331 = arith.addi %mul3A_490, %add3A_1330 : i32
        %get3A_1332 = arith.index_cast %add3A_1331 : i32 to index
        %get3A_1333 = arith.constant 64 : index
        %get3A_1334 = tpu.vector_load %arg7[%get3A_1332, %get3A_1333] {strides = array<i32>} : memref<320x128xf32, #tpu.memory_space<vmem>>, vector<16xf32>,
        %add3A_1335 = arith.addf %add3A_1311, %get3A_1334 : vector<16xf32>
        %add3A_1336 = arith.constant 14 : i32
        %add3A_1337 = arith.addi %mul3A_490, %add3A_1336 : i32
        %get3A_1338 = arith.index_cast %add3A_1337 : i32 to index
        %get3A_1339 = arith.constant 80 : index
        %get3A_1340 = tpu.vector_load %arg7[%get3A_1338, %get3A_1339] {strides = array<i32>} : memref<320x128xf32, #tpu.memory_space<vmem>>, vector<16xf32>,
        %add3A_1341 = arith.addf %add3A_1317, %get3A_1340 : vector<16xf32>
        %add3A_1342 = arith.constant 14 : i32
        %add3A_1343 = arith.addi %mul3A_490, %add3A_1342 : i32
        %get3A_1344 = arith.index_cast %add3A_1343 : i32 to index
        %get3A_1345 = arith.constant 96 : index
        %get3A_1346 = tpu.vector_load %arg7[%get3A_1344, %get3A_1345] {strides = array<i32>} : memref<320x128xf32, #tpu.memory_space<vmem>>, vector<16xf32>,
        %add3A_1347 = arith.addf %add3A_1323, %get3A_1346 : vector<16xf32>
        %add3A_1348 = arith.constant 14 : i32
        %add3A_1349 = arith.addi %mul3A_490, %add3A_1348 : i32
        %get3A_1350 = arith.index_cast %add3A_1349 : i32 to index
        %get3A_1351 = arith.constant 112 : index
        %get3A_1352 = tpu.vector_load %arg7[%get3A_1350, %get3A_1351] {strides = array<i32>} : memref<320x128xf32, #tpu.memory_space<vmem>>, vector<16xf32>,
        %add3A_1353 = arith.addf %add3A_1329, %get3A_1352 : vector<16xf32>
        %add3A_1354 = arith.constant 15 : i32
        %add3A_1355 = arith.addi %mul3A_490, %add3A_1354 : i32
        %get3A_1356 = arith.index_cast %add3A_1355 : i32 to index
        %get3A_1357 = arith.constant 64 : index
        %get3A_1358 = tpu.vector_load %arg7[%get3A_1356, %get3A_1357] {strides = array<i32>} : memref<320x128xf32, #tpu.memory_space<vmem>>, vector<16xf32>,
        %add3A_1359 = arith.addf %add3A_1335, %get3A_1358 : vector<16xf32>
        %add3A_1360 = arith.constant 15 : i32
        %add3A_1361 = arith.addi %mul3A_490, %add3A_1360 : i32
        %get3A_1362 = arith.index_cast %add3A_1361 : i32 to index
        %get3A_1363 = arith.constant 80 : index
        %get3A_1364 = tpu.vector_load %arg7[%get3A_1362, %get3A_1363] {strides = array<i32>} : memref<320x128xf32, #tpu.memory_space<vmem>>, vector<16xf32>,
        %add3A_1365 = arith.addf %add3A_1341, %get3A_1364 : vector<16xf32>
        %add3A_1366 = arith.constant 15 : i32
        %add3A_1367 = arith.addi %mul3A_490, %add3A_1366 : i32
        %get3A_1368 = arith.index_cast %add3A_1367 : i32 to index
        %get3A_1369 = arith.constant 96 : index
        %get3A_1370 = tpu.vector_load %arg7[%get3A_1368, %get3A_1369] {strides = array<i32>} : memref<320x128xf32, #tpu.memory_space<vmem>>, vector<16xf32>,
        %add3A_1371 = arith.addf %add3A_1347, %get3A_1370 : vector<16xf32>
        %add3A_1372 = arith.constant 15 : i32
        %add3A_1373 = arith.addi %mul3A_490, %add3A_1372 : i32
        %get3A_1374 = arith.index_cast %add3A_1373 : i32 to index
        %get3A_1375 = arith.constant 112 : index
        %get3A_1376 = tpu.vector_load %arg7[%get3A_1374, %get3A_1375] {strides = array<i32>} : memref<320x128xf32, #tpu.memory_space<vmem>>, vector<16xf32>,
        %add3A_1377 = arith.addf %add3A_1353, %get3A_1376 : vector<16xf32>
        %add3A_1378 = arith.constant 16 : i32
        %add3A_1379 = arith.addi %mul3A_490, %add3A_1378 : i32
        %get3A_1380 = arith.index_cast %add3A_1379 : i32 to index
        %get3A_1381 = arith.constant 64 : index
        %get3A_1382 = tpu.vector_load %arg7[%get3A_1380, %get3A_1381] {strides = array<i32>} : memref<320x128xf32, #tpu.memory_space<vmem>>, vector<16xf32>,
        %add3A_1383 = arith.addf %add3A_1359, %get3A_1382 : vector<16xf32>
        %add3A_1384 = arith.constant 16 : i32
        %add3A_1385 = arith.addi %mul3A_490, %add3A_1384 : i32
        %get3A_1386 = arith.index_cast %add3A_1385 : i32 to index
        %get3A_1387 = arith.constant 80 : index
        %get3A_1388 = tpu.vector_load %arg7[%get3A_1386, %get3A_1387] {strides = array<i32>} : memref<320x128xf32, #tpu.memory_space<vmem>>, vector<16xf32>,
        %add3A_1389 = arith.addf %add3A_1365, %get3A_1388 : vector<16xf32>
        %add3A_1390 = arith.constant 16 : i32
        %add3A_1391 = arith.addi %mul3A_490, %add3A_1390 : i32
        %get3A_1392 = arith.index_cast %add3A_1391 : i32 to index
        %get3A_1393 = arith.constant 96 : index
        %get3A_1394 = tpu.vector_load %arg7[%get3A_1392, %get3A_1393] {strides = array<i32>} : memref<320x128xf32, #tpu.memory_space<vmem>>, vector<16xf32>,
        %add3A_1395 = arith.addf %add3A_1371, %get3A_1394 : vector<16xf32>
        %add3A_1396 = arith.constant 16 : i32
        %add3A_1397 = arith.addi %mul3A_490, %add3A_1396 : i32
        %get3A_1398 = arith.index_cast %add3A_1397 : i32 to index
        %get3A_1399 = arith.constant 112 : index
        %get3A_1400 = tpu.vector_load %arg7[%get3A_1398, %get3A_1399] {strides = array<i32>} : memref<320x128xf32, #tpu.memory_space<vmem>>, vector<16xf32>,
        %add3A_1401 = arith.addf %add3A_1377, %get3A_1400 : vector<16xf32>
        %add3A_1402 = arith.constant 17 : i32
        %add3A_1403 = arith.addi %mul3A_490, %add3A_1402 : i32
        %get3A_1404 = arith.index_cast %add3A_1403 : i32 to index
        %get3A_1405 = arith.constant 64 : index
        %get3A_1406 = tpu.vector_load %arg7[%get3A_1404, %get3A_1405] {strides = array<i32>} : memref<320x128xf32, #tpu.memory_space<vmem>>, vector<16xf32>,
        %add3A_1407 = arith.addf %add3A_1383, %get3A_1406 : vector<16xf32>
        %add3A_1408 = arith.constant 17 : i32
        %add3A_1409 = arith.addi %mul3A_490, %add3A_1408 : i32
        %get3A_1410 = arith.index_cast %add3A_1409 : i32 to index
        %get3A_1411 = arith.constant 80 : index
        %get3A_1412 = tpu.vector_load %arg7[%get3A_1410, %get3A_1411] {strides = array<i32>} : memref<320x128xf32, #tpu.memory_space<vmem>>, vector<16xf32>,
        %add3A_1413 = arith.addf %add3A_1389, %get3A_1412 : vector<16xf32>
        %add3A_1414 = arith.constant 17 : i32
        %add3A_1415 = arith.addi %mul3A_490, %add3A_1414 : i32
        %get3A_1416 = arith.index_cast %add3A_1415 : i32 to index
        %get3A_1417 = arith.constant 96 : index
        %get3A_1418 = tpu.vector_load %arg7[%get3A_1416, %get3A_1417] {strides = array<i32>} : memref<320x128xf32, #tpu.memory_space<vmem>>, vector<16xf32>,
        %add3A_1419 = arith.addf %add3A_1395, %get3A_1418 : vector<16xf32>
        %add3A_1420 = arith.constant 17 : i32
        %add3A_1421 = arith.addi %mul3A_490, %add3A_1420 : i32
        %get3A_1422 = arith.index_cast %add3A_1421 : i32 to index
        %get3A_1423 = arith.constant 112 : index
        %get3A_1424 = tpu.vector_load %arg7[%get3A_1422, %get3A_1423] {strides = array<i32>} : memref<320x128xf32, #tpu.memory_space<vmem>>, vector<16xf32>,
        %add3A_1425 = arith.addf %add3A_1401, %get3A_1424 : vector<16xf32>
        %add3A_1426 = arith.constant 18 : i32
        %add3A_1427 = arith.addi %mul3A_490, %add3A_1426 : i32
        %get3A_1428 = arith.index_cast %add3A_1427 : i32 to index
        %get3A_1429 = arith.constant 64 : index
        %get3A_1430 = tpu.vector_load %arg7[%get3A_1428, %get3A_1429] {strides = array<i32>} : memref<320x128xf32, #tpu.memory_space<vmem>>, vector<16xf32>,
        %add3A_1431 = arith.addf %add3A_1407, %get3A_1430 : vector<16xf32>
        %add3A_1432 = arith.constant 18 : i32
        %add3A_1433 = arith.addi %mul3A_490, %add3A_1432 : i32
        %get3A_1434 = arith.index_cast %add3A_1433 : i32 to index
        %get3A_1435 = arith.constant 80 : index
        %get3A_1436 = tpu.vector_load %arg7[%get3A_1434, %get3A_1435] {strides = array<i32>} : memref<320x128xf32, #tpu.memory_space<vmem>>, vector<16xf32>,
        %add3A_1437 = arith.addf %add3A_1413, %get3A_1436 : vector<16xf32>
        %add3A_1438 = arith.constant 18 : i32
        %add3A_1439 = arith.addi %mul3A_490, %add3A_1438 : i32
        %get3A_1440 = arith.index_cast %add3A_1439 : i32 to index
        %get3A_1441 = arith.constant 96 : index
        %get3A_1442 = tpu.vector_load %arg7[%get3A_1440, %get3A_1441] {strides = array<i32>} : memref<320x128xf32, #tpu.memory_space<vmem>>, vector<16xf32>,
        %add3A_1443 = arith.addf %add3A_1419, %get3A_1442 : vector<16xf32>
        %add3A_1444 = arith.constant 18 : i32
        %add3A_1445 = arith.addi %mul3A_490, %add3A_1444 : i32
        %get3A_1446 = arith.index_cast %add3A_1445 : i32 to index
        %get3A_1447 = arith.constant 112 : index
        %get3A_1448 = tpu.vector_load %arg7[%get3A_1446, %get3A_1447] {strides = array<i32>} : memref<320x128xf32, #tpu.memory_space<vmem>>, vector<16xf32>,
        %add3A_1449 = arith.addf %add3A_1425, %get3A_1448 : vector<16xf32>
        %add3A_1450 = arith.constant 19 : i32
        %add3A_1451 = arith.addi %mul3A_490, %add3A_1450 : i32
        %get3A_1452 = arith.index_cast %add3A_1451 : i32 to index
        %get3A_1453 = arith.constant 64 : index
        %get3A_1454 = tpu.vector_load %arg7[%get3A_1452, %get3A_1453] {strides = array<i32>} : memref<320x128xf32, #tpu.memory_space<vmem>>, vector<16xf32>,
        %add3A_1455 = arith.addf %add3A_1431, %get3A_1454 : vector<16xf32>
        %add3A_1456 = arith.constant 19 : i32
        %add3A_1457 = arith.addi %mul3A_490, %add3A_1456 : i32
        %get3A_1458 = arith.index_cast %add3A_1457 : i32 to index
        %get3A_1459 = arith.constant 80 : index
        %get3A_1460 = tpu.vector_load %arg7[%get3A_1458, %get3A_1459] {strides = array<i32>} : memref<320x128xf32, #tpu.memory_space<vmem>>, vector<16xf32>,
        %add3A_1461 = arith.addf %add3A_1437, %get3A_1460 : vector<16xf32>
        %add3A_1462 = arith.constant 19 : i32
        %add3A_1463 = arith.addi %mul3A_490, %add3A_1462 : i32
        %get3A_1464 = arith.index_cast %add3A_1463 : i32 to index
        %get3A_1465 = arith.constant 96 : index
        %get3A_1466 = tpu.vector_load %arg7[%get3A_1464, %get3A_1465] {strides = array<i32>} : memref<320x128xf32, #tpu.memory_space<vmem>>, vector<16xf32>,
        %add3A_1467 = arith.addf %add3A_1443, %get3A_1466 : vector<16xf32>
        %add3A_1468 = arith.constant 19 : i32
        %add3A_1469 = arith.addi %mul3A_490, %add3A_1468 : i32
        %get3A_1470 = arith.index_cast %add3A_1469 : i32 to index
        %get3A_1471 = arith.constant 112 : index
        %get3A_1472 = tpu.vector_load %arg7[%get3A_1470, %get3A_1471] {strides = array<i32>} : memref<320x128xf32, #tpu.memory_space<vmem>>, vector<16xf32>,
        %add3A_1473 = arith.addf %add3A_1449, %get3A_1472 : vector<16xf32>
        %get3A_1474 = arith.constant 0 : i32
        %get3A_1475 = arith.index_cast %get3A_1474 : i32 to index
        %get3A_1476 = arith.constant 64 : index
        %get3A_1477 = tpu.vector_load %arg11[%get3A_1475, %get3A_1476] {strides = array<i32>} : memref<1x128xf32, #tpu.memory_space<vmem>>, vector<16xf32>,
        %mul3A_1478 = arith.mulf %gather3A_502, %get3A_1477 : vector<16xf32>
        %sub3A_1479 = arith.subf %add3A_1455, %mul3A_1478 : vector<16xf32>
        %swap3A_1480 = arith.index_cast %scan3A_488 : i32 to index
        %swap3A_1481 = arith.constant 64 : index
        %swap3A_1482 = tpu.vector_load %arg9[%swap3A_1480, %swap3A_1481] {strides = array<i32>} : memref<16x128xf32, #tpu.memory_space<vmem>>, vector<16xf32>,
        tpu.vector_store %arg9[%swap3A_1480, %swap3A_1481], %sub3A_1479 {strides = array<i32>} : memref<16x128xf32, #tpu.memory_space<vmem>>, vector<16xf32>,
        %get3A_1483 = arith.constant 0 : i32
        %get3A_1484 = arith.index_cast %get3A_1483 : i32 to index
        %get3A_1485 = arith.constant 80 : index
        %get3A_1486 = tpu.vector_load %arg11[%get3A_1484, %get3A_1485] {strides = array<i32>} : memref<1x128xf32, #tpu.memory_space<vmem>>, vector<16xf32>,
        %mul3A_1487 = arith.mulf %gather3A_502, %get3A_1486 : vector<16xf32>
        %sub3A_1488 = arith.subf %add3A_1461, %mul3A_1487 : vector<16xf32>
        %swap3A_1489 = arith.index_cast %scan3A_488 : i32 to index
        %swap3A_1490 = arith.constant 80 : index
        %swap3A_1491 = tpu.vector_load %arg9[%swap3A_1489, %swap3A_1490] {strides = array<i32>} : memref<16x128xf32, #tpu.memory_space<vmem>>, vector<16xf32>,
        tpu.vector_store %arg9[%swap3A_1489, %swap3A_1490], %sub3A_1488 {strides = array<i32>} : memref<16x128xf32, #tpu.memory_space<vmem>>, vector<16xf32>,
        %get3A_1492 = arith.constant 0 : i32
        %get3A_1493 = arith.index_cast %get3A_1492 : i32 to index
        %get3A_1494 = arith.constant 96 : index
        %get3A_1495 = tpu.vector_load %arg11[%get3A_1493, %get3A_1494] {strides = array<i32>} : memref<1x128xf32, #tpu.memory_space<vmem>>, vector<16xf32>,
        %mul3A_1496 = arith.mulf %gather3A_502, %get3A_1495 : vector<16xf32>
        %sub3A_1497 = arith.subf %add3A_1467, %mul3A_1496 : vector<16xf32>
        %swap3A_1498 = arith.index_cast %scan3A_488 : i32 to index
        %swap3A_1499 = arith.constant 96 : index
        %swap3A_1500 = tpu.vector_load %arg9[%swap3A_1498, %swap3A_1499] {strides = array<i32>} : memref<16x128xf32, #tpu.memory_space<vmem>>, vector<16xf32>,
        tpu.vector_store %arg9[%swap3A_1498, %swap3A_1499], %sub3A_1497 {strides = array<i32>} : memref<16x128xf32, #tpu.memory_space<vmem>>, vector<16xf32>,
        %get3A_1501 = arith.constant 0 : i32
        %get3A_1502 = arith.index_cast %get3A_1501 : i32 to index
        %get3A_1503 = arith.constant 112 : index
        %get3A_1504 = tpu.vector_load %arg11[%get3A_1502, %get3A_1503] {strides = array<i32>} : memref<1x128xf32, #tpu.memory_space<vmem>>, vector<16xf32>,
        %mul3A_1505 = arith.mulf %gather3A_502, %get3A_1504 : vector<16xf32>
        %sub3A_1506 = arith.subf %add3A_1473, %mul3A_1505 : vector<16xf32>
        %swap3A_1507 = arith.index_cast %scan3A_488 : i32 to index
        %swap3A_1508 = arith.constant 112 : index
        %swap3A_1509 = tpu.vector_load %arg9[%swap3A_1507, %swap3A_1508] {strides = array<i32>} : memref<16x128xf32, #tpu.memory_space<vmem>>, vector<16xf32>,
        tpu.vector_store %arg9[%swap3A_1507, %swap3A_1508], %sub3A_1506 {strides = array<i32>} : memref<16x128xf32, #tpu.memory_space<vmem>>, vector<16xf32>,
      }
      %scan3A_251 = arith.constant 16 : i32
      %mul3A_252 = arith.constant 16 : i32
      %mul3A_253 = arith.muli %add3A_43, %mul3A_252 : i32
      %add3A_254 = arith.addi %mul3A_2, %mul3A_253 : i32
      %dma_start3A_255 = arith.constant 0 : i32
      %dma_start3A_256 = tpu.memref_slice %arg4[%add3A_254, %dma_start3A_255] : memref<16384x128xf32, #tpu.memory_space<hbm>> -> memref<16x128xf32, #tpu.memory_space<hbm>>
      %dma_start3A_257 = arith.constant 0 : i32
      %dma_start3A_258 = tpu.memref_slice %arg4[%add3A_254, %dma_start3A_257] : memref<16384x128xf32, #tpu.memory_space<hbm>> -> memref<16x128xf32, #tpu.memory_space<hbm>>
      tpu.enqueue_dma source(%arg9 : memref<16x128xf32, #tpu.memory_space<vmem>>) target(%dma_start3A_258 : memref<16x128xf32, #tpu.memory_space<hbm>>) target_semaphore(%arg17 : memref<!tpu.dma_semaphore, #tpu.memory_space<semaphore_mem>>)
      %mul3A_259 = arith.constant 2 : i32
      %mul3A_260 = arith.muli %mul3A_259, %scan3A_39 : i32
      %add3A_261 = arith.constant 1 : i32
      %add3A_262 = arith.addi %mul3A_260, %add3A_261 : i32
      %add3A_263 = arith.constant 1 : i32
      %add3A_264 = arith.addi %add3A_262, %add3A_263 : i32
      %lt3A_265 = arith.constant 32 : i32
      %lt3A_266 = arith.cmpi slt, %add3A_264, %lt3A_265 : i32
      %convert_element_type3A_267 = arith.extui %lt3A_266 : i1 to i32
      %cond3A_268 = arith.constant 0 : i32
      %cond3A_269 = arith.cmpi ne, %convert_element_type3A_267, %cond3A_268 : i32
      scf.if %cond3A_269 {
        %add3A_488 = arith.constant 1 : i32
        %add3A_489 = arith.addi %add3A_262, %add3A_488 : i32
        %mul3A_490 = arith.constant 16 : i32
        %mul3A_491 = arith.muli %add3A_489, %mul3A_490 : i32
        %add3A_492 = arith.addi %mul3A_2, %mul3A_491 : i32
        %mul3A_493 = arith.constant 20 : i32
        %mul3A_494 = arith.muli %add3A_492, %mul3A_493 : i32
        %dma_wait3A_495 = tpu.memref_slice %arg2[%mul3A_494] : memref<327680xi32, #tpu.memory_space<hbm>> -> memref<320xi32, #tpu.memory_space<hbm>>
        %dma_wait3A_496 = tpu.memref_slice %arg2[%mul3A_494] : memref<327680xi32, #tpu.memory_space<hbm>> -> memref<320xi32, #tpu.memory_space<hbm>>
        tpu.wait_dma2 semaphore(%arg13 : memref<!tpu.dma_semaphore, #tpu.memory_space<semaphore_mem>>) src(%dma_wait3A_496 : memref<320xi32, #tpu.memory_space<hbm>>) dst(%arg5 : memref<320xi32, #tpu.memory_space<vmem>>)
        %dma_start3A_497 = arith.constant 0 : i32
        %dma_start3A_498 = arith.constant 0 : i32
        %dma_start3A_499 = tpu.memref_slice %arg3[%dma_start3A_497, %dma_start3A_498] : memref<100000x128xf32, #tpu.memory_space<hbm>> -> memref<100000x128xf32, #tpu.memory_space<hbm>>
        tpu.enqueue_indirect_dma source(%dma_start3A_499 : memref<100000x128xf32, #tpu.memory_space<hbm>>) target(%arg7 : memref<320x128xf32, #tpu.memory_space<vmem>>) offsets(%arg5 : memref<320xi32, #tpu.memory_space<vmem>>) semaphore(%arg15 : memref<!tpu.dma_semaphore, #tpu.memory_space<semaphore_mem>>)
      } else {
      }
      %iota3A_270 = tpu.iota {dimensions = array<i32: 0>} : vector<16xi32>
      %mul3A_271 = arith.constant 20 : i32
      %mul3A_272 = vector.broadcast %mul3A_271 : i32 to vector<16xi32>
      %mul3A_273 = arith.muli %iota3A_270, %mul3A_272 : vector<16xi32>
      %broadcast_in_dim3A_274 = arith.constant 1.000000e+00 : f32
      %broadcast_in_dim3A_275 = vector.broadcast %broadcast_in_dim3A_274 : f32 to vector<16xf32>
      %broadcast_in_dim3A_276 = arith.constant 0.000000e+00 : f32
      %broadcast_in_dim3A_277 = vector.broadcast %broadcast_in_dim3A_276 : f32 to vector<16xf32>
      %add3A_278 = arith.constant 0 : i32
      %add3A_279 = vector.broadcast %add3A_278 : i32 to vector<16xi32>
      %add3A_280 = arith.addi %mul3A_273, %add3A_279 : vector<16xi32>
      %gather3A_281 = tpu.vector_load_idx %arg6[%add3A_280] : memref<320xi32, #tpu.memory_space<vmem>>[vector<16xi32>], vector<16xi32>,
      %eq3A_282 = arith.constant 0 : i32
      %eq3A_283 = vector.broadcast %eq3A_282 : i32 to vector<16xi32>
      %eq3A_284 = arith.cmpi eq, %gather3A_281, %eq3A_283 : vector<16xi32>
      %select_n3A_285 = arith.select %eq3A_284, %broadcast_in_dim3A_275, %broadcast_in_dim3A_277 : vector<16xi1>, vector<16xf32>
      %add3A_286 = arith.addf %broadcast_in_dim3A_277, %select_n3A_285 : vector<16xf32>
      %add3A_287 = arith.constant 1 : i32
      %add3A_288 = vector.broadcast %add3A_287 : i32 to vector<16xi32>
      %add3A_289 = arith.addi %mul3A_273, %add3A_288 : vector<16xi32>
      %gather3A_290 = tpu.vector_load_idx %arg6[%add3A_289] : memref<320xi32, #tpu.memory_space<vmem>>[vector<16xi32>], vector<16xi32>,
      %eq3A_291 = arith.constant 0 : i32
      %eq3A_292 = vector.broadcast %eq3A_291 : i32 to vector<16xi32>
      %eq3A_293 = arith.cmpi eq, %gather3A_290, %eq3A_292 : vector<16xi32>
      %select_n3A_294 = arith.select %eq3A_293, %broadcast_in_dim3A_275, %broadcast_in_dim3A_277 : vector<16xi1>, vector<16xf32>
      %add3A_295 = arith.addf %add3A_286, %select_n3A_294 : vector<16xf32>
      %add3A_296 = arith.constant 2 : i32
      %add3A_297 = vector.broadcast %add3A_296 : i32 to vector<16xi32>
      %add3A_298 = arith.addi %mul3A_273, %add3A_297 : vector<16xi32>
      %gather3A_299 = tpu.vector_load_idx %arg6[%add3A_298] : memref<320xi32, #tpu.memory_space<vmem>>[vector<16xi32>], vector<16xi32>,
      %eq3A_300 = arith.constant 0 : i32
      %eq3A_301 = vector.broadcast %eq3A_300 : i32 to vector<16xi32>
      %eq3A_302 = arith.cmpi eq, %gather3A_299, %eq3A_301 : vector<16xi32>
      %select_n3A_303 = arith.select %eq3A_302, %broadcast_in_dim3A_275, %broadcast_in_dim3A_277 : vector<16xi1>, vector<16xf32>
      %add3A_304 = arith.addf %add3A_295, %select_n3A_303 : vector<16xf32>
      %add3A_305 = arith.constant 3 : i32
      %add3A_306 = vector.broadcast %add3A_305 : i32 to vector<16xi32>
      %add3A_307 = arith.addi %mul3A_273, %add3A_306 : vector<16xi32>
      %gather3A_308 = tpu.vector_load_idx %arg6[%add3A_307] : memref<320xi32, #tpu.memory_space<vmem>>[vector<16xi32>], vector<16xi32>,
      %eq3A_309 = arith.constant 0 : i32
      %eq3A_310 = vector.broadcast %eq3A_309 : i32 to vector<16xi32>
      %eq3A_311 = arith.cmpi eq, %gather3A_308, %eq3A_310 : vector<16xi32>
      %select_n3A_312 = arith.select %eq3A_311, %broadcast_in_dim3A_275, %broadcast_in_dim3A_277 : vector<16xi1>, vector<16xf32>
      %add3A_313 = arith.addf %add3A_304, %select_n3A_312 : vector<16xf32>
      %add3A_314 = arith.constant 4 : i32
      %add3A_315 = vector.broadcast %add3A_314 : i32 to vector<16xi32>
      %add3A_316 = arith.addi %mul3A_273, %add3A_315 : vector<16xi32>
      %gather3A_317 = tpu.vector_load_idx %arg6[%add3A_316] : memref<320xi32, #tpu.memory_space<vmem>>[vector<16xi32>], vector<16xi32>,
      %eq3A_318 = arith.constant 0 : i32
      %eq3A_319 = vector.broadcast %eq3A_318 : i32 to vector<16xi32>
      %eq3A_320 = arith.cmpi eq, %gather3A_317, %eq3A_319 : vector<16xi32>
      %select_n3A_321 = arith.select %eq3A_320, %broadcast_in_dim3A_275, %broadcast_in_dim3A_277 : vector<16xi1>, vector<16xf32>
      %add3A_322 = arith.addf %add3A_313, %select_n3A_321 : vector<16xf32>
      %add3A_323 = arith.constant 5 : i32
      %add3A_324 = vector.broadcast %add3A_323 : i32 to vector<16xi32>
      %add3A_325 = arith.addi %mul3A_273, %add3A_324 : vector<16xi32>
      %gather3A_326 = tpu.vector_load_idx %arg6[%add3A_325] : memref<320xi32, #tpu.memory_space<vmem>>[vector<16xi32>], vector<16xi32>,
      %eq3A_327 = arith.constant 0 : i32
      %eq3A_328 = vector.broadcast %eq3A_327 : i32 to vector<16xi32>
      %eq3A_329 = arith.cmpi eq, %gather3A_326, %eq3A_328 : vector<16xi32>
      %select_n3A_330 = arith.select %eq3A_329, %broadcast_in_dim3A_275, %broadcast_in_dim3A_277 : vector<16xi1>, vector<16xf32>
      %add3A_331 = arith.addf %add3A_322, %select_n3A_330 : vector<16xf32>
      %add3A_332 = arith.constant 6 : i32
      %add3A_333 = vector.broadcast %add3A_332 : i32 to vector<16xi32>
      %add3A_334 = arith.addi %mul3A_273, %add3A_333 : vector<16xi32>
      %gather3A_335 = tpu.vector_load_idx %arg6[%add3A_334] : memref<320xi32, #tpu.memory_space<vmem>>[vector<16xi32>], vector<16xi32>,
      %eq3A_336 = arith.constant 0 : i32
      %eq3A_337 = vector.broadcast %eq3A_336 : i32 to vector<16xi32>
      %eq3A_338 = arith.cmpi eq, %gather3A_335, %eq3A_337 : vector<16xi32>
      %select_n3A_339 = arith.select %eq3A_338, %broadcast_in_dim3A_275, %broadcast_in_dim3A_277 : vector<16xi1>, vector<16xf32>
      %add3A_340 = arith.addf %add3A_331, %select_n3A_339 : vector<16xf32>
      %add3A_341 = arith.constant 7 : i32
      %add3A_342 = vector.broadcast %add3A_341 : i32 to vector<16xi32>
      %add3A_343 = arith.addi %mul3A_273, %add3A_342 : vector<16xi32>
      %gather3A_344 = tpu.vector_load_idx %arg6[%add3A_343] : memref<320xi32, #tpu.memory_space<vmem>>[vector<16xi32>], vector<16xi32>,
      %eq3A_345 = arith.constant 0 : i32
      %eq3A_346 = vector.broadcast %eq3A_345 : i32 to vector<16xi32>
      %eq3A_347 = arith.cmpi eq, %gather3A_344, %eq3A_346 : vector<16xi32>
      %select_n3A_348 = arith.select %eq3A_347, %broadcast_in_dim3A_275, %broadcast_in_dim3A_277 : vector<16xi1>, vector<16xf32>
      %add3A_349 = arith.addf %add3A_340, %select_n3A_348 : vector<16xf32>
      %add3A_350 = arith.constant 8 : i32
      %add3A_351 = vector.broadcast %add3A_350 : i32 to vector<16xi32>
      %add3A_352 = arith.addi %mul3A_273, %add3A_351 : vector<16xi32>
      %gather3A_353 = tpu.vector_load_idx %arg6[%add3A_352] : memref<320xi32, #tpu.memory_space<vmem>>[vector<16xi32>], vector<16xi32>,
      %eq3A_354 = arith.constant 0 : i32
      %eq3A_355 = vector.broadcast %eq3A_354 : i32 to vector<16xi32>
      %eq3A_356 = arith.cmpi eq, %gather3A_353, %eq3A_355 : vector<16xi32>
      %select_n3A_357 = arith.select %eq3A_356, %broadcast_in_dim3A_275, %broadcast_in_dim3A_277 : vector<16xi1>, vector<16xf32>
      %add3A_358 = arith.addf %add3A_349, %select_n3A_357 : vector<16xf32>
      %add3A_359 = arith.constant 9 : i32
      %add3A_360 = vector.broadcast %add3A_359 : i32 to vector<16xi32>
      %add3A_361 = arith.addi %mul3A_273, %add3A_360 : vector<16xi32>
      %gather3A_362 = tpu.vector_load_idx %arg6[%add3A_361] : memref<320xi32, #tpu.memory_space<vmem>>[vector<16xi32>], vector<16xi32>,
      %eq3A_363 = arith.constant 0 : i32
      %eq3A_364 = vector.broadcast %eq3A_363 : i32 to vector<16xi32>
      %eq3A_365 = arith.cmpi eq, %gather3A_362, %eq3A_364 : vector<16xi32>
      %select_n3A_366 = arith.select %eq3A_365, %broadcast_in_dim3A_275, %broadcast_in_dim3A_277 : vector<16xi1>, vector<16xf32>
      %add3A_367 = arith.addf %add3A_358, %select_n3A_366 : vector<16xf32>
      %add3A_368 = arith.constant 10 : i32
      %add3A_369 = vector.broadcast %add3A_368 : i32 to vector<16xi32>
      %add3A_370 = arith.addi %mul3A_273, %add3A_369 : vector<16xi32>
      %gather3A_371 = tpu.vector_load_idx %arg6[%add3A_370] : memref<320xi32, #tpu.memory_space<vmem>>[vector<16xi32>], vector<16xi32>,
      %eq3A_372 = arith.constant 0 : i32
      %eq3A_373 = vector.broadcast %eq3A_372 : i32 to vector<16xi32>
      %eq3A_374 = arith.cmpi eq, %gather3A_371, %eq3A_373 : vector<16xi32>
      %select_n3A_375 = arith.select %eq3A_374, %broadcast_in_dim3A_275, %broadcast_in_dim3A_277 : vector<16xi1>, vector<16xf32>
      %add3A_376 = arith.addf %add3A_367, %select_n3A_375 : vector<16xf32>
      %add3A_377 = arith.constant 11 : i32
      %add3A_378 = vector.broadcast %add3A_377 : i32 to vector<16xi32>
      %add3A_379 = arith.addi %mul3A_273, %add3A_378 : vector<16xi32>
      %gather3A_380 = tpu.vector_load_idx %arg6[%add3A_379] : memref<320xi32, #tpu.memory_space<vmem>>[vector<16xi32>], vector<16xi32>,
      %eq3A_381 = arith.constant 0 : i32
      %eq3A_382 = vector.broadcast %eq3A_381 : i32 to vector<16xi32>
      %eq3A_383 = arith.cmpi eq, %gather3A_380, %eq3A_382 : vector<16xi32>
      %select_n3A_384 = arith.select %eq3A_383, %broadcast_in_dim3A_275, %broadcast_in_dim3A_277 : vector<16xi1>, vector<16xf32>
      %add3A_385 = arith.addf %add3A_376, %select_n3A_384 : vector<16xf32>
      %add3A_386 = arith.constant 12 : i32
      %add3A_387 = vector.broadcast %add3A_386 : i32 to vector<16xi32>
      %add3A_388 = arith.addi %mul3A_273, %add3A_387 : vector<16xi32>
      %gather3A_389 = tpu.vector_load_idx %arg6[%add3A_388] : memref<320xi32, #tpu.memory_space<vmem>>[vector<16xi32>], vector<16xi32>,
      %eq3A_390 = arith.constant 0 : i32
      %eq3A_391 = vector.broadcast %eq3A_390 : i32 to vector<16xi32>
      %eq3A_392 = arith.cmpi eq, %gather3A_389, %eq3A_391 : vector<16xi32>
      %select_n3A_393 = arith.select %eq3A_392, %broadcast_in_dim3A_275, %broadcast_in_dim3A_277 : vector<16xi1>, vector<16xf32>
      %add3A_394 = arith.addf %add3A_385, %select_n3A_393 : vector<16xf32>
      %add3A_395 = arith.constant 13 : i32
      %add3A_396 = vector.broadcast %add3A_395 : i32 to vector<16xi32>
      %add3A_397 = arith.addi %mul3A_273, %add3A_396 : vector<16xi32>
      %gather3A_398 = tpu.vector_load_idx %arg6[%add3A_397] : memref<320xi32, #tpu.memory_space<vmem>>[vector<16xi32>], vector<16xi32>,
      %eq3A_399 = arith.constant 0 : i32
      %eq3A_400 = vector.broadcast %eq3A_399 : i32 to vector<16xi32>
      %eq3A_401 = arith.cmpi eq, %gather3A_398, %eq3A_400 : vector<16xi32>
      %select_n3A_402 = arith.select %eq3A_401, %broadcast_in_dim3A_275, %broadcast_in_dim3A_277 : vector<16xi1>, vector<16xf32>
      %add3A_403 = arith.addf %add3A_394, %select_n3A_402 : vector<16xf32>
      %add3A_404 = arith.constant 14 : i32
      %add3A_405 = vector.broadcast %add3A_404 : i32 to vector<16xi32>
      %add3A_406 = arith.addi %mul3A_273, %add3A_405 : vector<16xi32>
      %gather3A_407 = tpu.vector_load_idx %arg6[%add3A_406] : memref<320xi32, #tpu.memory_space<vmem>>[vector<16xi32>], vector<16xi32>,
      %eq3A_408 = arith.constant 0 : i32
      %eq3A_409 = vector.broadcast %eq3A_408 : i32 to vector<16xi32>
      %eq3A_410 = arith.cmpi eq, %gather3A_407, %eq3A_409 : vector<16xi32>
      %select_n3A_411 = arith.select %eq3A_410, %broadcast_in_dim3A_275, %broadcast_in_dim3A_277 : vector<16xi1>, vector<16xf32>
      %add3A_412 = arith.addf %add3A_403, %select_n3A_411 : vector<16xf32>
      %add3A_413 = arith.constant 15 : i32
      %add3A_414 = vector.broadcast %add3A_413 : i32 to vector<16xi32>
      %add3A_415 = arith.addi %mul3A_273, %add3A_414 : vector<16xi32>
      %gather3A_416 = tpu.vector_load_idx %arg6[%add3A_415] : memref<320xi32, #tpu.memory_space<vmem>>[vector<16xi32>], vector<16xi32>,
      %eq3A_417 = arith.constant 0 : i32
      %eq3A_418 = vector.broadcast %eq3A_417 : i32 to vector<16xi32>
      %eq3A_419 = arith.cmpi eq, %gather3A_416, %eq3A_418 : vector<16xi32>
      %select_n3A_420 = arith.select %eq3A_419, %broadcast_in_dim3A_275, %broadcast_in_dim3A_277 : vector<16xi1>, vector<16xf32>
      %add3A_421 = arith.addf %add3A_412, %select_n3A_420 : vector<16xf32>
      %add3A_422 = arith.constant 16 : i32
      %add3A_423 = vector.broadcast %add3A_422 : i32 to vector<16xi32>
      %add3A_424 = arith.addi %mul3A_273, %add3A_423 : vector<16xi32>
      %gather3A_425 = tpu.vector_load_idx %arg6[%add3A_424] : memref<320xi32, #tpu.memory_space<vmem>>[vector<16xi32>], vector<16xi32>,
      %eq3A_426 = arith.constant 0 : i32
      %eq3A_427 = vector.broadcast %eq3A_426 : i32 to vector<16xi32>
      %eq3A_428 = arith.cmpi eq, %gather3A_425, %eq3A_427 : vector<16xi32>
      %select_n3A_429 = arith.select %eq3A_428, %broadcast_in_dim3A_275, %broadcast_in_dim3A_277 : vector<16xi1>, vector<16xf32>
      %add3A_430 = arith.addf %add3A_421, %select_n3A_429 : vector<16xf32>
      %add3A_431 = arith.constant 17 : i32
      %add3A_432 = vector.broadcast %add3A_431 : i32 to vector<16xi32>
      %add3A_433 = arith.addi %mul3A_273, %add3A_432 : vector<16xi32>
      %gather3A_434 = tpu.vector_load_idx %arg6[%add3A_433] : memref<320xi32, #tpu.memory_space<vmem>>[vector<16xi32>], vector<16xi32>,
      %eq3A_435 = arith.constant 0 : i32
      %eq3A_436 = vector.broadcast %eq3A_435 : i32 to vector<16xi32>
      %eq3A_437 = arith.cmpi eq, %gather3A_434, %eq3A_436 : vector<16xi32>
      %select_n3A_438 = arith.select %eq3A_437, %broadcast_in_dim3A_275, %broadcast_in_dim3A_277 : vector<16xi1>, vector<16xf32>
      %add3A_439 = arith.addf %add3A_430, %select_n3A_438 : vector<16xf32>
      %add3A_440 = arith.constant 18 : i32
      %add3A_441 = vector.broadcast %add3A_440 : i32 to vector<16xi32>
      %add3A_442 = arith.addi %mul3A_273, %add3A_441 : vector<16xi32>
      %gather3A_443 = tpu.vector_load_idx %arg6[%add3A_442] : memref<320xi32, #tpu.memory_space<vmem>>[vector<16xi32>], vector<16xi32>,
      %eq3A_444 = arith.constant 0 : i32
      %eq3A_445 = vector.broadcast %eq3A_444 : i32 to vector<16xi32>
      %eq3A_446 = arith.cmpi eq, %gather3A_443, %eq3A_445 : vector<16xi32>
      %select_n3A_447 = arith.select %eq3A_446, %broadcast_in_dim3A_275, %broadcast_in_dim3A_277 : vector<16xi1>, vector<16xf32>
      %add3A_448 = arith.addf %add3A_439, %select_n3A_447 : vector<16xf32>
      %add3A_449 = arith.constant 19 : i32
      %add3A_450 = vector.broadcast %add3A_449 : i32 to vector<16xi32>
      %add3A_451 = arith.addi %mul3A_273, %add3A_450 : vector<16xi32>
      %gather3A_452 = tpu.vector_load_idx %arg6[%add3A_451] : memref<320xi32, #tpu.memory_space<vmem>>[vector<16xi32>], vector<16xi32>,
      %eq3A_453 = arith.constant 0 : i32
      %eq3A_454 = vector.broadcast %eq3A_453 : i32 to vector<16xi32>
      %eq3A_455 = arith.cmpi eq, %gather3A_452, %eq3A_454 : vector<16xi32>
      %select_n3A_456 = arith.select %eq3A_455, %broadcast_in_dim3A_275, %broadcast_in_dim3A_277 : vector<16xi1>, vector<16xf32>
      %add3A_457 = arith.addf %add3A_448, %select_n3A_456 : vector<16xf32>
      %swap3A_458 = arith.constant 0 : index
      %swap3A_459 = tpu.vector_load %arg12[%swap3A_458] {strides = array<i32>} : memref<16xf32, #tpu.memory_space<vmem>>, vector<16xf32>,
      tpu.vector_store %arg12[%swap3A_458], %add3A_457 {strides = array<i32>} : memref<16xf32, #tpu.memory_space<vmem>>, vector<16xf32>,
      %dma_wait3A_460 = arith.constant 0 : i32
      %dma_wait3A_461 = arith.constant 0 : i32
      %dma_wait3A_462 = tpu.memref_slice %arg3[%dma_wait3A_460, %dma_wait3A_461] : memref<100000x128xf32, #tpu.memory_space<hbm>> -> memref<100000x128xf32, #tpu.memory_space<hbm>>
      tpu.wait_indirect_dma semaphore(%arg16 : memref<!tpu.dma_semaphore, #tpu.memory_space<semaphore_mem>>) src(%dma_wait3A_462 : memref<100000x128xf32, #tpu.memory_space<hbm>>) dst(%arg8 : memref<320x128xf32, #tpu.memory_space<vmem>>)
      %add3A_463 = arith.constant 2 : i32
      %add3A_464 = arith.addi %add3A_262, %add3A_463 : i32
      %lt3A_465 = arith.constant 32 : i32
      %lt3A_466 = arith.cmpi slt, %add3A_464, %lt3A_465 : i32
      %convert_element_type3A_467 = arith.extui %lt3A_466 : i1 to i32
      %cond3A_468 = arith.constant 0 : i32
      %cond3A_469 = arith.cmpi ne, %convert_element_type3A_467, %cond3A_468 : i32
      scf.if %cond3A_469 {
        %add3A_488 = arith.constant 2 : i32
        %add3A_489 = arith.addi %add3A_262, %add3A_488 : i32
        %mul3A_490 = arith.constant 16 : i32
        %mul3A_491 = arith.muli %add3A_489, %mul3A_490 : i32
        %add3A_492 = arith.addi %mul3A_2, %mul3A_491 : i32
        %mul3A_493 = arith.constant 20 : i32
        %mul3A_494 = arith.muli %add3A_492, %mul3A_493 : i32
        %dma_start3A_495 = tpu.memref_slice %arg2[%mul3A_494] : memref<327680xi32, #tpu.memory_space<hbm>> -> memref<320xi32, #tpu.memory_space<hbm>>
        %dma_start3A_496 = tpu.memref_slice %arg2[%mul3A_494] : memref<327680xi32, #tpu.memory_space<hbm>> -> memref<320xi32, #tpu.memory_space<hbm>>
        tpu.enqueue_dma source(%dma_start3A_496 : memref<320xi32, #tpu.memory_space<hbm>>) target(%arg6 : memref<320xi32, #tpu.memory_space<vmem>>) target_semaphore(%arg14 : memref<!tpu.dma_semaphore, #tpu.memory_space<semaphore_mem>>)
      } else {
      }
      %ge3A_470 = arith.constant 2 : i32
      %ge3A_471 = arith.cmpi sge, %add3A_262, %ge3A_470 : i32
      %convert_element_type3A_472 = arith.extui %ge3A_471 : i1 to i32
      %cond3A_473 = arith.constant 0 : i32
      %cond3A_474 = arith.cmpi ne, %convert_element_type3A_472, %cond3A_473 : i32
      scf.if %cond3A_474 {
        %mul3A_488 = arith.constant 16 : i32
        %mul3A_489 = arith.muli %add3A_262, %mul3A_488 : i32
        %add3A_490 = arith.addi %mul3A_2, %mul3A_489 : i32
        %dma_wait3A_491 = arith.constant 0 : i32
        %dma_wait3A_492 = tpu.memref_slice %arg4[%add3A_490, %dma_wait3A_491] : memref<16384x128xf32, #tpu.memory_space<hbm>> -> memref<16x128xf32, #tpu.memory_space<hbm>>
        %dma_wait3A_493 = arith.constant 0 : i32
        %dma_wait3A_494 = tpu.memref_slice %arg4[%add3A_490, %dma_wait3A_493] : memref<16384x128xf32, #tpu.memory_space<hbm>> -> memref<16x128xf32, #tpu.memory_space<hbm>>
        tpu.wait_dma2 semaphore(%arg18 : memref<!tpu.dma_semaphore, #tpu.memory_space<semaphore_mem>>) src(%arg10 : memref<16x128xf32, #tpu.memory_space<vmem>>) dst(%dma_wait3A_494 : memref<16x128xf32, #tpu.memory_space<hbm>>)
      } else {
      }
      %scan3A_475 = arith.constant 0 : i32
      %scan3A_476 = arith.constant 0 : i32
      %scan3A_477 = arith.constant 16 : i32
      %scan3A_478 = arith.addi %scan3A_476, %scan3A_477 : i32
      %scan3A_479 = arith.constant 1 : i32
      scf.for %scan3A_488 = %scan3A_476 to %scan3A_478 step %scan3A_479  : i32 {
        %mul3A_489 = arith.constant 20 : i32
        %mul3A_490 = arith.muli %scan3A_488, %mul3A_489 : i32
        %get3A = arith.constant 0 : index
        %get3A_491 = tpu.vector_load %arg12[%get3A] {strides = array<i32>} : memref<16xf32, #tpu.memory_space<vmem>>, vector<16xf32>,
        %broadcast_in_dim3A_492 = vector.broadcast %scan3A_488 : i32 to vector<16xi32>
        %lt3A_493 = arith.constant 0 : i32
        %lt3A_494 = vector.broadcast %lt3A_493 : i32 to vector<16xi32>
        %lt3A_495 = arith.cmpi slt, %broadcast_in_dim3A_492, %lt3A_494 : vector<16xi32>
        %add3A_496 = arith.constant 16 : i32
        %add3A_497 = vector.broadcast %add3A_496 : i32 to vector<16xi32>
        %add3A_498 = arith.addi %broadcast_in_dim3A_492, %add3A_497 : vector<16xi32>
        %select_n3A_499 = arith.select %lt3A_495, %add3A_498, %broadcast_in_dim3A_492 : vector<16xi1>, vector<16xi32>
        %broadcast_in_dim3A_500 = vector.shape_cast %select_n3A_499 : vector<16xi32> to vector<16x1xi32>
        %gather3A_501 = vector.shape_cast %broadcast_in_dim3A_500 : vector<16x1xi32> to vector<16xi32>
        %gather3A_502 = tpu.dynamic_gather %get3A_491[%gather3A_501] in [0] : vector<16xf32>, vector<16xi32> -> vector<16xf32>
        %get3A_503 = arith.index_cast %mul3A_490 : i32 to index
        %get3A_504 = arith.constant 0 : index
        %get3A_505 = tpu.vector_load %arg8[%get3A_503, %get3A_504] {strides = array<i32>} : memref<320x128xf32, #tpu.memory_space<vmem>>, vector<16xf32>,
        %get3A_506 = arith.index_cast %mul3A_490 : i32 to index
        %get3A_507 = arith.constant 16 : index
        %get3A_508 = tpu.vector_load %arg8[%get3A_506, %get3A_507] {strides = array<i32>} : memref<320x128xf32, #tpu.memory_space<vmem>>, vector<16xf32>,
        %get3A_509 = arith.index_cast %mul3A_490 : i32 to index
        %get3A_510 = arith.constant 32 : index
        %get3A_511 = tpu.vector_load %arg8[%get3A_509, %get3A_510] {strides = array<i32>} : memref<320x128xf32, #tpu.memory_space<vmem>>, vector<16xf32>,
        %get3A_512 = arith.index_cast %mul3A_490 : i32 to index
        %get3A_513 = arith.constant 48 : index
        %get3A_514 = tpu.vector_load %arg8[%get3A_512, %get3A_513] {strides = array<i32>} : memref<320x128xf32, #tpu.memory_space<vmem>>, vector<16xf32>,
        %add3A_515 = arith.constant 1 : i32
        %add3A_516 = arith.addi %mul3A_490, %add3A_515 : i32
        %get3A_517 = arith.index_cast %add3A_516 : i32 to index
        %get3A_518 = arith.constant 0 : index
        %get3A_519 = tpu.vector_load %arg8[%get3A_517, %get3A_518] {strides = array<i32>} : memref<320x128xf32, #tpu.memory_space<vmem>>, vector<16xf32>,
        %add3A_520 = arith.addf %get3A_505, %get3A_519 : vector<16xf32>
        %add3A_521 = arith.constant 1 : i32
        %add3A_522 = arith.addi %mul3A_490, %add3A_521 : i32
        %get3A_523 = arith.index_cast %add3A_522 : i32 to index
        %get3A_524 = arith.constant 16 : index
        %get3A_525 = tpu.vector_load %arg8[%get3A_523, %get3A_524] {strides = array<i32>} : memref<320x128xf32, #tpu.memory_space<vmem>>, vector<16xf32>,
        %add3A_526 = arith.addf %get3A_508, %get3A_525 : vector<16xf32>
        %add3A_527 = arith.constant 1 : i32
        %add3A_528 = arith.addi %mul3A_490, %add3A_527 : i32
        %get3A_529 = arith.index_cast %add3A_528 : i32 to index
        %get3A_530 = arith.constant 32 : index
        %get3A_531 = tpu.vector_load %arg8[%get3A_529, %get3A_530] {strides = array<i32>} : memref<320x128xf32, #tpu.memory_space<vmem>>, vector<16xf32>,
        %add3A_532 = arith.addf %get3A_511, %get3A_531 : vector<16xf32>
        %add3A_533 = arith.constant 1 : i32
        %add3A_534 = arith.addi %mul3A_490, %add3A_533 : i32
        %get3A_535 = arith.index_cast %add3A_534 : i32 to index
        %get3A_536 = arith.constant 48 : index
        %get3A_537 = tpu.vector_load %arg8[%get3A_535, %get3A_536] {strides = array<i32>} : memref<320x128xf32, #tpu.memory_space<vmem>>, vector<16xf32>,
        %add3A_538 = arith.addf %get3A_514, %get3A_537 : vector<16xf32>
        %add3A_539 = arith.constant 2 : i32
        %add3A_540 = arith.addi %mul3A_490, %add3A_539 : i32
        %get3A_541 = arith.index_cast %add3A_540 : i32 to index
        %get3A_542 = arith.constant 0 : index
        %get3A_543 = tpu.vector_load %arg8[%get3A_541, %get3A_542] {strides = array<i32>} : memref<320x128xf32, #tpu.memory_space<vmem>>, vector<16xf32>,
        %add3A_544 = arith.addf %add3A_520, %get3A_543 : vector<16xf32>
        %add3A_545 = arith.constant 2 : i32
        %add3A_546 = arith.addi %mul3A_490, %add3A_545 : i32
        %get3A_547 = arith.index_cast %add3A_546 : i32 to index
        %get3A_548 = arith.constant 16 : index
        %get3A_549 = tpu.vector_load %arg8[%get3A_547, %get3A_548] {strides = array<i32>} : memref<320x128xf32, #tpu.memory_space<vmem>>, vector<16xf32>,
        %add3A_550 = arith.addf %add3A_526, %get3A_549 : vector<16xf32>
        %add3A_551 = arith.constant 2 : i32
        %add3A_552 = arith.addi %mul3A_490, %add3A_551 : i32
        %get3A_553 = arith.index_cast %add3A_552 : i32 to index
        %get3A_554 = arith.constant 32 : index
        %get3A_555 = tpu.vector_load %arg8[%get3A_553, %get3A_554] {strides = array<i32>} : memref<320x128xf32, #tpu.memory_space<vmem>>, vector<16xf32>,
        %add3A_556 = arith.addf %add3A_532, %get3A_555 : vector<16xf32>
        %add3A_557 = arith.constant 2 : i32
        %add3A_558 = arith.addi %mul3A_490, %add3A_557 : i32
        %get3A_559 = arith.index_cast %add3A_558 : i32 to index
        %get3A_560 = arith.constant 48 : index
        %get3A_561 = tpu.vector_load %arg8[%get3A_559, %get3A_560] {strides = array<i32>} : memref<320x128xf32, #tpu.memory_space<vmem>>, vector<16xf32>,
        %add3A_562 = arith.addf %add3A_538, %get3A_561 : vector<16xf32>
        %add3A_563 = arith.constant 3 : i32
        %add3A_564 = arith.addi %mul3A_490, %add3A_563 : i32
        %get3A_565 = arith.index_cast %add3A_564 : i32 to index
        %get3A_566 = arith.constant 0 : index
        %get3A_567 = tpu.vector_load %arg8[%get3A_565, %get3A_566] {strides = array<i32>} : memref<320x128xf32, #tpu.memory_space<vmem>>, vector<16xf32>,
        %add3A_568 = arith.addf %add3A_544, %get3A_567 : vector<16xf32>
        %add3A_569 = arith.constant 3 : i32
        %add3A_570 = arith.addi %mul3A_490, %add3A_569 : i32
        %get3A_571 = arith.index_cast %add3A_570 : i32 to index
        %get3A_572 = arith.constant 16 : index
        %get3A_573 = tpu.vector_load %arg8[%get3A_571, %get3A_572] {strides = array<i32>} : memref<320x128xf32, #tpu.memory_space<vmem>>, vector<16xf32>,
        %add3A_574 = arith.addf %add3A_550, %get3A_573 : vector<16xf32>
        %add3A_575 = arith.constant 3 : i32
        %add3A_576 = arith.addi %mul3A_490, %add3A_575 : i32
        %get3A_577 = arith.index_cast %add3A_576 : i32 to index
        %get3A_578 = arith.constant 32 : index
        %get3A_579 = tpu.vector_load %arg8[%get3A_577, %get3A_578] {strides = array<i32>} : memref<320x128xf32, #tpu.memory_space<vmem>>, vector<16xf32>,
        %add3A_580 = arith.addf %add3A_556, %get3A_579 : vector<16xf32>
        %add3A_581 = arith.constant 3 : i32
        %add3A_582 = arith.addi %mul3A_490, %add3A_581 : i32
        %get3A_583 = arith.index_cast %add3A_582 : i32 to index
        %get3A_584 = arith.constant 48 : index
        %get3A_585 = tpu.vector_load %arg8[%get3A_583, %get3A_584] {strides = array<i32>} : memref<320x128xf32, #tpu.memory_space<vmem>>, vector<16xf32>,
        %add3A_586 = arith.addf %add3A_562, %get3A_585 : vector<16xf32>
        %add3A_587 = arith.constant 4 : i32
        %add3A_588 = arith.addi %mul3A_490, %add3A_587 : i32
        %get3A_589 = arith.index_cast %add3A_588 : i32 to index
        %get3A_590 = arith.constant 0 : index
        %get3A_591 = tpu.vector_load %arg8[%get3A_589, %get3A_590] {strides = array<i32>} : memref<320x128xf32, #tpu.memory_space<vmem>>, vector<16xf32>,
        %add3A_592 = arith.addf %add3A_568, %get3A_591 : vector<16xf32>
        %add3A_593 = arith.constant 4 : i32
        %add3A_594 = arith.addi %mul3A_490, %add3A_593 : i32
        %get3A_595 = arith.index_cast %add3A_594 : i32 to index
        %get3A_596 = arith.constant 16 : index
        %get3A_597 = tpu.vector_load %arg8[%get3A_595, %get3A_596] {strides = array<i32>} : memref<320x128xf32, #tpu.memory_space<vmem>>, vector<16xf32>,
        %add3A_598 = arith.addf %add3A_574, %get3A_597 : vector<16xf32>
        %add3A_599 = arith.constant 4 : i32
        %add3A_600 = arith.addi %mul3A_490, %add3A_599 : i32
        %get3A_601 = arith.index_cast %add3A_600 : i32 to index
        %get3A_602 = arith.constant 32 : index
        %get3A_603 = tpu.vector_load %arg8[%get3A_601, %get3A_602] {strides = array<i32>} : memref<320x128xf32, #tpu.memory_space<vmem>>, vector<16xf32>,
        %add3A_604 = arith.addf %add3A_580, %get3A_603 : vector<16xf32>
        %add3A_605 = arith.constant 4 : i32
        %add3A_606 = arith.addi %mul3A_490, %add3A_605 : i32
        %get3A_607 = arith.index_cast %add3A_606 : i32 to index
        %get3A_608 = arith.constant 48 : index
        %get3A_609 = tpu.vector_load %arg8[%get3A_607, %get3A_608] {strides = array<i32>} : memref<320x128xf32, #tpu.memory_space<vmem>>, vector<16xf32>,
        %add3A_610 = arith.addf %add3A_586, %get3A_609 : vector<16xf32>
        %add3A_611 = arith.constant 5 : i32
        %add3A_612 = arith.addi %mul3A_490, %add3A_611 : i32
        %get3A_613 = arith.index_cast %add3A_612 : i32 to index
        %get3A_614 = arith.constant 0 : index
        %get3A_615 = tpu.vector_load %arg8[%get3A_613, %get3A_614] {strides = array<i32>} : memref<320x128xf32, #tpu.memory_space<vmem>>, vector<16xf32>,
        %add3A_616 = arith.addf %add3A_592, %get3A_615 : vector<16xf32>
        %add3A_617 = arith.constant 5 : i32
        %add3A_618 = arith.addi %mul3A_490, %add3A_617 : i32
        %get3A_619 = arith.index_cast %add3A_618 : i32 to index
        %get3A_620 = arith.constant 16 : index
        %get3A_621 = tpu.vector_load %arg8[%get3A_619, %get3A_620] {strides = array<i32>} : memref<320x128xf32, #tpu.memory_space<vmem>>, vector<16xf32>,
        %add3A_622 = arith.addf %add3A_598, %get3A_621 : vector<16xf32>
        %add3A_623 = arith.constant 5 : i32
        %add3A_624 = arith.addi %mul3A_490, %add3A_623 : i32
        %get3A_625 = arith.index_cast %add3A_624 : i32 to index
        %get3A_626 = arith.constant 32 : index
        %get3A_627 = tpu.vector_load %arg8[%get3A_625, %get3A_626] {strides = array<i32>} : memref<320x128xf32, #tpu.memory_space<vmem>>, vector<16xf32>,
        %add3A_628 = arith.addf %add3A_604, %get3A_627 : vector<16xf32>
        %add3A_629 = arith.constant 5 : i32
        %add3A_630 = arith.addi %mul3A_490, %add3A_629 : i32
        %get3A_631 = arith.index_cast %add3A_630 : i32 to index
        %get3A_632 = arith.constant 48 : index
        %get3A_633 = tpu.vector_load %arg8[%get3A_631, %get3A_632] {strides = array<i32>} : memref<320x128xf32, #tpu.memory_space<vmem>>, vector<16xf32>,
        %add3A_634 = arith.addf %add3A_610, %get3A_633 : vector<16xf32>
        %add3A_635 = arith.constant 6 : i32
        %add3A_636 = arith.addi %mul3A_490, %add3A_635 : i32
        %get3A_637 = arith.index_cast %add3A_636 : i32 to index
        %get3A_638 = arith.constant 0 : index
        %get3A_639 = tpu.vector_load %arg8[%get3A_637, %get3A_638] {strides = array<i32>} : memref<320x128xf32, #tpu.memory_space<vmem>>, vector<16xf32>,
        %add3A_640 = arith.addf %add3A_616, %get3A_639 : vector<16xf32>
        %add3A_641 = arith.constant 6 : i32
        %add3A_642 = arith.addi %mul3A_490, %add3A_641 : i32
        %get3A_643 = arith.index_cast %add3A_642 : i32 to index
        %get3A_644 = arith.constant 16 : index
        %get3A_645 = tpu.vector_load %arg8[%get3A_643, %get3A_644] {strides = array<i32>} : memref<320x128xf32, #tpu.memory_space<vmem>>, vector<16xf32>,
        %add3A_646 = arith.addf %add3A_622, %get3A_645 : vector<16xf32>
        %add3A_647 = arith.constant 6 : i32
        %add3A_648 = arith.addi %mul3A_490, %add3A_647 : i32
        %get3A_649 = arith.index_cast %add3A_648 : i32 to index
        %get3A_650 = arith.constant 32 : index
        %get3A_651 = tpu.vector_load %arg8[%get3A_649, %get3A_650] {strides = array<i32>} : memref<320x128xf32, #tpu.memory_space<vmem>>, vector<16xf32>,
        %add3A_652 = arith.addf %add3A_628, %get3A_651 : vector<16xf32>
        %add3A_653 = arith.constant 6 : i32
        %add3A_654 = arith.addi %mul3A_490, %add3A_653 : i32
        %get3A_655 = arith.index_cast %add3A_654 : i32 to index
        %get3A_656 = arith.constant 48 : index
        %get3A_657 = tpu.vector_load %arg8[%get3A_655, %get3A_656] {strides = array<i32>} : memref<320x128xf32, #tpu.memory_space<vmem>>, vector<16xf32>,
        %add3A_658 = arith.addf %add3A_634, %get3A_657 : vector<16xf32>
        %add3A_659 = arith.constant 7 : i32
        %add3A_660 = arith.addi %mul3A_490, %add3A_659 : i32
        %get3A_661 = arith.index_cast %add3A_660 : i32 to index
        %get3A_662 = arith.constant 0 : index
        %get3A_663 = tpu.vector_load %arg8[%get3A_661, %get3A_662] {strides = array<i32>} : memref<320x128xf32, #tpu.memory_space<vmem>>, vector<16xf32>,
        %add3A_664 = arith.addf %add3A_640, %get3A_663 : vector<16xf32>
        %add3A_665 = arith.constant 7 : i32
        %add3A_666 = arith.addi %mul3A_490, %add3A_665 : i32
        %get3A_667 = arith.index_cast %add3A_666 : i32 to index
        %get3A_668 = arith.constant 16 : index
        %get3A_669 = tpu.vector_load %arg8[%get3A_667, %get3A_668] {strides = array<i32>} : memref<320x128xf32, #tpu.memory_space<vmem>>, vector<16xf32>,
        %add3A_670 = arith.addf %add3A_646, %get3A_669 : vector<16xf32>
        %add3A_671 = arith.constant 7 : i32
        %add3A_672 = arith.addi %mul3A_490, %add3A_671 : i32
        %get3A_673 = arith.index_cast %add3A_672 : i32 to index
        %get3A_674 = arith.constant 32 : index
        %get3A_675 = tpu.vector_load %arg8[%get3A_673, %get3A_674] {strides = array<i32>} : memref<320x128xf32, #tpu.memory_space<vmem>>, vector<16xf32>,
        %add3A_676 = arith.addf %add3A_652, %get3A_675 : vector<16xf32>
        %add3A_677 = arith.constant 7 : i32
        %add3A_678 = arith.addi %mul3A_490, %add3A_677 : i32
        %get3A_679 = arith.index_cast %add3A_678 : i32 to index
        %get3A_680 = arith.constant 48 : index
        %get3A_681 = tpu.vector_load %arg8[%get3A_679, %get3A_680] {strides = array<i32>} : memref<320x128xf32, #tpu.memory_space<vmem>>, vector<16xf32>,
        %add3A_682 = arith.addf %add3A_658, %get3A_681 : vector<16xf32>
        %add3A_683 = arith.constant 8 : i32
        %add3A_684 = arith.addi %mul3A_490, %add3A_683 : i32
        %get3A_685 = arith.index_cast %add3A_684 : i32 to index
        %get3A_686 = arith.constant 0 : index
        %get3A_687 = tpu.vector_load %arg8[%get3A_685, %get3A_686] {strides = array<i32>} : memref<320x128xf32, #tpu.memory_space<vmem>>, vector<16xf32>,
        %add3A_688 = arith.addf %add3A_664, %get3A_687 : vector<16xf32>
        %add3A_689 = arith.constant 8 : i32
        %add3A_690 = arith.addi %mul3A_490, %add3A_689 : i32
        %get3A_691 = arith.index_cast %add3A_690 : i32 to index
        %get3A_692 = arith.constant 16 : index
        %get3A_693 = tpu.vector_load %arg8[%get3A_691, %get3A_692] {strides = array<i32>} : memref<320x128xf32, #tpu.memory_space<vmem>>, vector<16xf32>,
        %add3A_694 = arith.addf %add3A_670, %get3A_693 : vector<16xf32>
        %add3A_695 = arith.constant 8 : i32
        %add3A_696 = arith.addi %mul3A_490, %add3A_695 : i32
        %get3A_697 = arith.index_cast %add3A_696 : i32 to index
        %get3A_698 = arith.constant 32 : index
        %get3A_699 = tpu.vector_load %arg8[%get3A_697, %get3A_698] {strides = array<i32>} : memref<320x128xf32, #tpu.memory_space<vmem>>, vector<16xf32>,
        %add3A_700 = arith.addf %add3A_676, %get3A_699 : vector<16xf32>
        %add3A_701 = arith.constant 8 : i32
        %add3A_702 = arith.addi %mul3A_490, %add3A_701 : i32
        %get3A_703 = arith.index_cast %add3A_702 : i32 to index
        %get3A_704 = arith.constant 48 : index
        %get3A_705 = tpu.vector_load %arg8[%get3A_703, %get3A_704] {strides = array<i32>} : memref<320x128xf32, #tpu.memory_space<vmem>>, vector<16xf32>,
        %add3A_706 = arith.addf %add3A_682, %get3A_705 : vector<16xf32>
        %add3A_707 = arith.constant 9 : i32
        %add3A_708 = arith.addi %mul3A_490, %add3A_707 : i32
        %get3A_709 = arith.index_cast %add3A_708 : i32 to index
        %get3A_710 = arith.constant 0 : index
        %get3A_711 = tpu.vector_load %arg8[%get3A_709, %get3A_710] {strides = array<i32>} : memref<320x128xf32, #tpu.memory_space<vmem>>, vector<16xf32>,
        %add3A_712 = arith.addf %add3A_688, %get3A_711 : vector<16xf32>
        %add3A_713 = arith.constant 9 : i32
        %add3A_714 = arith.addi %mul3A_490, %add3A_713 : i32
        %get3A_715 = arith.index_cast %add3A_714 : i32 to index
        %get3A_716 = arith.constant 16 : index
        %get3A_717 = tpu.vector_load %arg8[%get3A_715, %get3A_716] {strides = array<i32>} : memref<320x128xf32, #tpu.memory_space<vmem>>, vector<16xf32>,
        %add3A_718 = arith.addf %add3A_694, %get3A_717 : vector<16xf32>
        %add3A_719 = arith.constant 9 : i32
        %add3A_720 = arith.addi %mul3A_490, %add3A_719 : i32
        %get3A_721 = arith.index_cast %add3A_720 : i32 to index
        %get3A_722 = arith.constant 32 : index
        %get3A_723 = tpu.vector_load %arg8[%get3A_721, %get3A_722] {strides = array<i32>} : memref<320x128xf32, #tpu.memory_space<vmem>>, vector<16xf32>,
        %add3A_724 = arith.addf %add3A_700, %get3A_723 : vector<16xf32>
        %add3A_725 = arith.constant 9 : i32
        %add3A_726 = arith.addi %mul3A_490, %add3A_725 : i32
        %get3A_727 = arith.index_cast %add3A_726 : i32 to index
        %get3A_728 = arith.constant 48 : index
        %get3A_729 = tpu.vector_load %arg8[%get3A_727, %get3A_728] {strides = array<i32>} : memref<320x128xf32, #tpu.memory_space<vmem>>, vector<16xf32>,
        %add3A_730 = arith.addf %add3A_706, %get3A_729 : vector<16xf32>
        %add3A_731 = arith.constant 10 : i32
        %add3A_732 = arith.addi %mul3A_490, %add3A_731 : i32
        %get3A_733 = arith.index_cast %add3A_732 : i32 to index
        %get3A_734 = arith.constant 0 : index
        %get3A_735 = tpu.vector_load %arg8[%get3A_733, %get3A_734] {strides = array<i32>} : memref<320x128xf32, #tpu.memory_space<vmem>>, vector<16xf32>,
        %add3A_736 = arith.addf %add3A_712, %get3A_735 : vector<16xf32>
        %add3A_737 = arith.constant 10 : i32
        %add3A_738 = arith.addi %mul3A_490, %add3A_737 : i32
        %get3A_739 = arith.index_cast %add3A_738 : i32 to index
        %get3A_740 = arith.constant 16 : index
        %get3A_741 = tpu.vector_load %arg8[%get3A_739, %get3A_740] {strides = array<i32>} : memref<320x128xf32, #tpu.memory_space<vmem>>, vector<16xf32>,
        %add3A_742 = arith.addf %add3A_718, %get3A_741 : vector<16xf32>
        %add3A_743 = arith.constant 10 : i32
        %add3A_744 = arith.addi %mul3A_490, %add3A_743 : i32
        %get3A_745 = arith.index_cast %add3A_744 : i32 to index
        %get3A_746 = arith.constant 32 : index
        %get3A_747 = tpu.vector_load %arg8[%get3A_745, %get3A_746] {strides = array<i32>} : memref<320x128xf32, #tpu.memory_space<vmem>>, vector<16xf32>,
        %add3A_748 = arith.addf %add3A_724, %get3A_747 : vector<16xf32>
        %add3A_749 = arith.constant 10 : i32
        %add3A_750 = arith.addi %mul3A_490, %add3A_749 : i32
        %get3A_751 = arith.index_cast %add3A_750 : i32 to index
        %get3A_752 = arith.constant 48 : index
        %get3A_753 = tpu.vector_load %arg8[%get3A_751, %get3A_752] {strides = array<i32>} : memref<320x128xf32, #tpu.memory_space<vmem>>, vector<16xf32>,
        %add3A_754 = arith.addf %add3A_730, %get3A_753 : vector<16xf32>
        %add3A_755 = arith.constant 11 : i32
        %add3A_756 = arith.addi %mul3A_490, %add3A_755 : i32
        %get3A_757 = arith.index_cast %add3A_756 : i32 to index
        %get3A_758 = arith.constant 0 : index
        %get3A_759 = tpu.vector_load %arg8[%get3A_757, %get3A_758] {strides = array<i32>} : memref<320x128xf32, #tpu.memory_space<vmem>>, vector<16xf32>,
        %add3A_760 = arith.addf %add3A_736, %get3A_759 : vector<16xf32>
        %add3A_761 = arith.constant 11 : i32
        %add3A_762 = arith.addi %mul3A_490, %add3A_761 : i32
        %get3A_763 = arith.index_cast %add3A_762 : i32 to index
        %get3A_764 = arith.constant 16 : index
        %get3A_765 = tpu.vector_load %arg8[%get3A_763, %get3A_764] {strides = array<i32>} : memref<320x128xf32, #tpu.memory_space<vmem>>, vector<16xf32>,
        %add3A_766 = arith.addf %add3A_742, %get3A_765 : vector<16xf32>
        %add3A_767 = arith.constant 11 : i32
        %add3A_768 = arith.addi %mul3A_490, %add3A_767 : i32
        %get3A_769 = arith.index_cast %add3A_768 : i32 to index
        %get3A_770 = arith.constant 32 : index
        %get3A_771 = tpu.vector_load %arg8[%get3A_769, %get3A_770] {strides = array<i32>} : memref<320x128xf32, #tpu.memory_space<vmem>>, vector<16xf32>,
        %add3A_772 = arith.addf %add3A_748, %get3A_771 : vector<16xf32>
        %add3A_773 = arith.constant 11 : i32
        %add3A_774 = arith.addi %mul3A_490, %add3A_773 : i32
        %get3A_775 = arith.index_cast %add3A_774 : i32 to index
        %get3A_776 = arith.constant 48 : index
        %get3A_777 = tpu.vector_load %arg8[%get3A_775, %get3A_776] {strides = array<i32>} : memref<320x128xf32, #tpu.memory_space<vmem>>, vector<16xf32>,
        %add3A_778 = arith.addf %add3A_754, %get3A_777 : vector<16xf32>
        %add3A_779 = arith.constant 12 : i32
        %add3A_780 = arith.addi %mul3A_490, %add3A_779 : i32
        %get3A_781 = arith.index_cast %add3A_780 : i32 to index
        %get3A_782 = arith.constant 0 : index
        %get3A_783 = tpu.vector_load %arg8[%get3A_781, %get3A_782] {strides = array<i32>} : memref<320x128xf32, #tpu.memory_space<vmem>>, vector<16xf32>,
        %add3A_784 = arith.addf %add3A_760, %get3A_783 : vector<16xf32>
        %add3A_785 = arith.constant 12 : i32
        %add3A_786 = arith.addi %mul3A_490, %add3A_785 : i32
        %get3A_787 = arith.index_cast %add3A_786 : i32 to index
        %get3A_788 = arith.constant 16 : index
        %get3A_789 = tpu.vector_load %arg8[%get3A_787, %get3A_788] {strides = array<i32>} : memref<320x128xf32, #tpu.memory_space<vmem>>, vector<16xf32>,
        %add3A_790 = arith.addf %add3A_766, %get3A_789 : vector<16xf32>
        %add3A_791 = arith.constant 12 : i32
        %add3A_792 = arith.addi %mul3A_490, %add3A_791 : i32
        %get3A_793 = arith.index_cast %add3A_792 : i32 to index
        %get3A_794 = arith.constant 32 : index
        %get3A_795 = tpu.vector_load %arg8[%get3A_793, %get3A_794] {strides = array<i32>} : memref<320x128xf32, #tpu.memory_space<vmem>>, vector<16xf32>,
        %add3A_796 = arith.addf %add3A_772, %get3A_795 : vector<16xf32>
        %add3A_797 = arith.constant 12 : i32
        %add3A_798 = arith.addi %mul3A_490, %add3A_797 : i32
        %get3A_799 = arith.index_cast %add3A_798 : i32 to index
        %get3A_800 = arith.constant 48 : index
        %get3A_801 = tpu.vector_load %arg8[%get3A_799, %get3A_800] {strides = array<i32>} : memref<320x128xf32, #tpu.memory_space<vmem>>, vector<16xf32>,
        %add3A_802 = arith.addf %add3A_778, %get3A_801 : vector<16xf32>
        %add3A_803 = arith.constant 13 : i32
        %add3A_804 = arith.addi %mul3A_490, %add3A_803 : i32
        %get3A_805 = arith.index_cast %add3A_804 : i32 to index
        %get3A_806 = arith.constant 0 : index
        %get3A_807 = tpu.vector_load %arg8[%get3A_805, %get3A_806] {strides = array<i32>} : memref<320x128xf32, #tpu.memory_space<vmem>>, vector<16xf32>,
        %add3A_808 = arith.addf %add3A_784, %get3A_807 : vector<16xf32>
        %add3A_809 = arith.constant 13 : i32
        %add3A_810 = arith.addi %mul3A_490, %add3A_809 : i32
        %get3A_811 = arith.index_cast %add3A_810 : i32 to index
        %get3A_812 = arith.constant 16 : index
        %get3A_813 = tpu.vector_load %arg8[%get3A_811, %get3A_812] {strides = array<i32>} : memref<320x128xf32, #tpu.memory_space<vmem>>, vector<16xf32>,
        %add3A_814 = arith.addf %add3A_790, %get3A_813 : vector<16xf32>
        %add3A_815 = arith.constant 13 : i32
        %add3A_816 = arith.addi %mul3A_490, %add3A_815 : i32
        %get3A_817 = arith.index_cast %add3A_816 : i32 to index
        %get3A_818 = arith.constant 32 : index
        %get3A_819 = tpu.vector_load %arg8[%get3A_817, %get3A_818] {strides = array<i32>} : memref<320x128xf32, #tpu.memory_space<vmem>>, vector<16xf32>,
        %add3A_820 = arith.addf %add3A_796, %get3A_819 : vector<16xf32>
        %add3A_821 = arith.constant 13 : i32
        %add3A_822 = arith.addi %mul3A_490, %add3A_821 : i32
        %get3A_823 = arith.index_cast %add3A_822 : i32 to index
        %get3A_824 = arith.constant 48 : index
        %get3A_825 = tpu.vector_load %arg8[%get3A_823, %get3A_824] {strides = array<i32>} : memref<320x128xf32, #tpu.memory_space<vmem>>, vector<16xf32>,
        %add3A_826 = arith.addf %add3A_802, %get3A_825 : vector<16xf32>
        %add3A_827 = arith.constant 14 : i32
        %add3A_828 = arith.addi %mul3A_490, %add3A_827 : i32
        %get3A_829 = arith.index_cast %add3A_828 : i32 to index
        %get3A_830 = arith.constant 0 : index
        %get3A_831 = tpu.vector_load %arg8[%get3A_829, %get3A_830] {strides = array<i32>} : memref<320x128xf32, #tpu.memory_space<vmem>>, vector<16xf32>,
        %add3A_832 = arith.addf %add3A_808, %get3A_831 : vector<16xf32>
        %add3A_833 = arith.constant 14 : i32
        %add3A_834 = arith.addi %mul3A_490, %add3A_833 : i32
        %get3A_835 = arith.index_cast %add3A_834 : i32 to index
        %get3A_836 = arith.constant 16 : index
        %get3A_837 = tpu.vector_load %arg8[%get3A_835, %get3A_836] {strides = array<i32>} : memref<320x128xf32, #tpu.memory_space<vmem>>, vector<16xf32>,
        %add3A_838 = arith.addf %add3A_814, %get3A_837 : vector<16xf32>
        %add3A_839 = arith.constant 14 : i32
        %add3A_840 = arith.addi %mul3A_490, %add3A_839 : i32
        %get3A_841 = arith.index_cast %add3A_840 : i32 to index
        %get3A_842 = arith.constant 32 : index
        %get3A_843 = tpu.vector_load %arg8[%get3A_841, %get3A_842] {strides = array<i32>} : memref<320x128xf32, #tpu.memory_space<vmem>>, vector<16xf32>,
        %add3A_844 = arith.addf %add3A_820, %get3A_843 : vector<16xf32>
        %add3A_845 = arith.constant 14 : i32
        %add3A_846 = arith.addi %mul3A_490, %add3A_845 : i32
        %get3A_847 = arith.index_cast %add3A_846 : i32 to index
        %get3A_848 = arith.constant 48 : index
        %get3A_849 = tpu.vector_load %arg8[%get3A_847, %get3A_848] {strides = array<i32>} : memref<320x128xf32, #tpu.memory_space<vmem>>, vector<16xf32>,
        %add3A_850 = arith.addf %add3A_826, %get3A_849 : vector<16xf32>
        %add3A_851 = arith.constant 15 : i32
        %add3A_852 = arith.addi %mul3A_490, %add3A_851 : i32
        %get3A_853 = arith.index_cast %add3A_852 : i32 to index
        %get3A_854 = arith.constant 0 : index
        %get3A_855 = tpu.vector_load %arg8[%get3A_853, %get3A_854] {strides = array<i32>} : memref<320x128xf32, #tpu.memory_space<vmem>>, vector<16xf32>,
        %add3A_856 = arith.addf %add3A_832, %get3A_855 : vector<16xf32>
        %add3A_857 = arith.constant 15 : i32
        %add3A_858 = arith.addi %mul3A_490, %add3A_857 : i32
        %get3A_859 = arith.index_cast %add3A_858 : i32 to index
        %get3A_860 = arith.constant 16 : index
        %get3A_861 = tpu.vector_load %arg8[%get3A_859, %get3A_860] {strides = array<i32>} : memref<320x128xf32, #tpu.memory_space<vmem>>, vector<16xf32>,
        %add3A_862 = arith.addf %add3A_838, %get3A_861 : vector<16xf32>
        %add3A_863 = arith.constant 15 : i32
        %add3A_864 = arith.addi %mul3A_490, %add3A_863 : i32
        %get3A_865 = arith.index_cast %add3A_864 : i32 to index
        %get3A_866 = arith.constant 32 : index
        %get3A_867 = tpu.vector_load %arg8[%get3A_865, %get3A_866] {strides = array<i32>} : memref<320x128xf32, #tpu.memory_space<vmem>>, vector<16xf32>,
        %add3A_868 = arith.addf %add3A_844, %get3A_867 : vector<16xf32>
        %add3A_869 = arith.constant 15 : i32
        %add3A_870 = arith.addi %mul3A_490, %add3A_869 : i32
        %get3A_871 = arith.index_cast %add3A_870 : i32 to index
        %get3A_872 = arith.constant 48 : index
        %get3A_873 = tpu.vector_load %arg8[%get3A_871, %get3A_872] {strides = array<i32>} : memref<320x128xf32, #tpu.memory_space<vmem>>, vector<16xf32>,
        %add3A_874 = arith.addf %add3A_850, %get3A_873 : vector<16xf32>
        %add3A_875 = arith.constant 16 : i32
        %add3A_876 = arith.addi %mul3A_490, %add3A_875 : i32
        %get3A_877 = arith.index_cast %add3A_876 : i32 to index
        %get3A_878 = arith.constant 0 : index
        %get3A_879 = tpu.vector_load %arg8[%get3A_877, %get3A_878] {strides = array<i32>} : memref<320x128xf32, #tpu.memory_space<vmem>>, vector<16xf32>,
        %add3A_880 = arith.addf %add3A_856, %get3A_879 : vector<16xf32>
        %add3A_881 = arith.constant 16 : i32
        %add3A_882 = arith.addi %mul3A_490, %add3A_881 : i32
        %get3A_883 = arith.index_cast %add3A_882 : i32 to index
        %get3A_884 = arith.constant 16 : index
        %get3A_885 = tpu.vector_load %arg8[%get3A_883, %get3A_884] {strides = array<i32>} : memref<320x128xf32, #tpu.memory_space<vmem>>, vector<16xf32>,
        %add3A_886 = arith.addf %add3A_862, %get3A_885 : vector<16xf32>
        %add3A_887 = arith.constant 16 : i32
        %add3A_888 = arith.addi %mul3A_490, %add3A_887 : i32
        %get3A_889 = arith.index_cast %add3A_888 : i32 to index
        %get3A_890 = arith.constant 32 : index
        %get3A_891 = tpu.vector_load %arg8[%get3A_889, %get3A_890] {strides = array<i32>} : memref<320x128xf32, #tpu.memory_space<vmem>>, vector<16xf32>,
        %add3A_892 = arith.addf %add3A_868, %get3A_891 : vector<16xf32>
        %add3A_893 = arith.constant 16 : i32
        %add3A_894 = arith.addi %mul3A_490, %add3A_893 : i32
        %get3A_895 = arith.index_cast %add3A_894 : i32 to index
        %get3A_896 = arith.constant 48 : index
        %get3A_897 = tpu.vector_load %arg8[%get3A_895, %get3A_896] {strides = array<i32>} : memref<320x128xf32, #tpu.memory_space<vmem>>, vector<16xf32>,
        %add3A_898 = arith.addf %add3A_874, %get3A_897 : vector<16xf32>
        %add3A_899 = arith.constant 17 : i32
        %add3A_900 = arith.addi %mul3A_490, %add3A_899 : i32
        %get3A_901 = arith.index_cast %add3A_900 : i32 to index
        %get3A_902 = arith.constant 0 : index
        %get3A_903 = tpu.vector_load %arg8[%get3A_901, %get3A_902] {strides = array<i32>} : memref<320x128xf32, #tpu.memory_space<vmem>>, vector<16xf32>,
        %add3A_904 = arith.addf %add3A_880, %get3A_903 : vector<16xf32>
        %add3A_905 = arith.constant 17 : i32
        %add3A_906 = arith.addi %mul3A_490, %add3A_905 : i32
        %get3A_907 = arith.index_cast %add3A_906 : i32 to index
        %get3A_908 = arith.constant 16 : index
        %get3A_909 = tpu.vector_load %arg8[%get3A_907, %get3A_908] {strides = array<i32>} : memref<320x128xf32, #tpu.memory_space<vmem>>, vector<16xf32>,
        %add3A_910 = arith.addf %add3A_886, %get3A_909 : vector<16xf32>
        %add3A_911 = arith.constant 17 : i32
        %add3A_912 = arith.addi %mul3A_490, %add3A_911 : i32
        %get3A_913 = arith.index_cast %add3A_912 : i32 to index
        %get3A_914 = arith.constant 32 : index
        %get3A_915 = tpu.vector_load %arg8[%get3A_913, %get3A_914] {strides = array<i32>} : memref<320x128xf32, #tpu.memory_space<vmem>>, vector<16xf32>,
        %add3A_916 = arith.addf %add3A_892, %get3A_915 : vector<16xf32>
        %add3A_917 = arith.constant 17 : i32
        %add3A_918 = arith.addi %mul3A_490, %add3A_917 : i32
        %get3A_919 = arith.index_cast %add3A_918 : i32 to index
        %get3A_920 = arith.constant 48 : index
        %get3A_921 = tpu.vector_load %arg8[%get3A_919, %get3A_920] {strides = array<i32>} : memref<320x128xf32, #tpu.memory_space<vmem>>, vector<16xf32>,
        %add3A_922 = arith.addf %add3A_898, %get3A_921 : vector<16xf32>
        %add3A_923 = arith.constant 18 : i32
        %add3A_924 = arith.addi %mul3A_490, %add3A_923 : i32
        %get3A_925 = arith.index_cast %add3A_924 : i32 to index
        %get3A_926 = arith.constant 0 : index
        %get3A_927 = tpu.vector_load %arg8[%get3A_925, %get3A_926] {strides = array<i32>} : memref<320x128xf32, #tpu.memory_space<vmem>>, vector<16xf32>,
        %add3A_928 = arith.addf %add3A_904, %get3A_927 : vector<16xf32>
        %add3A_929 = arith.constant 18 : i32
        %add3A_930 = arith.addi %mul3A_490, %add3A_929 : i32
        %get3A_931 = arith.index_cast %add3A_930 : i32 to index
        %get3A_932 = arith.constant 16 : index
        %get3A_933 = tpu.vector_load %arg8[%get3A_931, %get3A_932] {strides = array<i32>} : memref<320x128xf32, #tpu.memory_space<vmem>>, vector<16xf32>,
        %add3A_934 = arith.addf %add3A_910, %get3A_933 : vector<16xf32>
        %add3A_935 = arith.constant 18 : i32
        %add3A_936 = arith.addi %mul3A_490, %add3A_935 : i32
        %get3A_937 = arith.index_cast %add3A_936 : i32 to index
        %get3A_938 = arith.constant 32 : index
        %get3A_939 = tpu.vector_load %arg8[%get3A_937, %get3A_938] {strides = array<i32>} : memref<320x128xf32, #tpu.memory_space<vmem>>, vector<16xf32>,
        %add3A_940 = arith.addf %add3A_916, %get3A_939 : vector<16xf32>
        %add3A_941 = arith.constant 18 : i32
        %add3A_942 = arith.addi %mul3A_490, %add3A_941 : i32
        %get3A_943 = arith.index_cast %add3A_942 : i32 to index
        %get3A_944 = arith.constant 48 : index
        %get3A_945 = tpu.vector_load %arg8[%get3A_943, %get3A_944] {strides = array<i32>} : memref<320x128xf32, #tpu.memory_space<vmem>>, vector<16xf32>,
        %add3A_946 = arith.addf %add3A_922, %get3A_945 : vector<16xf32>
        %add3A_947 = arith.constant 19 : i32
        %add3A_948 = arith.addi %mul3A_490, %add3A_947 : i32
        %get3A_949 = arith.index_cast %add3A_948 : i32 to index
        %get3A_950 = arith.constant 0 : index
        %get3A_951 = tpu.vector_load %arg8[%get3A_949, %get3A_950] {strides = array<i32>} : memref<320x128xf32, #tpu.memory_space<vmem>>, vector<16xf32>,
        %add3A_952 = arith.addf %add3A_928, %get3A_951 : vector<16xf32>
        %add3A_953 = arith.constant 19 : i32
        %add3A_954 = arith.addi %mul3A_490, %add3A_953 : i32
        %get3A_955 = arith.index_cast %add3A_954 : i32 to index
        %get3A_956 = arith.constant 16 : index
        %get3A_957 = tpu.vector_load %arg8[%get3A_955, %get3A_956] {strides = array<i32>} : memref<320x128xf32, #tpu.memory_space<vmem>>, vector<16xf32>,
        %add3A_958 = arith.addf %add3A_934, %get3A_957 : vector<16xf32>
        %add3A_959 = arith.constant 19 : i32
        %add3A_960 = arith.addi %mul3A_490, %add3A_959 : i32
        %get3A_961 = arith.index_cast %add3A_960 : i32 to index
        %get3A_962 = arith.constant 32 : index
        %get3A_963 = tpu.vector_load %arg8[%get3A_961, %get3A_962] {strides = array<i32>} : memref<320x128xf32, #tpu.memory_space<vmem>>, vector<16xf32>,
        %add3A_964 = arith.addf %add3A_940, %get3A_963 : vector<16xf32>
        %add3A_965 = arith.constant 19 : i32
        %add3A_966 = arith.addi %mul3A_490, %add3A_965 : i32
        %get3A_967 = arith.index_cast %add3A_966 : i32 to index
        %get3A_968 = arith.constant 48 : index
        %get3A_969 = tpu.vector_load %arg8[%get3A_967, %get3A_968] {strides = array<i32>} : memref<320x128xf32, #tpu.memory_space<vmem>>, vector<16xf32>,
        %add3A_970 = arith.addf %add3A_946, %get3A_969 : vector<16xf32>
        %get3A_971 = arith.constant 0 : i32
        %get3A_972 = arith.index_cast %get3A_971 : i32 to index
        %get3A_973 = arith.constant 0 : index
        %get3A_974 = tpu.vector_load %arg11[%get3A_972, %get3A_973] {strides = array<i32>} : memref<1x128xf32, #tpu.memory_space<vmem>>, vector<16xf32>,
        %mul3A_975 = arith.mulf %gather3A_502, %get3A_974 : vector<16xf32>
        %sub3A = arith.subf %add3A_952, %mul3A_975 : vector<16xf32>
        %swap3A_976 = arith.index_cast %scan3A_488 : i32 to index
        %swap3A_977 = arith.constant 0 : index
        %swap3A_978 = tpu.vector_load %arg10[%swap3A_976, %swap3A_977] {strides = array<i32>} : memref<16x128xf32, #tpu.memory_space<vmem>>, vector<16xf32>,
        tpu.vector_store %arg10[%swap3A_976, %swap3A_977], %sub3A {strides = array<i32>} : memref<16x128xf32, #tpu.memory_space<vmem>>, vector<16xf32>,
        %get3A_979 = arith.constant 0 : i32
        %get3A_980 = arith.index_cast %get3A_979 : i32 to index
        %get3A_981 = arith.constant 16 : index
        %get3A_982 = tpu.vector_load %arg11[%get3A_980, %get3A_981] {strides = array<i32>} : memref<1x128xf32, #tpu.memory_space<vmem>>, vector<16xf32>,
        %mul3A_983 = arith.mulf %gather3A_502, %get3A_982 : vector<16xf32>
        %sub3A_984 = arith.subf %add3A_958, %mul3A_983 : vector<16xf32>
        %swap3A_985 = arith.index_cast %scan3A_488 : i32 to index
        %swap3A_986 = arith.constant 16 : index
        %swap3A_987 = tpu.vector_load %arg10[%swap3A_985, %swap3A_986] {strides = array<i32>} : memref<16x128xf32, #tpu.memory_space<vmem>>, vector<16xf32>,
        tpu.vector_store %arg10[%swap3A_985, %swap3A_986], %sub3A_984 {strides = array<i32>} : memref<16x128xf32, #tpu.memory_space<vmem>>, vector<16xf32>,
        %get3A_988 = arith.constant 0 : i32
        %get3A_989 = arith.index_cast %get3A_988 : i32 to index
        %get3A_990 = arith.constant 32 : index
        %get3A_991 = tpu.vector_load %arg11[%get3A_989, %get3A_990] {strides = array<i32>} : memref<1x128xf32, #tpu.memory_space<vmem>>, vector<16xf32>,
        %mul3A_992 = arith.mulf %gather3A_502, %get3A_991 : vector<16xf32>
        %sub3A_993 = arith.subf %add3A_964, %mul3A_992 : vector<16xf32>
        %swap3A_994 = arith.index_cast %scan3A_488 : i32 to index
        %swap3A_995 = arith.constant 32 : index
        %swap3A_996 = tpu.vector_load %arg10[%swap3A_994, %swap3A_995] {strides = array<i32>} : memref<16x128xf32, #tpu.memory_space<vmem>>, vector<16xf32>,
        tpu.vector_store %arg10[%swap3A_994, %swap3A_995], %sub3A_993 {strides = array<i32>} : memref<16x128xf32, #tpu.memory_space<vmem>>, vector<16xf32>,
        %get3A_997 = arith.constant 0 : i32
        %get3A_998 = arith.index_cast %get3A_997 : i32 to index
        %get3A_999 = arith.constant 48 : index
        %get3A_1000 = tpu.vector_load %arg11[%get3A_998, %get3A_999] {strides = array<i32>} : memref<1x128xf32, #tpu.memory_space<vmem>>, vector<16xf32>,
        %mul3A_1001 = arith.mulf %gather3A_502, %get3A_1000 : vector<16xf32>
        %sub3A_1002 = arith.subf %add3A_970, %mul3A_1001 : vector<16xf32>
        %swap3A_1003 = arith.index_cast %scan3A_488 : i32 to index
        %swap3A_1004 = arith.constant 48 : index
        %swap3A_1005 = tpu.vector_load %arg10[%swap3A_1003, %swap3A_1004] {strides = array<i32>} : memref<16x128xf32, #tpu.memory_space<vmem>>, vector<16xf32>,
        tpu.vector_store %arg10[%swap3A_1003, %swap3A_1004], %sub3A_1002 {strides = array<i32>} : memref<16x128xf32, #tpu.memory_space<vmem>>, vector<16xf32>,
        %get3A_1006 = arith.index_cast %mul3A_490 : i32 to index
        %get3A_1007 = arith.constant 64 : index
        %get3A_1008 = tpu.vector_load %arg8[%get3A_1006, %get3A_1007] {strides = array<i32>} : memref<320x128xf32, #tpu.memory_space<vmem>>, vector<16xf32>,
        %get3A_1009 = arith.index_cast %mul3A_490 : i32 to index
        %get3A_1010 = arith.constant 80 : index
        %get3A_1011 = tpu.vector_load %arg8[%get3A_1009, %get3A_1010] {strides = array<i32>} : memref<320x128xf32, #tpu.memory_space<vmem>>, vector<16xf32>,
        %get3A_1012 = arith.index_cast %mul3A_490 : i32 to index
        %get3A_1013 = arith.constant 96 : index
        %get3A_1014 = tpu.vector_load %arg8[%get3A_1012, %get3A_1013] {strides = array<i32>} : memref<320x128xf32, #tpu.memory_space<vmem>>, vector<16xf32>,
        %get3A_1015 = arith.index_cast %mul3A_490 : i32 to index
        %get3A_1016 = arith.constant 112 : index
        %get3A_1017 = tpu.vector_load %arg8[%get3A_1015, %get3A_1016] {strides = array<i32>} : memref<320x128xf32, #tpu.memory_space<vmem>>, vector<16xf32>,
        %add3A_1018 = arith.constant 1 : i32
        %add3A_1019 = arith.addi %mul3A_490, %add3A_1018 : i32
        %get3A_1020 = arith.index_cast %add3A_1019 : i32 to index
        %get3A_1021 = arith.constant 64 : index
        %get3A_1022 = tpu.vector_load %arg8[%get3A_1020, %get3A_1021] {strides = array<i32>} : memref<320x128xf32, #tpu.memory_space<vmem>>, vector<16xf32>,
        %add3A_1023 = arith.addf %get3A_1008, %get3A_1022 : vector<16xf32>
        %add3A_1024 = arith.constant 1 : i32
        %add3A_1025 = arith.addi %mul3A_490, %add3A_1024 : i32
        %get3A_1026 = arith.index_cast %add3A_1025 : i32 to index
        %get3A_1027 = arith.constant 80 : index
        %get3A_1028 = tpu.vector_load %arg8[%get3A_1026, %get3A_1027] {strides = array<i32>} : memref<320x128xf32, #tpu.memory_space<vmem>>, vector<16xf32>,
        %add3A_1029 = arith.addf %get3A_1011, %get3A_1028 : vector<16xf32>
        %add3A_1030 = arith.constant 1 : i32
        %add3A_1031 = arith.addi %mul3A_490, %add3A_1030 : i32
        %get3A_1032 = arith.index_cast %add3A_1031 : i32 to index
        %get3A_1033 = arith.constant 96 : index
        %get3A_1034 = tpu.vector_load %arg8[%get3A_1032, %get3A_1033] {strides = array<i32>} : memref<320x128xf32, #tpu.memory_space<vmem>>, vector<16xf32>,
        %add3A_1035 = arith.addf %get3A_1014, %get3A_1034 : vector<16xf32>
        %add3A_1036 = arith.constant 1 : i32
        %add3A_1037 = arith.addi %mul3A_490, %add3A_1036 : i32
        %get3A_1038 = arith.index_cast %add3A_1037 : i32 to index
        %get3A_1039 = arith.constant 112 : index
        %get3A_1040 = tpu.vector_load %arg8[%get3A_1038, %get3A_1039] {strides = array<i32>} : memref<320x128xf32, #tpu.memory_space<vmem>>, vector<16xf32>,
        %add3A_1041 = arith.addf %get3A_1017, %get3A_1040 : vector<16xf32>
        %add3A_1042 = arith.constant 2 : i32
        %add3A_1043 = arith.addi %mul3A_490, %add3A_1042 : i32
        %get3A_1044 = arith.index_cast %add3A_1043 : i32 to index
        %get3A_1045 = arith.constant 64 : index
        %get3A_1046 = tpu.vector_load %arg8[%get3A_1044, %get3A_1045] {strides = array<i32>} : memref<320x128xf32, #tpu.memory_space<vmem>>, vector<16xf32>,
        %add3A_1047 = arith.addf %add3A_1023, %get3A_1046 : vector<16xf32>
        %add3A_1048 = arith.constant 2 : i32
        %add3A_1049 = arith.addi %mul3A_490, %add3A_1048 : i32
        %get3A_1050 = arith.index_cast %add3A_1049 : i32 to index
        %get3A_1051 = arith.constant 80 : index
        %get3A_1052 = tpu.vector_load %arg8[%get3A_1050, %get3A_1051] {strides = array<i32>} : memref<320x128xf32, #tpu.memory_space<vmem>>, vector<16xf32>,
        %add3A_1053 = arith.addf %add3A_1029, %get3A_1052 : vector<16xf32>
        %add3A_1054 = arith.constant 2 : i32
        %add3A_1055 = arith.addi %mul3A_490, %add3A_1054 : i32
        %get3A_1056 = arith.index_cast %add3A_1055 : i32 to index
        %get3A_1057 = arith.constant 96 : index
        %get3A_1058 = tpu.vector_load %arg8[%get3A_1056, %get3A_1057] {strides = array<i32>} : memref<320x128xf32, #tpu.memory_space<vmem>>, vector<16xf32>,
        %add3A_1059 = arith.addf %add3A_1035, %get3A_1058 : vector<16xf32>
        %add3A_1060 = arith.constant 2 : i32
        %add3A_1061 = arith.addi %mul3A_490, %add3A_1060 : i32
        %get3A_1062 = arith.index_cast %add3A_1061 : i32 to index
        %get3A_1063 = arith.constant 112 : index
        %get3A_1064 = tpu.vector_load %arg8[%get3A_1062, %get3A_1063] {strides = array<i32>} : memref<320x128xf32, #tpu.memory_space<vmem>>, vector<16xf32>,
        %add3A_1065 = arith.addf %add3A_1041, %get3A_1064 : vector<16xf32>
        %add3A_1066 = arith.constant 3 : i32
        %add3A_1067 = arith.addi %mul3A_490, %add3A_1066 : i32
        %get3A_1068 = arith.index_cast %add3A_1067 : i32 to index
        %get3A_1069 = arith.constant 64 : index
        %get3A_1070 = tpu.vector_load %arg8[%get3A_1068, %get3A_1069] {strides = array<i32>} : memref<320x128xf32, #tpu.memory_space<vmem>>, vector<16xf32>,
        %add3A_1071 = arith.addf %add3A_1047, %get3A_1070 : vector<16xf32>
        %add3A_1072 = arith.constant 3 : i32
        %add3A_1073 = arith.addi %mul3A_490, %add3A_1072 : i32
        %get3A_1074 = arith.index_cast %add3A_1073 : i32 to index
        %get3A_1075 = arith.constant 80 : index
        %get3A_1076 = tpu.vector_load %arg8[%get3A_1074, %get3A_1075] {strides = array<i32>} : memref<320x128xf32, #tpu.memory_space<vmem>>, vector<16xf32>,
        %add3A_1077 = arith.addf %add3A_1053, %get3A_1076 : vector<16xf32>
        %add3A_1078 = arith.constant 3 : i32
        %add3A_1079 = arith.addi %mul3A_490, %add3A_1078 : i32
        %get3A_1080 = arith.index_cast %add3A_1079 : i32 to index
        %get3A_1081 = arith.constant 96 : index
        %get3A_1082 = tpu.vector_load %arg8[%get3A_1080, %get3A_1081] {strides = array<i32>} : memref<320x128xf32, #tpu.memory_space<vmem>>, vector<16xf32>,
        %add3A_1083 = arith.addf %add3A_1059, %get3A_1082 : vector<16xf32>
        %add3A_1084 = arith.constant 3 : i32
        %add3A_1085 = arith.addi %mul3A_490, %add3A_1084 : i32
        %get3A_1086 = arith.index_cast %add3A_1085 : i32 to index
        %get3A_1087 = arith.constant 112 : index
        %get3A_1088 = tpu.vector_load %arg8[%get3A_1086, %get3A_1087] {strides = array<i32>} : memref<320x128xf32, #tpu.memory_space<vmem>>, vector<16xf32>,
        %add3A_1089 = arith.addf %add3A_1065, %get3A_1088 : vector<16xf32>
        %add3A_1090 = arith.constant 4 : i32
        %add3A_1091 = arith.addi %mul3A_490, %add3A_1090 : i32
        %get3A_1092 = arith.index_cast %add3A_1091 : i32 to index
        %get3A_1093 = arith.constant 64 : index
        %get3A_1094 = tpu.vector_load %arg8[%get3A_1092, %get3A_1093] {strides = array<i32>} : memref<320x128xf32, #tpu.memory_space<vmem>>, vector<16xf32>,
        %add3A_1095 = arith.addf %add3A_1071, %get3A_1094 : vector<16xf32>
        %add3A_1096 = arith.constant 4 : i32
        %add3A_1097 = arith.addi %mul3A_490, %add3A_1096 : i32
        %get3A_1098 = arith.index_cast %add3A_1097 : i32 to index
        %get3A_1099 = arith.constant 80 : index
        %get3A_1100 = tpu.vector_load %arg8[%get3A_1098, %get3A_1099] {strides = array<i32>} : memref<320x128xf32, #tpu.memory_space<vmem>>, vector<16xf32>,
        %add3A_1101 = arith.addf %add3A_1077, %get3A_1100 : vector<16xf32>
        %add3A_1102 = arith.constant 4 : i32
        %add3A_1103 = arith.addi %mul3A_490, %add3A_1102 : i32
        %get3A_1104 = arith.index_cast %add3A_1103 : i32 to index
        %get3A_1105 = arith.constant 96 : index
        %get3A_1106 = tpu.vector_load %arg8[%get3A_1104, %get3A_1105] {strides = array<i32>} : memref<320x128xf32, #tpu.memory_space<vmem>>, vector<16xf32>,
        %add3A_1107 = arith.addf %add3A_1083, %get3A_1106 : vector<16xf32>
        %add3A_1108 = arith.constant 4 : i32
        %add3A_1109 = arith.addi %mul3A_490, %add3A_1108 : i32
        %get3A_1110 = arith.index_cast %add3A_1109 : i32 to index
        %get3A_1111 = arith.constant 112 : index
        %get3A_1112 = tpu.vector_load %arg8[%get3A_1110, %get3A_1111] {strides = array<i32>} : memref<320x128xf32, #tpu.memory_space<vmem>>, vector<16xf32>,
        %add3A_1113 = arith.addf %add3A_1089, %get3A_1112 : vector<16xf32>
        %add3A_1114 = arith.constant 5 : i32
        %add3A_1115 = arith.addi %mul3A_490, %add3A_1114 : i32
        %get3A_1116 = arith.index_cast %add3A_1115 : i32 to index
        %get3A_1117 = arith.constant 64 : index
        %get3A_1118 = tpu.vector_load %arg8[%get3A_1116, %get3A_1117] {strides = array<i32>} : memref<320x128xf32, #tpu.memory_space<vmem>>, vector<16xf32>,
        %add3A_1119 = arith.addf %add3A_1095, %get3A_1118 : vector<16xf32>
        %add3A_1120 = arith.constant 5 : i32
        %add3A_1121 = arith.addi %mul3A_490, %add3A_1120 : i32
        %get3A_1122 = arith.index_cast %add3A_1121 : i32 to index
        %get3A_1123 = arith.constant 80 : index
        %get3A_1124 = tpu.vector_load %arg8[%get3A_1122, %get3A_1123] {strides = array<i32>} : memref<320x128xf32, #tpu.memory_space<vmem>>, vector<16xf32>,
        %add3A_1125 = arith.addf %add3A_1101, %get3A_1124 : vector<16xf32>
        %add3A_1126 = arith.constant 5 : i32
        %add3A_1127 = arith.addi %mul3A_490, %add3A_1126 : i32
        %get3A_1128 = arith.index_cast %add3A_1127 : i32 to index
        %get3A_1129 = arith.constant 96 : index
        %get3A_1130 = tpu.vector_load %arg8[%get3A_1128, %get3A_1129] {strides = array<i32>} : memref<320x128xf32, #tpu.memory_space<vmem>>, vector<16xf32>,
        %add3A_1131 = arith.addf %add3A_1107, %get3A_1130 : vector<16xf32>
        %add3A_1132 = arith.constant 5 : i32
        %add3A_1133 = arith.addi %mul3A_490, %add3A_1132 : i32
        %get3A_1134 = arith.index_cast %add3A_1133 : i32 to index
        %get3A_1135 = arith.constant 112 : index
        %get3A_1136 = tpu.vector_load %arg8[%get3A_1134, %get3A_1135] {strides = array<i32>} : memref<320x128xf32, #tpu.memory_space<vmem>>, vector<16xf32>,
        %add3A_1137 = arith.addf %add3A_1113, %get3A_1136 : vector<16xf32>
        %add3A_1138 = arith.constant 6 : i32
        %add3A_1139 = arith.addi %mul3A_490, %add3A_1138 : i32
        %get3A_1140 = arith.index_cast %add3A_1139 : i32 to index
        %get3A_1141 = arith.constant 64 : index
        %get3A_1142 = tpu.vector_load %arg8[%get3A_1140, %get3A_1141] {strides = array<i32>} : memref<320x128xf32, #tpu.memory_space<vmem>>, vector<16xf32>,
        %add3A_1143 = arith.addf %add3A_1119, %get3A_1142 : vector<16xf32>
        %add3A_1144 = arith.constant 6 : i32
        %add3A_1145 = arith.addi %mul3A_490, %add3A_1144 : i32
        %get3A_1146 = arith.index_cast %add3A_1145 : i32 to index
        %get3A_1147 = arith.constant 80 : index
        %get3A_1148 = tpu.vector_load %arg8[%get3A_1146, %get3A_1147] {strides = array<i32>} : memref<320x128xf32, #tpu.memory_space<vmem>>, vector<16xf32>,
        %add3A_1149 = arith.addf %add3A_1125, %get3A_1148 : vector<16xf32>
        %add3A_1150 = arith.constant 6 : i32
        %add3A_1151 = arith.addi %mul3A_490, %add3A_1150 : i32
        %get3A_1152 = arith.index_cast %add3A_1151 : i32 to index
        %get3A_1153 = arith.constant 96 : index
        %get3A_1154 = tpu.vector_load %arg8[%get3A_1152, %get3A_1153] {strides = array<i32>} : memref<320x128xf32, #tpu.memory_space<vmem>>, vector<16xf32>,
        %add3A_1155 = arith.addf %add3A_1131, %get3A_1154 : vector<16xf32>
        %add3A_1156 = arith.constant 6 : i32
        %add3A_1157 = arith.addi %mul3A_490, %add3A_1156 : i32
        %get3A_1158 = arith.index_cast %add3A_1157 : i32 to index
        %get3A_1159 = arith.constant 112 : index
        %get3A_1160 = tpu.vector_load %arg8[%get3A_1158, %get3A_1159] {strides = array<i32>} : memref<320x128xf32, #tpu.memory_space<vmem>>, vector<16xf32>,
        %add3A_1161 = arith.addf %add3A_1137, %get3A_1160 : vector<16xf32>
        %add3A_1162 = arith.constant 7 : i32
        %add3A_1163 = arith.addi %mul3A_490, %add3A_1162 : i32
        %get3A_1164 = arith.index_cast %add3A_1163 : i32 to index
        %get3A_1165 = arith.constant 64 : index
        %get3A_1166 = tpu.vector_load %arg8[%get3A_1164, %get3A_1165] {strides = array<i32>} : memref<320x128xf32, #tpu.memory_space<vmem>>, vector<16xf32>,
        %add3A_1167 = arith.addf %add3A_1143, %get3A_1166 : vector<16xf32>
        %add3A_1168 = arith.constant 7 : i32
        %add3A_1169 = arith.addi %mul3A_490, %add3A_1168 : i32
        %get3A_1170 = arith.index_cast %add3A_1169 : i32 to index
        %get3A_1171 = arith.constant 80 : index
        %get3A_1172 = tpu.vector_load %arg8[%get3A_1170, %get3A_1171] {strides = array<i32>} : memref<320x128xf32, #tpu.memory_space<vmem>>, vector<16xf32>,
        %add3A_1173 = arith.addf %add3A_1149, %get3A_1172 : vector<16xf32>
        %add3A_1174 = arith.constant 7 : i32
        %add3A_1175 = arith.addi %mul3A_490, %add3A_1174 : i32
        %get3A_1176 = arith.index_cast %add3A_1175 : i32 to index
        %get3A_1177 = arith.constant 96 : index
        %get3A_1178 = tpu.vector_load %arg8[%get3A_1176, %get3A_1177] {strides = array<i32>} : memref<320x128xf32, #tpu.memory_space<vmem>>, vector<16xf32>,
        %add3A_1179 = arith.addf %add3A_1155, %get3A_1178 : vector<16xf32>
        %add3A_1180 = arith.constant 7 : i32
        %add3A_1181 = arith.addi %mul3A_490, %add3A_1180 : i32
        %get3A_1182 = arith.index_cast %add3A_1181 : i32 to index
        %get3A_1183 = arith.constant 112 : index
        %get3A_1184 = tpu.vector_load %arg8[%get3A_1182, %get3A_1183] {strides = array<i32>} : memref<320x128xf32, #tpu.memory_space<vmem>>, vector<16xf32>,
        %add3A_1185 = arith.addf %add3A_1161, %get3A_1184 : vector<16xf32>
        %add3A_1186 = arith.constant 8 : i32
        %add3A_1187 = arith.addi %mul3A_490, %add3A_1186 : i32
        %get3A_1188 = arith.index_cast %add3A_1187 : i32 to index
        %get3A_1189 = arith.constant 64 : index
        %get3A_1190 = tpu.vector_load %arg8[%get3A_1188, %get3A_1189] {strides = array<i32>} : memref<320x128xf32, #tpu.memory_space<vmem>>, vector<16xf32>,
        %add3A_1191 = arith.addf %add3A_1167, %get3A_1190 : vector<16xf32>
        %add3A_1192 = arith.constant 8 : i32
        %add3A_1193 = arith.addi %mul3A_490, %add3A_1192 : i32
        %get3A_1194 = arith.index_cast %add3A_1193 : i32 to index
        %get3A_1195 = arith.constant 80 : index
        %get3A_1196 = tpu.vector_load %arg8[%get3A_1194, %get3A_1195] {strides = array<i32>} : memref<320x128xf32, #tpu.memory_space<vmem>>, vector<16xf32>,
        %add3A_1197 = arith.addf %add3A_1173, %get3A_1196 : vector<16xf32>
        %add3A_1198 = arith.constant 8 : i32
        %add3A_1199 = arith.addi %mul3A_490, %add3A_1198 : i32
        %get3A_1200 = arith.index_cast %add3A_1199 : i32 to index
        %get3A_1201 = arith.constant 96 : index
        %get3A_1202 = tpu.vector_load %arg8[%get3A_1200, %get3A_1201] {strides = array<i32>} : memref<320x128xf32, #tpu.memory_space<vmem>>, vector<16xf32>,
        %add3A_1203 = arith.addf %add3A_1179, %get3A_1202 : vector<16xf32>
        %add3A_1204 = arith.constant 8 : i32
        %add3A_1205 = arith.addi %mul3A_490, %add3A_1204 : i32
        %get3A_1206 = arith.index_cast %add3A_1205 : i32 to index
        %get3A_1207 = arith.constant 112 : index
        %get3A_1208 = tpu.vector_load %arg8[%get3A_1206, %get3A_1207] {strides = array<i32>} : memref<320x128xf32, #tpu.memory_space<vmem>>, vector<16xf32>,
        %add3A_1209 = arith.addf %add3A_1185, %get3A_1208 : vector<16xf32>
        %add3A_1210 = arith.constant 9 : i32
        %add3A_1211 = arith.addi %mul3A_490, %add3A_1210 : i32
        %get3A_1212 = arith.index_cast %add3A_1211 : i32 to index
        %get3A_1213 = arith.constant 64 : index
        %get3A_1214 = tpu.vector_load %arg8[%get3A_1212, %get3A_1213] {strides = array<i32>} : memref<320x128xf32, #tpu.memory_space<vmem>>, vector<16xf32>,
        %add3A_1215 = arith.addf %add3A_1191, %get3A_1214 : vector<16xf32>
        %add3A_1216 = arith.constant 9 : i32
        %add3A_1217 = arith.addi %mul3A_490, %add3A_1216 : i32
        %get3A_1218 = arith.index_cast %add3A_1217 : i32 to index
        %get3A_1219 = arith.constant 80 : index
        %get3A_1220 = tpu.vector_load %arg8[%get3A_1218, %get3A_1219] {strides = array<i32>} : memref<320x128xf32, #tpu.memory_space<vmem>>, vector<16xf32>,
        %add3A_1221 = arith.addf %add3A_1197, %get3A_1220 : vector<16xf32>
        %add3A_1222 = arith.constant 9 : i32
        %add3A_1223 = arith.addi %mul3A_490, %add3A_1222 : i32
        %get3A_1224 = arith.index_cast %add3A_1223 : i32 to index
        %get3A_1225 = arith.constant 96 : index
        %get3A_1226 = tpu.vector_load %arg8[%get3A_1224, %get3A_1225] {strides = array<i32>} : memref<320x128xf32, #tpu.memory_space<vmem>>, vector<16xf32>,
        %add3A_1227 = arith.addf %add3A_1203, %get3A_1226 : vector<16xf32>
        %add3A_1228 = arith.constant 9 : i32
        %add3A_1229 = arith.addi %mul3A_490, %add3A_1228 : i32
        %get3A_1230 = arith.index_cast %add3A_1229 : i32 to index
        %get3A_1231 = arith.constant 112 : index
        %get3A_1232 = tpu.vector_load %arg8[%get3A_1230, %get3A_1231] {strides = array<i32>} : memref<320x128xf32, #tpu.memory_space<vmem>>, vector<16xf32>,
        %add3A_1233 = arith.addf %add3A_1209, %get3A_1232 : vector<16xf32>
        %add3A_1234 = arith.constant 10 : i32
        %add3A_1235 = arith.addi %mul3A_490, %add3A_1234 : i32
        %get3A_1236 = arith.index_cast %add3A_1235 : i32 to index
        %get3A_1237 = arith.constant 64 : index
        %get3A_1238 = tpu.vector_load %arg8[%get3A_1236, %get3A_1237] {strides = array<i32>} : memref<320x128xf32, #tpu.memory_space<vmem>>, vector<16xf32>,
        %add3A_1239 = arith.addf %add3A_1215, %get3A_1238 : vector<16xf32>
        %add3A_1240 = arith.constant 10 : i32
        %add3A_1241 = arith.addi %mul3A_490, %add3A_1240 : i32
        %get3A_1242 = arith.index_cast %add3A_1241 : i32 to index
        %get3A_1243 = arith.constant 80 : index
        %get3A_1244 = tpu.vector_load %arg8[%get3A_1242, %get3A_1243] {strides = array<i32>} : memref<320x128xf32, #tpu.memory_space<vmem>>, vector<16xf32>,
        %add3A_1245 = arith.addf %add3A_1221, %get3A_1244 : vector<16xf32>
        %add3A_1246 = arith.constant 10 : i32
        %add3A_1247 = arith.addi %mul3A_490, %add3A_1246 : i32
        %get3A_1248 = arith.index_cast %add3A_1247 : i32 to index
        %get3A_1249 = arith.constant 96 : index
        %get3A_1250 = tpu.vector_load %arg8[%get3A_1248, %get3A_1249] {strides = array<i32>} : memref<320x128xf32, #tpu.memory_space<vmem>>, vector<16xf32>,
        %add3A_1251 = arith.addf %add3A_1227, %get3A_1250 : vector<16xf32>
        %add3A_1252 = arith.constant 10 : i32
        %add3A_1253 = arith.addi %mul3A_490, %add3A_1252 : i32
        %get3A_1254 = arith.index_cast %add3A_1253 : i32 to index
        %get3A_1255 = arith.constant 112 : index
        %get3A_1256 = tpu.vector_load %arg8[%get3A_1254, %get3A_1255] {strides = array<i32>} : memref<320x128xf32, #tpu.memory_space<vmem>>, vector<16xf32>,
        %add3A_1257 = arith.addf %add3A_1233, %get3A_1256 : vector<16xf32>
        %add3A_1258 = arith.constant 11 : i32
        %add3A_1259 = arith.addi %mul3A_490, %add3A_1258 : i32
        %get3A_1260 = arith.index_cast %add3A_1259 : i32 to index
        %get3A_1261 = arith.constant 64 : index
        %get3A_1262 = tpu.vector_load %arg8[%get3A_1260, %get3A_1261] {strides = array<i32>} : memref<320x128xf32, #tpu.memory_space<vmem>>, vector<16xf32>,
        %add3A_1263 = arith.addf %add3A_1239, %get3A_1262 : vector<16xf32>
        %add3A_1264 = arith.constant 11 : i32
        %add3A_1265 = arith.addi %mul3A_490, %add3A_1264 : i32
        %get3A_1266 = arith.index_cast %add3A_1265 : i32 to index
        %get3A_1267 = arith.constant 80 : index
        %get3A_1268 = tpu.vector_load %arg8[%get3A_1266, %get3A_1267] {strides = array<i32>} : memref<320x128xf32, #tpu.memory_space<vmem>>, vector<16xf32>,
        %add3A_1269 = arith.addf %add3A_1245, %get3A_1268 : vector<16xf32>
        %add3A_1270 = arith.constant 11 : i32
        %add3A_1271 = arith.addi %mul3A_490, %add3A_1270 : i32
        %get3A_1272 = arith.index_cast %add3A_1271 : i32 to index
        %get3A_1273 = arith.constant 96 : index
        %get3A_1274 = tpu.vector_load %arg8[%get3A_1272, %get3A_1273] {strides = array<i32>} : memref<320x128xf32, #tpu.memory_space<vmem>>, vector<16xf32>,
        %add3A_1275 = arith.addf %add3A_1251, %get3A_1274 : vector<16xf32>
        %add3A_1276 = arith.constant 11 : i32
        %add3A_1277 = arith.addi %mul3A_490, %add3A_1276 : i32
        %get3A_1278 = arith.index_cast %add3A_1277 : i32 to index
        %get3A_1279 = arith.constant 112 : index
        %get3A_1280 = tpu.vector_load %arg8[%get3A_1278, %get3A_1279] {strides = array<i32>} : memref<320x128xf32, #tpu.memory_space<vmem>>, vector<16xf32>,
        %add3A_1281 = arith.addf %add3A_1257, %get3A_1280 : vector<16xf32>
        %add3A_1282 = arith.constant 12 : i32
        %add3A_1283 = arith.addi %mul3A_490, %add3A_1282 : i32
        %get3A_1284 = arith.index_cast %add3A_1283 : i32 to index
        %get3A_1285 = arith.constant 64 : index
        %get3A_1286 = tpu.vector_load %arg8[%get3A_1284, %get3A_1285] {strides = array<i32>} : memref<320x128xf32, #tpu.memory_space<vmem>>, vector<16xf32>,
        %add3A_1287 = arith.addf %add3A_1263, %get3A_1286 : vector<16xf32>
        %add3A_1288 = arith.constant 12 : i32
        %add3A_1289 = arith.addi %mul3A_490, %add3A_1288 : i32
        %get3A_1290 = arith.index_cast %add3A_1289 : i32 to index
        %get3A_1291 = arith.constant 80 : index
        %get3A_1292 = tpu.vector_load %arg8[%get3A_1290, %get3A_1291] {strides = array<i32>} : memref<320x128xf32, #tpu.memory_space<vmem>>, vector<16xf32>,
        %add3A_1293 = arith.addf %add3A_1269, %get3A_1292 : vector<16xf32>
        %add3A_1294 = arith.constant 12 : i32
        %add3A_1295 = arith.addi %mul3A_490, %add3A_1294 : i32
        %get3A_1296 = arith.index_cast %add3A_1295 : i32 to index
        %get3A_1297 = arith.constant 96 : index
        %get3A_1298 = tpu.vector_load %arg8[%get3A_1296, %get3A_1297] {strides = array<i32>} : memref<320x128xf32, #tpu.memory_space<vmem>>, vector<16xf32>,
        %add3A_1299 = arith.addf %add3A_1275, %get3A_1298 : vector<16xf32>
        %add3A_1300 = arith.constant 12 : i32
        %add3A_1301 = arith.addi %mul3A_490, %add3A_1300 : i32
        %get3A_1302 = arith.index_cast %add3A_1301 : i32 to index
        %get3A_1303 = arith.constant 112 : index
        %get3A_1304 = tpu.vector_load %arg8[%get3A_1302, %get3A_1303] {strides = array<i32>} : memref<320x128xf32, #tpu.memory_space<vmem>>, vector<16xf32>,
        %add3A_1305 = arith.addf %add3A_1281, %get3A_1304 : vector<16xf32>
        %add3A_1306 = arith.constant 13 : i32
        %add3A_1307 = arith.addi %mul3A_490, %add3A_1306 : i32
        %get3A_1308 = arith.index_cast %add3A_1307 : i32 to index
        %get3A_1309 = arith.constant 64 : index
        %get3A_1310 = tpu.vector_load %arg8[%get3A_1308, %get3A_1309] {strides = array<i32>} : memref<320x128xf32, #tpu.memory_space<vmem>>, vector<16xf32>,
        %add3A_1311 = arith.addf %add3A_1287, %get3A_1310 : vector<16xf32>
        %add3A_1312 = arith.constant 13 : i32
        %add3A_1313 = arith.addi %mul3A_490, %add3A_1312 : i32
        %get3A_1314 = arith.index_cast %add3A_1313 : i32 to index
        %get3A_1315 = arith.constant 80 : index
        %get3A_1316 = tpu.vector_load %arg8[%get3A_1314, %get3A_1315] {strides = array<i32>} : memref<320x128xf32, #tpu.memory_space<vmem>>, vector<16xf32>,
        %add3A_1317 = arith.addf %add3A_1293, %get3A_1316 : vector<16xf32>
        %add3A_1318 = arith.constant 13 : i32
        %add3A_1319 = arith.addi %mul3A_490, %add3A_1318 : i32
        %get3A_1320 = arith.index_cast %add3A_1319 : i32 to index
        %get3A_1321 = arith.constant 96 : index
        %get3A_1322 = tpu.vector_load %arg8[%get3A_1320, %get3A_1321] {strides = array<i32>} : memref<320x128xf32, #tpu.memory_space<vmem>>, vector<16xf32>,
        %add3A_1323 = arith.addf %add3A_1299, %get3A_1322 : vector<16xf32>
        %add3A_1324 = arith.constant 13 : i32
        %add3A_1325 = arith.addi %mul3A_490, %add3A_1324 : i32
        %get3A_1326 = arith.index_cast %add3A_1325 : i32 to index
        %get3A_1327 = arith.constant 112 : index
        %get3A_1328 = tpu.vector_load %arg8[%get3A_1326, %get3A_1327] {strides = array<i32>} : memref<320x128xf32, #tpu.memory_space<vmem>>, vector<16xf32>,
        %add3A_1329 = arith.addf %add3A_1305, %get3A_1328 : vector<16xf32>
        %add3A_1330 = arith.constant 14 : i32
        %add3A_1331 = arith.addi %mul3A_490, %add3A_1330 : i32
        %get3A_1332 = arith.index_cast %add3A_1331 : i32 to index
        %get3A_1333 = arith.constant 64 : index
        %get3A_1334 = tpu.vector_load %arg8[%get3A_1332, %get3A_1333] {strides = array<i32>} : memref<320x128xf32, #tpu.memory_space<vmem>>, vector<16xf32>,
        %add3A_1335 = arith.addf %add3A_1311, %get3A_1334 : vector<16xf32>
        %add3A_1336 = arith.constant 14 : i32
        %add3A_1337 = arith.addi %mul3A_490, %add3A_1336 : i32
        %get3A_1338 = arith.index_cast %add3A_1337 : i32 to index
        %get3A_1339 = arith.constant 80 : index
        %get3A_1340 = tpu.vector_load %arg8[%get3A_1338, %get3A_1339] {strides = array<i32>} : memref<320x128xf32, #tpu.memory_space<vmem>>, vector<16xf32>,
        %add3A_1341 = arith.addf %add3A_1317, %get3A_1340 : vector<16xf32>
        %add3A_1342 = arith.constant 14 : i32
        %add3A_1343 = arith.addi %mul3A_490, %add3A_1342 : i32
        %get3A_1344 = arith.index_cast %add3A_1343 : i32 to index
        %get3A_1345 = arith.constant 96 : index
        %get3A_1346 = tpu.vector_load %arg8[%get3A_1344, %get3A_1345] {strides = array<i32>} : memref<320x128xf32, #tpu.memory_space<vmem>>, vector<16xf32>,
        %add3A_1347 = arith.addf %add3A_1323, %get3A_1346 : vector<16xf32>
        %add3A_1348 = arith.constant 14 : i32
        %add3A_1349 = arith.addi %mul3A_490, %add3A_1348 : i32
        %get3A_1350 = arith.index_cast %add3A_1349 : i32 to index
        %get3A_1351 = arith.constant 112 : index
        %get3A_1352 = tpu.vector_load %arg8[%get3A_1350, %get3A_1351] {strides = array<i32>} : memref<320x128xf32, #tpu.memory_space<vmem>>, vector<16xf32>,
        %add3A_1353 = arith.addf %add3A_1329, %get3A_1352 : vector<16xf32>
        %add3A_1354 = arith.constant 15 : i32
        %add3A_1355 = arith.addi %mul3A_490, %add3A_1354 : i32
        %get3A_1356 = arith.index_cast %add3A_1355 : i32 to index
        %get3A_1357 = arith.constant 64 : index
        %get3A_1358 = tpu.vector_load %arg8[%get3A_1356, %get3A_1357] {strides = array<i32>} : memref<320x128xf32, #tpu.memory_space<vmem>>, vector<16xf32>,
        %add3A_1359 = arith.addf %add3A_1335, %get3A_1358 : vector<16xf32>
        %add3A_1360 = arith.constant 15 : i32
        %add3A_1361 = arith.addi %mul3A_490, %add3A_1360 : i32
        %get3A_1362 = arith.index_cast %add3A_1361 : i32 to index
        %get3A_1363 = arith.constant 80 : index
        %get3A_1364 = tpu.vector_load %arg8[%get3A_1362, %get3A_1363] {strides = array<i32>} : memref<320x128xf32, #tpu.memory_space<vmem>>, vector<16xf32>,
        %add3A_1365 = arith.addf %add3A_1341, %get3A_1364 : vector<16xf32>
        %add3A_1366 = arith.constant 15 : i32
        %add3A_1367 = arith.addi %mul3A_490, %add3A_1366 : i32
        %get3A_1368 = arith.index_cast %add3A_1367 : i32 to index
        %get3A_1369 = arith.constant 96 : index
        %get3A_1370 = tpu.vector_load %arg8[%get3A_1368, %get3A_1369] {strides = array<i32>} : memref<320x128xf32, #tpu.memory_space<vmem>>, vector<16xf32>,
        %add3A_1371 = arith.addf %add3A_1347, %get3A_1370 : vector<16xf32>
        %add3A_1372 = arith.constant 15 : i32
        %add3A_1373 = arith.addi %mul3A_490, %add3A_1372 : i32
        %get3A_1374 = arith.index_cast %add3A_1373 : i32 to index
        %get3A_1375 = arith.constant 112 : index
        %get3A_1376 = tpu.vector_load %arg8[%get3A_1374, %get3A_1375] {strides = array<i32>} : memref<320x128xf32, #tpu.memory_space<vmem>>, vector<16xf32>,
        %add3A_1377 = arith.addf %add3A_1353, %get3A_1376 : vector<16xf32>
        %add3A_1378 = arith.constant 16 : i32
        %add3A_1379 = arith.addi %mul3A_490, %add3A_1378 : i32
        %get3A_1380 = arith.index_cast %add3A_1379 : i32 to index
        %get3A_1381 = arith.constant 64 : index
        %get3A_1382 = tpu.vector_load %arg8[%get3A_1380, %get3A_1381] {strides = array<i32>} : memref<320x128xf32, #tpu.memory_space<vmem>>, vector<16xf32>,
        %add3A_1383 = arith.addf %add3A_1359, %get3A_1382 : vector<16xf32>
        %add3A_1384 = arith.constant 16 : i32
        %add3A_1385 = arith.addi %mul3A_490, %add3A_1384 : i32
        %get3A_1386 = arith.index_cast %add3A_1385 : i32 to index
        %get3A_1387 = arith.constant 80 : index
        %get3A_1388 = tpu.vector_load %arg8[%get3A_1386, %get3A_1387] {strides = array<i32>} : memref<320x128xf32, #tpu.memory_space<vmem>>, vector<16xf32>,
        %add3A_1389 = arith.addf %add3A_1365, %get3A_1388 : vector<16xf32>
        %add3A_1390 = arith.constant 16 : i32
        %add3A_1391 = arith.addi %mul3A_490, %add3A_1390 : i32
        %get3A_1392 = arith.index_cast %add3A_1391 : i32 to index
        %get3A_1393 = arith.constant 96 : index
        %get3A_1394 = tpu.vector_load %arg8[%get3A_1392, %get3A_1393] {strides = array<i32>} : memref<320x128xf32, #tpu.memory_space<vmem>>, vector<16xf32>,
        %add3A_1395 = arith.addf %add3A_1371, %get3A_1394 : vector<16xf32>
        %add3A_1396 = arith.constant 16 : i32
        %add3A_1397 = arith.addi %mul3A_490, %add3A_1396 : i32
        %get3A_1398 = arith.index_cast %add3A_1397 : i32 to index
        %get3A_1399 = arith.constant 112 : index
        %get3A_1400 = tpu.vector_load %arg8[%get3A_1398, %get3A_1399] {strides = array<i32>} : memref<320x128xf32, #tpu.memory_space<vmem>>, vector<16xf32>,
        %add3A_1401 = arith.addf %add3A_1377, %get3A_1400 : vector<16xf32>
        %add3A_1402 = arith.constant 17 : i32
        %add3A_1403 = arith.addi %mul3A_490, %add3A_1402 : i32
        %get3A_1404 = arith.index_cast %add3A_1403 : i32 to index
        %get3A_1405 = arith.constant 64 : index
        %get3A_1406 = tpu.vector_load %arg8[%get3A_1404, %get3A_1405] {strides = array<i32>} : memref<320x128xf32, #tpu.memory_space<vmem>>, vector<16xf32>,
        %add3A_1407 = arith.addf %add3A_1383, %get3A_1406 : vector<16xf32>
        %add3A_1408 = arith.constant 17 : i32
        %add3A_1409 = arith.addi %mul3A_490, %add3A_1408 : i32
        %get3A_1410 = arith.index_cast %add3A_1409 : i32 to index
        %get3A_1411 = arith.constant 80 : index
        %get3A_1412 = tpu.vector_load %arg8[%get3A_1410, %get3A_1411] {strides = array<i32>} : memref<320x128xf32, #tpu.memory_space<vmem>>, vector<16xf32>,
        %add3A_1413 = arith.addf %add3A_1389, %get3A_1412 : vector<16xf32>
        %add3A_1414 = arith.constant 17 : i32
        %add3A_1415 = arith.addi %mul3A_490, %add3A_1414 : i32
        %get3A_1416 = arith.index_cast %add3A_1415 : i32 to index
        %get3A_1417 = arith.constant 96 : index
        %get3A_1418 = tpu.vector_load %arg8[%get3A_1416, %get3A_1417] {strides = array<i32>} : memref<320x128xf32, #tpu.memory_space<vmem>>, vector<16xf32>,
        %add3A_1419 = arith.addf %add3A_1395, %get3A_1418 : vector<16xf32>
        %add3A_1420 = arith.constant 17 : i32
        %add3A_1421 = arith.addi %mul3A_490, %add3A_1420 : i32
        %get3A_1422 = arith.index_cast %add3A_1421 : i32 to index
        %get3A_1423 = arith.constant 112 : index
        %get3A_1424 = tpu.vector_load %arg8[%get3A_1422, %get3A_1423] {strides = array<i32>} : memref<320x128xf32, #tpu.memory_space<vmem>>, vector<16xf32>,
        %add3A_1425 = arith.addf %add3A_1401, %get3A_1424 : vector<16xf32>
        %add3A_1426 = arith.constant 18 : i32
        %add3A_1427 = arith.addi %mul3A_490, %add3A_1426 : i32
        %get3A_1428 = arith.index_cast %add3A_1427 : i32 to index
        %get3A_1429 = arith.constant 64 : index
        %get3A_1430 = tpu.vector_load %arg8[%get3A_1428, %get3A_1429] {strides = array<i32>} : memref<320x128xf32, #tpu.memory_space<vmem>>, vector<16xf32>,
        %add3A_1431 = arith.addf %add3A_1407, %get3A_1430 : vector<16xf32>
        %add3A_1432 = arith.constant 18 : i32
        %add3A_1433 = arith.addi %mul3A_490, %add3A_1432 : i32
        %get3A_1434 = arith.index_cast %add3A_1433 : i32 to index
        %get3A_1435 = arith.constant 80 : index
        %get3A_1436 = tpu.vector_load %arg8[%get3A_1434, %get3A_1435] {strides = array<i32>} : memref<320x128xf32, #tpu.memory_space<vmem>>, vector<16xf32>,
        %add3A_1437 = arith.addf %add3A_1413, %get3A_1436 : vector<16xf32>
        %add3A_1438 = arith.constant 18 : i32
        %add3A_1439 = arith.addi %mul3A_490, %add3A_1438 : i32
        %get3A_1440 = arith.index_cast %add3A_1439 : i32 to index
        %get3A_1441 = arith.constant 96 : index
        %get3A_1442 = tpu.vector_load %arg8[%get3A_1440, %get3A_1441] {strides = array<i32>} : memref<320x128xf32, #tpu.memory_space<vmem>>, vector<16xf32>,
        %add3A_1443 = arith.addf %add3A_1419, %get3A_1442 : vector<16xf32>
        %add3A_1444 = arith.constant 18 : i32
        %add3A_1445 = arith.addi %mul3A_490, %add3A_1444 : i32
        %get3A_1446 = arith.index_cast %add3A_1445 : i32 to index
        %get3A_1447 = arith.constant 112 : index
        %get3A_1448 = tpu.vector_load %arg8[%get3A_1446, %get3A_1447] {strides = array<i32>} : memref<320x128xf32, #tpu.memory_space<vmem>>, vector<16xf32>,
        %add3A_1449 = arith.addf %add3A_1425, %get3A_1448 : vector<16xf32>
        %add3A_1450 = arith.constant 19 : i32
        %add3A_1451 = arith.addi %mul3A_490, %add3A_1450 : i32
        %get3A_1452 = arith.index_cast %add3A_1451 : i32 to index
        %get3A_1453 = arith.constant 64 : index
        %get3A_1454 = tpu.vector_load %arg8[%get3A_1452, %get3A_1453] {strides = array<i32>} : memref<320x128xf32, #tpu.memory_space<vmem>>, vector<16xf32>,
        %add3A_1455 = arith.addf %add3A_1431, %get3A_1454 : vector<16xf32>
        %add3A_1456 = arith.constant 19 : i32
        %add3A_1457 = arith.addi %mul3A_490, %add3A_1456 : i32
        %get3A_1458 = arith.index_cast %add3A_1457 : i32 to index
        %get3A_1459 = arith.constant 80 : index
        %get3A_1460 = tpu.vector_load %arg8[%get3A_1458, %get3A_1459] {strides = array<i32>} : memref<320x128xf32, #tpu.memory_space<vmem>>, vector<16xf32>,
        %add3A_1461 = arith.addf %add3A_1437, %get3A_1460 : vector<16xf32>
        %add3A_1462 = arith.constant 19 : i32
        %add3A_1463 = arith.addi %mul3A_490, %add3A_1462 : i32
        %get3A_1464 = arith.index_cast %add3A_1463 : i32 to index
        %get3A_1465 = arith.constant 96 : index
        %get3A_1466 = tpu.vector_load %arg8[%get3A_1464, %get3A_1465] {strides = array<i32>} : memref<320x128xf32, #tpu.memory_space<vmem>>, vector<16xf32>,
        %add3A_1467 = arith.addf %add3A_1443, %get3A_1466 : vector<16xf32>
        %add3A_1468 = arith.constant 19 : i32
        %add3A_1469 = arith.addi %mul3A_490, %add3A_1468 : i32
        %get3A_1470 = arith.index_cast %add3A_1469 : i32 to index
        %get3A_1471 = arith.constant 112 : index
        %get3A_1472 = tpu.vector_load %arg8[%get3A_1470, %get3A_1471] {strides = array<i32>} : memref<320x128xf32, #tpu.memory_space<vmem>>, vector<16xf32>,
        %add3A_1473 = arith.addf %add3A_1449, %get3A_1472 : vector<16xf32>
        %get3A_1474 = arith.constant 0 : i32
        %get3A_1475 = arith.index_cast %get3A_1474 : i32 to index
        %get3A_1476 = arith.constant 64 : index
        %get3A_1477 = tpu.vector_load %arg11[%get3A_1475, %get3A_1476] {strides = array<i32>} : memref<1x128xf32, #tpu.memory_space<vmem>>, vector<16xf32>,
        %mul3A_1478 = arith.mulf %gather3A_502, %get3A_1477 : vector<16xf32>
        %sub3A_1479 = arith.subf %add3A_1455, %mul3A_1478 : vector<16xf32>
        %swap3A_1480 = arith.index_cast %scan3A_488 : i32 to index
        %swap3A_1481 = arith.constant 64 : index
        %swap3A_1482 = tpu.vector_load %arg10[%swap3A_1480, %swap3A_1481] {strides = array<i32>} : memref<16x128xf32, #tpu.memory_space<vmem>>, vector<16xf32>,
        tpu.vector_store %arg10[%swap3A_1480, %swap3A_1481], %sub3A_1479 {strides = array<i32>} : memref<16x128xf32, #tpu.memory_space<vmem>>, vector<16xf32>,
        %get3A_1483 = arith.constant 0 : i32
        %get3A_1484 = arith.index_cast %get3A_1483 : i32 to index
        %get3A_1485 = arith.constant 80 : index
        %get3A_1486 = tpu.vector_load %arg11[%get3A_1484, %get3A_1485] {strides = array<i32>} : memref<1x128xf32, #tpu.memory_space<vmem>>, vector<16xf32>,
        %mul3A_1487 = arith.mulf %gather3A_502, %get3A_1486 : vector<16xf32>
        %sub3A_1488 = arith.subf %add3A_1461, %mul3A_1487 : vector<16xf32>
        %swap3A_1489 = arith.index_cast %scan3A_488 : i32 to index
        %swap3A_1490 = arith.constant 80 : index
        %swap3A_1491 = tpu.vector_load %arg10[%swap3A_1489, %swap3A_1490] {strides = array<i32>} : memref<16x128xf32, #tpu.memory_space<vmem>>, vector<16xf32>,
        tpu.vector_store %arg10[%swap3A_1489, %swap3A_1490], %sub3A_1488 {strides = array<i32>} : memref<16x128xf32, #tpu.memory_space<vmem>>, vector<16xf32>,
        %get3A_1492 = arith.constant 0 : i32
        %get3A_1493 = arith.index_cast %get3A_1492 : i32 to index
        %get3A_1494 = arith.constant 96 : index
        %get3A_1495 = tpu.vector_load %arg11[%get3A_1493, %get3A_1494] {strides = array<i32>} : memref<1x128xf32, #tpu.memory_space<vmem>>, vector<16xf32>,
        %mul3A_1496 = arith.mulf %gather3A_502, %get3A_1495 : vector<16xf32>
        %sub3A_1497 = arith.subf %add3A_1467, %mul3A_1496 : vector<16xf32>
        %swap3A_1498 = arith.index_cast %scan3A_488 : i32 to index
        %swap3A_1499 = arith.constant 96 : index
        %swap3A_1500 = tpu.vector_load %arg10[%swap3A_1498, %swap3A_1499] {strides = array<i32>} : memref<16x128xf32, #tpu.memory_space<vmem>>, vector<16xf32>,
        tpu.vector_store %arg10[%swap3A_1498, %swap3A_1499], %sub3A_1497 {strides = array<i32>} : memref<16x128xf32, #tpu.memory_space<vmem>>, vector<16xf32>,
        %get3A_1501 = arith.constant 0 : i32
        %get3A_1502 = arith.index_cast %get3A_1501 : i32 to index
        %get3A_1503 = arith.constant 112 : index
        %get3A_1504 = tpu.vector_load %arg11[%get3A_1502, %get3A_1503] {strides = array<i32>} : memref<1x128xf32, #tpu.memory_space<vmem>>, vector<16xf32>,
        %mul3A_1505 = arith.mulf %gather3A_502, %get3A_1504 : vector<16xf32>
        %sub3A_1506 = arith.subf %add3A_1473, %mul3A_1505 : vector<16xf32>
        %swap3A_1507 = arith.index_cast %scan3A_488 : i32 to index
        %swap3A_1508 = arith.constant 112 : index
        %swap3A_1509 = tpu.vector_load %arg10[%swap3A_1507, %swap3A_1508] {strides = array<i32>} : memref<16x128xf32, #tpu.memory_space<vmem>>, vector<16xf32>,
        tpu.vector_store %arg10[%swap3A_1507, %swap3A_1508], %sub3A_1506 {strides = array<i32>} : memref<16x128xf32, #tpu.memory_space<vmem>>, vector<16xf32>,
      }
      %scan3A_480 = arith.constant 16 : i32
      %mul3A_481 = arith.constant 16 : i32
      %mul3A_482 = arith.muli %add3A_262, %mul3A_481 : i32
      %add3A_483 = arith.addi %mul3A_2, %mul3A_482 : i32
      %dma_start3A_484 = arith.constant 0 : i32
      %dma_start3A_485 = tpu.memref_slice %arg4[%add3A_483, %dma_start3A_484] : memref<16384x128xf32, #tpu.memory_space<hbm>> -> memref<16x128xf32, #tpu.memory_space<hbm>>
      %dma_start3A_486 = arith.constant 0 : i32
      %dma_start3A_487 = tpu.memref_slice %arg4[%add3A_483, %dma_start3A_486] : memref<16384x128xf32, #tpu.memory_space<hbm>> -> memref<16x128xf32, #tpu.memory_space<hbm>>
      tpu.enqueue_dma source(%arg10 : memref<16x128xf32, #tpu.memory_space<vmem>>) target(%dma_start3A_487 : memref<16x128xf32, #tpu.memory_space<hbm>>) target_semaphore(%arg18 : memref<!tpu.dma_semaphore, #tpu.memory_space<semaphore_mem>>)
    }
    %scan3A_26 = arith.constant 16 : i32
    %add3A_27 = arith.constant 480 : i32
    %add3A_28 = arith.addi %mul3A_2, %add3A_27 : i32
    %dma_wait3A_29 = arith.constant 0 : i32
    %dma_wait3A_30 = tpu.memref_slice %arg4[%add3A_28, %dma_wait3A_29] : memref<16384x128xf32, #tpu.memory_space<hbm>> -> memref<16x128xf32, #tpu.memory_space<hbm>>
    %dma_wait3A_31 = arith.constant 0 : i32
    %dma_wait3A_32 = tpu.memref_slice %arg4[%add3A_28, %dma_wait3A_31] : memref<16384x128xf32, #tpu.memory_space<hbm>> -> memref<16x128xf32, #tpu.memory_space<hbm>>
    tpu.wait_dma2 semaphore(%arg17 : memref<!tpu.dma_semaphore, #tpu.memory_space<semaphore_mem>>) src(%arg9 : memref<16x128xf32, #tpu.memory_space<vmem>>) dst(%dma_wait3A_32 : memref<16x128xf32, #tpu.memory_space<hbm>>)
    %add3A_33 = arith.constant 496 : i32
    %add3A_34 = arith.addi %mul3A_2, %add3A_33 : i32
    %dma_wait3A_35 = arith.constant 0 : i32
    %dma_wait3A_36 = tpu.memref_slice %arg4[%add3A_34, %dma_wait3A_35] : memref<16384x128xf32, #tpu.memory_space<hbm>> -> memref<16x128xf32, #tpu.memory_space<hbm>>
    %dma_wait3A_37 = arith.constant 0 : i32
    %dma_wait3A_38 = tpu.memref_slice %arg4[%add3A_34, %dma_wait3A_37] : memref<16384x128xf32, #tpu.memory_space<hbm>> -> memref<16x128xf32, #tpu.memory_space<hbm>>
    tpu.wait_dma2 semaphore(%arg18 : memref<!tpu.dma_semaphore, #tpu.memory_space<semaphore_mem>>) src(%arg10 : memref<16x128xf32, #tpu.memory_space<vmem>>) dst(%dma_wait3A_38 : memref<16x128xf32, #tpu.memory_space<hbm>>)
    return
  }
}

</mosaic_0001>

<sc_bundles>
// kernel: kernel.3.cloned.1.call-start
scs
__scs_entry_jumppad:
0x0: {  	(pc) =	sbr.rel $0x88, $3  }
0x1: {  	(tag) =	ssettag $0x0;
	lr =	simm.s32 $0x1  }
0x2: {  	[smem:$0x3F9F] =	sst lr;
	_ =	strace $0xD0000000  }
0x3: {  	_ = 	snop  }
0x4: {  	_ = 	snop  }
0x5: {  	_ = 	snop  }
0x6: {  	_ = 	snop  }
0x7: {  	_ = 	snop  }
__scs_overlays_trampoline_lowered:
0x8: {  	[smem:$0x3FAE] =	sst s0  }
0x9: {  	[smem:$0x3FAF] =	sst s1  }
0xa: {  	[smem:$0x3FB0] =	sst s2  }
0xb: {  	[smem:$0x3FB1] =	sst s3  }
0xc: {  	[smem:$0x3FB2] =	sst s4  }
0xd: {  	[smem:$0x3FB3] =	sst s5  }
0xe: {  	[smem:$0x3FB4] =	sst s6  }
0xf: {  	[smem:$0x3FB5] =	sst s7  }
0x10: {  	[smem:$0x3FB6] =	sst s8  }
0x11: {  	[smem:$0x3FB7] =	sst s9;
	s0 =	simm.s32 @!p0 $0x0  }
0x12: {  	s1 =	sld [smem:$0x3F9D];
	s0 =	simm.s32 @p0 $0x1  }
0x13: {  	[smem:$0x3FB8] =	sst s0;
	s0 =	simm.s32 @!p1 $0x0  }
0x14: {  	s2 =	sld [smem:$0x3F9C];
	s0 =	simm.s32 @p1 $0x1  }
0x15: {  	[smem:$0x3FB9] =	sst s0;
	s0 =	simm.s32 @!p2 $0x0  }
0x16: {  	s3 =	sld [smem:$0x3FDB];
	s0 =	simm.s32 @p2 $0x1  }
0x17: {  	s4 =	simm.s32 $0x1BF5;
	[smem:$0x3FBB] =	sst s0  }
0x18: {  	s0 =	sld [smem:$0x3F9E];
	_ =	swait.ge [sflag:s4], $0x0  }
0x19: {  	s7 =	sld [smem:$0x3F9F]  }
0x1a: {  	s8 =	sadd.s32 $0xFFFFE003, lr  }
0x1b: {  	s9 =	sadd.s32 $0xFFFFFEF7, lr;
	s5 =	simm.s32 $0xFFFFFFFF;
	p2 =	slt.u32 s8, $0xFFFFF086  }
0x1c: {  	p1 =	slt.u32 s9, $0xF7A;
	s5 =	simm.s32 @!p2 $0x0  }
0x1d: {  	s5 =	simm.s32 @p1 $0x1;
	p0 =	seq.s32 s7, s2  }
0x1e: {  	s7 =	smul.u32 @!p0 $0xF7A, s2;
	p2 =	seq.s32 @!p0 s5, $0x0  }
0x1f: {  	s9 =	smul.u32 $0xF7A, s1;
	s8 =	simm.s32 @!p0 $0x1BF5;
	p2 =	por !p2, p0  }
0x20: {  	[sflag:s8] =	ssyncset.s32 @!p0 $0xFFFFF086;
	s6 =	sadd.s32 @!p0 s3, s7;
	s7 =	simm.s32 @!p0 $0x108  }
0x21: {  	s3 =	sadd.s32 s3, s9;
	s6 =	sadd.s32 @!p0 $0x88, s6;
	s7 =	simm.s32 @p2 $0x1082  }
0x22: {  	[simem:s7], [sflag:s8] =	dma.local @!p0 [hbm:s6], $0xF7A  }
0x23: {  	s9 =	sor.u32 $0xD0000000, s2;
	s6 =	simm.s32 $0x108;
	_ =	swait.ge @!p0 [sflag:s8], $0x0  }
0x24: {  	s3 =	sadd.s32 $0x88, s3;
	s6 =	simm.s32 @!p1 $0x1082;
	[sflag:s4] =	ssyncset.s32 $0xFFFFF086  }
0x25: {  	[simem:s6], [sflag:s4] =	dma.local [hbm:s3], $0xF7A  }
0x26: {  	[smem:$0x3F9F] =	sst s1;
	(tag) =	ssettag s2;
	_ =	strace s9  }
0x27: {  	s1 =	sld [smem:$0x3FAF]  }
0x28: {  	s2 =	sld [smem:$0x3FB0]  }
0x29: {  	s4 =	sld [smem:$0x3FB2]  }
0x2a: {  	p0 =	seq.s32 s5, $0x0;
	s5 =	sld [smem:$0x3FB3]  }
0x2b: {  	s6 =	sld [smem:$0x3FB4]  }
0x2c: {  	s7 =	sld [smem:$0x3FB5]  }
0x2d: {  	s3 =	simm.s32 $0x108;
	s8 =	sld [smem:$0x3FB6]  }
0x2e: {  	s3 =	simm.s32 @!p0 $0x1082;
	s9 =	sld [smem:$0x3FB7]  }
0x2f: {  	lr =	sadd.s32 s0, s3;
	s0 =	sld [smem:$0x3FAE]  }
0x30: {  	s3 =	sld [smem:$0x3FB1]  }
0x31: {  	[smem:$0x3FBA] =	sst s10  }
0x32: {  	s10 =	sld [smem:$0x3FB8];
	_ =	sdelay $0x3  }
0x33: {  	p0 =	seq.s32 s10, $0x1;
	s10 =	sld [smem:$0x3FBA];
	_ =	sdelay $0x3  }
0x34: {  	[smem:$0x3FBA] =	sst s10  }
0x35: {  	s10 =	sld [smem:$0x3FB9];
	_ =	sdelay $0x3  }
0x36: {  	p1 =	seq.s32 s10, $0x1;
	s10 =	sld [smem:$0x3FBA];
	_ =	sdelay $0x3  }
0x37: {  	[smem:$0x3FBA] =	sst s10  }
0x38: {  	s10 =	sld [smem:$0x3FBB]  }
0x39: {  	_ = 	snop;
	(pc) =	sbr.ind lr, $3  }
0x3a: {  	_ = 	snop  }
0x3b: {  	_ = 	snop  }
0x3c: {  	p2 =	seq.s32 s10, $0x1;
	s10 =	sld [smem:$0x3FBA]  }
0x3d: {  	_ =	shalt  }
0x3e: {  	_ =	shalt  }
0x3f: {  	_ =	shalt  }
0x40: {  	_ =	shalt  }
0x41: {  	_ =	shalt  }
0x42: {  	_ =	shalt  }
0x43: {  	_ =	shalt  }
0x44: {  	_ =	shalt  }
0x45: {  	_ =	shalt  }
0x46: {  	_ =	shalt  }
0x47: {  	_ =	shalt  }
0x48: {  	_ =	shalt  }
0x49: {  	_ =	shalt  }
0x4a: {  	_ =	shalt  }
0x4b: {  	_ =	shalt  }
0x4c: {  	_ =	shalt  }
0x4d: {  	_ =	shalt  }
0x4e: {  	_ =	shalt  }
0x4f: {  	_ =	shalt  }
0x50: {  	_ =	shalt  }
0x51: {  	_ =	shalt  }
0x52: {  	_ =	shalt  }
0x53: {  	_ =	shalt  }
0x54: {  	_ =	shalt  }
0x55: {  	_ =	shalt  }
0x56: {  	_ =	shalt  }
0x57: {  	_ =	shalt  }
0x58: {  	_ =	shalt  }
0x59: {  	_ =	shalt  }
0x5a: {  	_ =	shalt  }
0x5b: {  	_ =	shalt  }
0x5c: {  	_ =	shalt  }
0x5d: {  	_ =	shalt  }
0x5e: {  	_ =	shalt  }
0x5f: {  	_ =	shalt  }
0x60: {  	_ =	shalt  }
0x61: {  	_ =	shalt  }
0x62: {  	_ =	shalt  }
0x63: {  	_ =	shalt  }
0x64: {  	_ =	shalt  }
0x65: {  	_ =	shalt  }
0x66: {  	_ =	shalt  }
0x67: {  	_ =	shalt  }
0x68: {  	_ =	shalt  }
0x69: {  	_ =	shalt  }
0x6a: {  	_ =	shalt  }
0x6b: {  	_ =	shalt  }
0x6c: {  	_ =	shalt  }
0x6d: {  	_ =	shalt  }
0x6e: {  	_ =	shalt  }
0x6f: {  	_ =	shalt  }
0x70: {  	_ =	shalt  }
0x71: {  	_ =	shalt  }
0x72: {  	_ =	shalt  }
0x73: {  	_ =	shalt  }
0x74: {  	_ =	shalt  }
0x75: {  	_ =	shalt  }
0x76: {  	_ =	shalt  }
0x77: {  	_ =	shalt  }
0x78: {  	_ =	shalt  }
0x79: {  	_ =	shalt  }
0x7a: {  	_ =	shalt  }
0x7b: {  	_ =	shalt  }
0x7c: {  	_ =	shalt  }
0x7d: {  	_ =	shalt  }
0x7e: {  	_ =	shalt  }
0x7f: {  	_ =	shalt  }
0x80: {  	_ =	shalt  }
0x81: {  	_ =	shalt  }
0x82: {  	_ =	shalt  }
0x83: {  	_ =	shalt  }
0x84: {  	_ =	shalt  }
0x85: {  	_ =	shalt  }
0x86: {  	_ =	shalt  }
0x87: {  	_ =	shalt  }
.Lfunc_end0:
.L_simem_size_0:
called_computation_lowered:
.L_overlay_start_0:
0x88: {  	s2 =	sld [smem:$0x3FD9]  }
0x89: {  	s3 =	sld [smem:$0x3FFE];
	_ =	sdelay $0x1  }
0x8a: {  	s1 =	srdreg.scid  }
0x8b: {  	s0 =	sand.u32 $0x1, s1  }
0x8c: {  	s17 =	sshll.u32 s0, $0xA;
	s2 =	sadd.s32 s3, s2  }
0x8d: {  	s2 =	sadd.s32 s2, s17  }
0x8e: {  	[smem:$0x3FC6] =	sst s2  }
0x8f: {  	_ = 	snop  }
0x90: {  	s2 =	sld [smem:$0x3FC8]  }
0x91: {  	s18 =	sld [smem:$0x3FD0];
	(tm) =	ssettm $0x1  }
0x92: {  	s4 =	sld [smem:$0x3FFB];
	_ =	sdelay $0x3  }
0x93: {  	_ =	strace s4  }
0x94: {  	s4 =	sld [smem:$0x3FFC];
	_ =	sdelay $0x3  }
0x95: {  	_ =	strace s4  }
0x96: {  	s4 =	sld [smem:$0x3FFD];
	_ =	sdelay $0x3  }
0x97: {  	_ =	strace s4  }
0x98: {  	_ =	strace $0x8FFFFFFF  }
0x99: {  	s19 =	sld [smem:$0x3FDB];
	_ =	sdelay $0x1  }
0x9a: {  	s5 =	simm.s32 $_scs_section_size  }
0x9b: {  	s6 =	simm.s32 $_size__tile_overlayer_lowered;
	s7 =	simm.s32 $_tile_overlayer_lowered  }
0x9c: {  	s22 =	simm.s32 $0x1BFF;
	s21 =	sshll.u32 s7, $0x1;
	s4 =	sadd.s32 s5, s19  }
0x9d: {  	s8 =	simm.s32 $0x0;
	s20 =	sshll.u32 s6, $0x1;
	s6 =	sadd.s32 s21, s4  }
0x9e: {  	[timem:s8], [sflag:s22] =	dma.local [hbm:s6], s20  }
0x9f: {  	_ =	swait.ge [sflag:s22], s20  }
0xa0: {  	s5 =	ssub.s32 $0x0, s20;
	[sflag:s22] =	ssyncset.done $0x0  }
0xa1: {  	[sflag:s22] =	ssyncadd.s32 s5;
	_ =	sdelay $0x1  }
0xa2: {  	s23 =	simm.s32 $0x1B8B  }
0xa3: {  	_ =	swait.ge [sflag:s23], $0x1  }
0xa4: {  	[sflag:s23] =	ssyncset.done $0x0  }
0xa5: {  	s25 =	simm.s32 $0x1B8E;
	s24 =	sld [smem:$0x3FFE];
	[sflag:s23] =	ssyncadd.s32 $0xFFFFFFFF  }
0xa6: {  	s26 =	simm.s32 $execute0_lowered;
	[smem:$0x3FD2] =	sst s25  }
0xa7: {  	s6 =	sshll.u32 s26, $0x1;
	_ =	strace $0x80000046;
	[dreg:$0x1] =	wrdreg $0xFFFFFFFF  }
0xa8: {  	s28 =	simm.s32 $_size_execute0_lowered;
	s4 =	sadd.s32 s4, s6;
	[dreg:$0x0] =	wrdreg $0x0  }
0xa9: {  	s6 =	sshll.u32 s28, $0x1;
	[dreg:$0x2] =	wrdreg s4  }
0xaa: {  	[dreg:$0x3] =	wrdreg s6  }
0xab: {  	[dreg:$0x4] =	wrdreg $0xC0  }
0xac: {  	_ =	task [dreg:s8], $0x5FFFF  }
0xad: {  	[dreg:$0x1] =	wrdreg $0xFFFFFFFF  }
0xae: {  	[dreg:$0x0] =	wrdreg $0x60  }
0xaf: {  	[dreg:$0x2] =	wrdreg s24  }
0xb0: {  	[dreg:$0x3] =	wrdreg s2  }
0xb1: {  	[dreg:$0x4] =	wrdreg s18  }
0xb2: {  	[dreg:$0x5] =	wrdreg $0x9  }
0xb3: {  	_ =	task.clear_ibuf [dreg:s8], $0x6FFFF;
	_ =	strace $0x90000046  }
0xb4: {  	s29 =	simm.s32 $0x9;
	_ =	strace $0x80000048  }
0xb5: {  	_ =	swait.ge [sflag:s29], $0x1  }
0xb6: {  	[sflag:s29] =	ssyncadd.s32 $0xFFFFFFFF  }
0xb7: {  	_ =	strace $0x90000048  }
0xb8: {  	_ =	sfence  }
0xb9: {  	s30 =	sld [smem:$0x0];
	_ =	sdelay $0x2  }
0xba: {  	s31 =	sshll.u32 s1, $0xD;
	s1 =	sshrl.u32 s1, $0x2  }
0xbb: {  	s3 =	sand.u32 $0x4000, s31;
	s1 =	sadd.s32 s1, s30  }
0xbc: {  	s0 =	sor.u32 s3, s0;
	s1 =	sshll.u32 s1, $0x11  }
0xbd: {  	s0 =	sor.u32 s1, s0  }
0xbe: {  	s0 =	sadd.s32 $0x8F2B, s0  }
0xbf: {  	[sflag:s0] =	ssyncadd.remote.s32 $0x1  }
0xc0: {  	_ =	sfence.sel $0xFFFF  }
0xc1: {  	[dreg:$0x0] =	wrdreg $0xFFFFFFFF;
	(pc) =	sbr.abs _section_cstart, $3  }
0xc2: {  	[dreg:$0x1] =	wrdreg $0xFFFFFFFF  }
0xc3: {  	_ =	task.clear_ibuf [dreg:s8], $0x2FFFF;
	_ =	strace $0x9FFFFFFF  }
0xc4: {  	(tm) =	ssettm $0x7FFFFFFF  }
0xc5: {  	_ =	shalt  }
tec
execute0_lowered:
.L_overlay_start_1:
0x0: {  	(tag) =	ssettag $0x1  }
0x1: {  	s0 =	rddreg [dreg:$0x0]  }
0x2: {  	s2 =	rddreg [dreg:$0x1];
	s1 =	srdreg.scid  }
0x3: {  	s4 =	stileid.u32;
	s3 =	rddreg [dreg:$0x2]  }
0x4: {  	s14 =	simm.s32 $0x7;
	s15 =	simm.s32 $0x1;
	s16 =	simm.s32 $0x140  }
0x5: {  	v0 =	vlaneseq.u32;
	s17 =	simm.s32 $0x300;
	s18 =	simm.s32 $0x180;
	s19 =	simm.s32 $0x2  }
0x6: {  	s20 =	simm.s32 $0xA300;
	s21 =	simm.s32 $0x3;
	s22 =	simm.s32 $0x14300;
	v0 =	vmul.u32 $0x14, v0  }
0x7: {  	s23 =	simm.s32 $0x4;
	s24 =	simm.s32 $0x14B00;
	s25 =	simm.s32 $0x5  }
0x8: {  	v1 =	vimm.f32 $0.0e+00;
	s26 =	simm.s32 $0x6;
	s28 =	simm.s32 $0x0;
	s1 =	sand.u32 $0x1, s1;
	v2 =	vor.u32 $0x1, v0  }
0x9: {  	s5 =	sshll.u32 s4, $0x1;
	s4 =	simm.s32 $0x0;
	s11 =	sadd.s32 $0x100, s3;
	v6 =	vadd.s32 $0x5, v0;
	v7 =	vadd.s32 $0x6, v0;
	v8 =	vadd.s32 $0x7, v0  }
0xa: {  	s9 =	sor.u32 s1, s5;
	[smem:$0x7FF] =	sst s4;
	s5 =	sadd.s32 $0x400, s0;
	v9 =	vadd.s32 $0x8, v0;
	v10 =	vadd.s32 $0x9, v0;
	v11 =	vadd.s32 $0xA, v0  }
0xb: {  	s1 =	ssub.s32 $0x2, s1;
	s6 =	smul.u32 $0x500, s9;
	_ =	strace $0x80000047;
	v12 =	vadd.s32 $0xB, v0;
	v13 =	vadd.s32 $0xC, v0;
	[tilespmem:$0x1FFC0] =	vst v2;
	v2 =	vor.u32 $0x2, v0  }
0xc: {  	s30 =	sshrl.u32 s1, $0x1;
	s31 =	sshll.u32 s9, $0x9;
	s9 =	sshll.u32 s9, $0xD;
	v14 =	vadd.s32 $0xD, v0;
	v15 =	vadd.s32 $0xE, v0;
	[tilespmem:$0x1FFD0] =	vst v2;
	v2 =	vor.u32 $0x3, v0  }
0xd: {  	v16 =	vadd.s32 $0xF, v0;
	v17 =	vadd.s32 $0x10, v0;
	s0 =	ssub.s32 s1, s30;
	s8 =	sor.u32 $0x20, s31;
	s6 =	sadd.s32 s5, s6;
	[tilespmem:$0x1FFE0] =	vst v2;
	v2 =	vadd.s32 $0x4, v0  }
0xe: {  	v18 =	vadd.s32 $0x11, v0;
	v19 =	vadd.s32 $0x12, v0;
	v5 =	vmovc v0;
	v20 =	vadd.s32 $0x13, v0;
	s10 =	sor.u32 $0x30, s31;
	s12 =	smax.u32 s0, $0x1;
	s7 =	sadd.s32 $0x28, s6;
	[tilespmem:$0x1FFF0] =	vst v2  }
.LBB2_1:
0xf: {  	s0 =	simm.s32 $0x15300  }
0x10: {  	[tilespmem:s0], [sflag:$0x7] =	stream.linear.gather [hbm4b:s2+s4], $0x80, $0x38;
	[tilespmem:$0x15400] =	vst v63  }
0x11: {  	_ =	swait.ge [sflag:s14], $0x80  }
0x12: {  	[sflag:s14] =	ssyncset.done $0x0  }
0x13: {  	[sflag:s14] =	ssyncadd.s32 $0xFFFFFF80  }
0x14: {  	[tilespmem:s4], [sflag:$0x1] =	stream.linear.gather [hbm4b:s6+s4], $0x140, $0x38;
	[tilespmem:$0x15400] =	vst v63  }
0x15: {  	_ =	swait.ge [sflag:s15], $0x140  }
0x16: {  	[sflag:s15] =	ssyncset.done $0x0  }
0x17: {  	[sflag:s15] =	ssyncadd.s32 $0xFFFFFEC0  }
0x18: {  	[tilespmem:s17], [sflag:$0x3] =	stream.indirect.gather [hbm4b:s2+s16], $0x80, s4, s16, $0xb8;
	[tilespmem:$0x15400] =	vst v63  }
0x19: {  	s29 =	simm.s32 $0x0  }
0x1a: {  	[tilespmem:s18], [sflag:$0x2] =	stream.linear.gather [hbm4b:s7+s4], $0x140, $0x38;
	[tilespmem:$0x15400] =	vst v63  }
.LBB2_2:
0x1b: {  	_ =	swait.ge [sflag:s19], $0x140  }
0x1c: {  	v0 =	vld [tilespmem:$0x1FFC0];
	_ =	sdelay $0x4  }
0x1d: {  	[sflag:s19] =	ssyncset.done $0x0  }
0x1e: {  	[sflag:s19] =	ssyncadd.s32 $0xFFFFFEC0  }
0x1f: {  	[tilespmem:s20], [sflag:$0x4] =	stream.indirect.gather [hbm4b:s2+s16], $0x80, s18, s16, $0xb8;
	[tilespmem:$0x15400] =	vst v63  }
0x20: {  	v22 =	vld.idx.msk [tilespmem:v0+s4+$0x0], $0xffff  }
0x21: {  	v0 =	vld [tilespmem:$0x1FFD0];
	_ =	sdelay $0x7  }
0x22: {  	v23 =	vld.idx.msk [tilespmem:v0+s4+$0x0], $0xffff  }
0x23: {  	v0 =	vld [tilespmem:$0x1FFE0];
	_ =	sdelay $0x7  }
0x24: {  	v24 =	vld.idx.msk [tilespmem:v0+s4+$0x0], $0xffff  }
0x25: {  	v0 =	vld [tilespmem:$0x1FFF0];
	_ =	sdelay $0x1  }
0x26: {  	v21 =	vld.idx.msk [tilespmem:v5+s4+$0x0], $0xffff;
	_ =	sdelay $0x4  }
0x27: {  	vm0 =	veq.s32 v21, $0x0;
	vm1 =	veq.s32 v22, $0x0  }
0x28: {  	v21 =	vsel vm0, $0x3F800000, v1;
	v22 =	vsel vm1, $0x3F800000, v1;
	v25 =	vld.idx.msk [tilespmem:v0+s4+$0x0], $0xffff  }
0x29: {  	v21 =	vadd.f32 v22, v21;
	vm10 =	veq.s32 v23, $0x0  }
0x2a: {  	v23 =	vld.idx.msk [tilespmem:v6+s4+$0x0], $0xffff;
	v22 =	vsel vm10, $0x3F800000, v1  }
0x2b: {  	v21 =	vadd.f32 v22, v21;
	vm11 =	veq.s32 v24, $0x0  }
0x2c: {  	v54 =	vld.idx.msk [tilespmem:v7+s4+$0x0], $0xffff;
	v22 =	vsel vm11, $0x3F800000, v1  }
0x2d: {  	v21 =	vadd.f32 v22, v21;
	vm12 =	veq.s32 v25, $0x0  }
0x2e: {  	v55 =	vld.idx.msk [tilespmem:v8+s4+$0x0], $0xffff;
	v22 =	vsel vm12, $0x3F800000, v1  }
0x2f: {  	vm13 =	veq.s32 v23, $0x0;
	v21 =	vadd.f32 v22, v21  }
0x30: {  	v23 =	vld.idx.msk [tilespmem:v9+s4+$0x0], $0xffff;
	v22 =	vsel vm13, $0x3F800000, v1  }
0x31: {  	vm14 =	veq.s32 v54, $0x0;
	v21 =	vadd.f32 v22, v21  }
0x32: {  	v56 =	vld.idx.msk [tilespmem:v10+s4+$0x0], $0xffff;
	v22 =	vsel vm14, $0x3F800000, v1  }
0x33: {  	vm15 =	veq.s32 v55, $0x0;
	v21 =	vadd.f32 v22, v21  }
0x34: {  	v57 =	vld.idx.msk [tilespmem:v11+s4+$0x0], $0xffff;
	v22 =	vsel vm15, $0x3F800000, v1  }
0x35: {  	vm4 =	veq.s32 v23, $0x0;
	v21 =	vadd.f32 v22, v21  }
0x36: {  	v23 =	vld.idx.msk [tilespmem:v12+s4+$0x0], $0xffff;
	v22 =	vsel vm4, $0x3F800000, v1  }
0x37: {  	vm5 =	veq.s32 v56, $0x0;
	v21 =	vadd.f32 v22, v21  }
0x38: {  	v58 =	vld.idx.msk [tilespmem:v13+s4+$0x0], $0xffff;
	v22 =	vsel vm5, $0x3F800000, v1  }
0x39: {  	vm6 =	veq.s32 v57, $0x0;
	v21 =	vadd.f32 v22, v21  }
0x3a: {  	v59 =	vld.idx.msk [tilespmem:v14+s4+$0x0], $0xffff;
	v22 =	vsel vm6, $0x3F800000, v1  }
0x3b: {  	vm7 =	veq.s32 v23, $0x0;
	v21 =	vadd.f32 v22, v21  }
0x3c: {  	v23 =	vld.idx.msk [tilespmem:v15+s4+$0x0], $0xffff;
	v22 =	vsel vm7, $0x3F800000, v1  }
0x3d: {  	vm8 =	veq.s32 v58, $0x0;
	v21 =	vadd.f32 v22, v21  }
0x3e: {  	v60 =	vld.idx.msk [tilespmem:v16+s4+$0x0], $0xffff;
	v22 =	vsel vm8, $0x3F800000, v1  }
0x3f: {  	vm9 =	veq.s32 v59, $0x0;
	v21 =	vadd.f32 v22, v21  }
0x40: {  	v61 =	vld.idx.msk [tilespmem:v17+s4+$0x0], $0xffff;
	v22 =	vsel vm9, $0x3F800000, v1  }
0x41: {  	vm10 =	veq.s32 v23, $0x0;
	v21 =	vadd.f32 v22, v21  }
0x42: {  	v23 =	vld.idx.msk [tilespmem:v18+s4+$0x0], $0xffff;
	v22 =	vsel vm10, $0x3F800000, v1  }
0x43: {  	vm11 =	veq.s32 v60, $0x0;
	v21 =	vadd.f32 v22, v21  }
0x44: {  	v62 =	vld.idx.msk [tilespmem:v19+s4+$0x0], $0xffff;
	v22 =	vsel vm11, $0x3F800000, v1  }
0x45: {  	vm12 =	veq.s32 v61, $0x0;
	v21 =	vadd.f32 v22, v21  }
0x46: {  	v63 =	vld.idx.msk [tilespmem:v20+s4+$0x0], $0xffff;
	v22 =	vsel vm12, $0x3F800000, v1  }
0x47: {  	vm13 =	veq.s32 v23, $0x0;
	v21 =	vadd.f32 v22, v21  }
0x48: {  	v22 =	vsel vm13, $0x3F800000, v1  }
0x49: {  	vm14 =	veq.s32 v62, $0x0;
	v21 =	vadd.f32 v22, v21  }
0x4a: {  	v22 =	vsel vm14, $0x3F800000, v1  }
0x4b: {  	p0 =	seq.s32 s29, $0xF;
	vm15 =	veq.s32 v63, $0x0;
	v21 =	vadd.f32 v22, v21  }
0x4c: {  	s30 =	sshll.u32 @!p0 s29, $0x5;
	v22 =	vsel vm15, $0x3F800000, v1  }
0x4d: {  	p1 =	seq.s32 @!p0 s29, $0x0;
	s0 =	sadd.s32 @!p0 s30, s8;
	v21 =	vadd.f32 v22, v21  }
0x4e: {  	p1 =	por p0, !p1;
	s0 =	smul.u32 @!p0 $0x14, s0  }
.Ltmp0:
0x4f: {  	[tilespmem:$0x15380] =	vst v21;
	(pc) =	sbr.rel @!p1 .LBB2_3-.Ltmp0, $4  }
0x50: {  	_ =	swait.ge [sflag:s21], $0xA000  }
0x51: {  	s0 =	sshrl.u32 @!p0 s0, $0x3;
	[sflag:s21] =	ssyncset.done $0x0  }
0x52: {  	s1 =	simm.s32 @!p0 $0x0;
	s0 =	sadd.s32 @!p0 s5, s0;
	[sflag:s21] =	ssyncadd.s32 $0xFFFF6000  }
0x53: {  	[tilespmem:s1], [sflag:$0x1] =	stream.linear.gather @!p0 [hbm4b:s0+s1], $0x140, $0x38;
	[tilespmem:$0x15400] =	vst v63  }
.Ltmp1:
0x54: {  	(pc) =	sbr.rel .LBB2_5-.Ltmp1, $4  }
0x55: {  	_ = 	snop  }
0x56: {  	_ =	swait.ge [sflag:s25], $0x800  }
0x57: {  	[sflag:s25] =	ssyncset.done $0x0  }
0x58: {  	p1 =	por $0x0, $0x0;
	[sflag:s25] =	ssyncadd.s32 $0xFFFFF800  }
.LBB2_3:
0x59: {  	p1 =	por @!p0 $0x1, $0x1  }
.LBB2_5:
0x5a: {  	s31 =	sshll.u32 s29, $0x9  }
0x5b: {  	s1 =	simm.s32 $0x0;
	s0 =	simm.s32 $0x14340;
	s13 =	simm.s32 $0x800  }
.LBB2_6:
0x5c: {  	v21 =	vld [tilespmem:$0x15380]  }
0x5d: {  	v22 =	vld [tilespmem:s13+$0xFFFFFB00]  }
0x5e: {  	v23 =	vld [tilespmem:s13+$0xFFFFFB10]  }
0x5f: {  	v24 =	vld [tilespmem:s13+$0xFFFFFB20]  }
0x60: {  	v25 =	vld [tilespmem:s13+$0xFFFFFB30]  }
0x61: {  	v26 =	vld [tilespmem:s13+$0xFFFFFB80]  }
0x62: {  	v27 =	vld [tilespmem:s13+$0xFFFFFB90]  }
0x63: {  	v28 =	vld [tilespmem:s13+$0xFFFFFBA0]  }
0x64: {  	v29 =	vld [tilespmem:s13+$0xFFFFFBB0]  }
0x65: {  	v30 =	vld [tilespmem:s13+$0xFFFFFC00]  }
0x66: {  	v31 =	vld [tilespmem:s13+$0xFFFFFC10]  }
0x67: {  	v32 =	vld [tilespmem:s13+$0xFFFFFC20]  }
0x68: {  	v33 =	vld [tilespmem:s13+$0xFFFFFC30]  }
0x69: {  	v34 =	vld [tilespmem:s13+$0xFFFFFC80]  }
0x6a: {  	v35 =	vld [tilespmem:s13+$0xFFFFFC90]  }
0x6b: {  	v36 =	vld [tilespmem:s13+$0xFFFFFCA0]  }
0x6c: {  	v37 =	vld [tilespmem:s13+$0xFFFFFCB0]  }
0x6d: {  	v38 =	vld [tilespmem:s13+$0xFFFFFD00]  }
0x6e: {  	v39 =	vld [tilespmem:s13+$0xFFFFFD10]  }
0x6f: {  	v40 =	vld [tilespmem:s13+$0xFFFFFD20]  }
0x70: {  	v41 =	vld [tilespmem:s13+$0xFFFFFD30]  }
0x71: {  	v42 =	vld [tilespmem:s13+$0xFFFFFD80]  }
0x72: {  	v43 =	vld [tilespmem:s13+$0xFFFFFD90]  }
0x73: {  	v44 =	vld [tilespmem:s13+$0xFFFFFDA0]  }
0x74: {  	v45 =	vld [tilespmem:s13+$0xFFFFFDB0]  }
0x75: {  	v46 =	vld [tilespmem:s13+$0xFFFFFE00]  }
0x76: {  	v47 =	vld [tilespmem:s13+$0xFFFFFE10]  }
0x77: {  	v48 =	vld [tilespmem:s13+$0xFFFFFE20]  }
0x78: {  	v49 =	vld [tilespmem:s13+$0xFFFFFE30]  }
0x79: {  	v50 =	vld [tilespmem:s13+$0xFFFFFE80]  }
0x7a: {  	v51 =	vld [tilespmem:s13+$0xFFFFFE90]  }
0x7b: {  	v52 =	vld [tilespmem:s13+$0xFFFFFEA0]  }
0x7c: {  	v53 =	vld [tilespmem:s13+$0xFFFFFEB0]  }
0x7d: {  	v54 =	vld [tilespmem:s13+$0xFFFFFF00]  }
0x7e: {  	v55 =	vld [tilespmem:s13+$0xFFFFFF10]  }
0x7f: {  	v56 =	vld [tilespmem:s13+$0xFFFFFF20]  }
0x80: {  	v57 =	vld [tilespmem:s13+$0xFFFFFF30]  }
0x81: {  	v58 =	vld [tilespmem:s13+$0xFFFFFF80]  }
0x82: {  	v59 =	vld [tilespmem:s13+$0xFFFFFF90]  }
0x83: {  	v60 =	vld [tilespmem:s13+$0xFFFFFFA0]  }
0x84: {  	v61 =	vld [tilespmem:s13+$0xFFFFFFB0]  }
0x85: {  	v62 =	vld [tilespmem:s13+$0x0];
	v22 =	vadd.f32 v26, v22  }
0x86: {  	v63 =	vld [tilespmem:s13+$0x20]  }
0x87: {  	v2 =	vld [tilespmem:s13+$0x80];
	v22 =	vadd.f32 v30, v22  }
0x88: {  	v0 =	vld [tilespmem:s13+$0xA0]  }
0x89: {  	v3 =	vld [tilespmem:s13+$0x100];
	v22 =	vadd.f32 v34, v22  }
0x8a: {  	v4 =	vld [tilespmem:s13+$0x120]  }
0x8b: {  	v26 =	vld [tilespmem:s13+$0x10];
	v22 =	vadd.f32 v38, v22  }
0x8c: {  	v23 =	vadd.f32 v27, v23;
	v27 =	vld [tilespmem:s13+$0x130]  }
0x8d: {  	v24 =	vadd.f32 v28, v24;
	v30 =	vld [tilespmem:s13+$0x30];
	v22 =	vadd.f32 v42, v22  }
0x8e: {  	v23 =	vadd.f32 v31, v23;
	v31 =	vld [tilespmem:s13+$0x190]  }
0x8f: {  	v24 =	vadd.f32 v32, v24;
	v32 =	vld [tilespmem:s13+$0x2A0];
	v22 =	vadd.f32 v46, v22  }
0x90: {  	v34 =	vld [tilespmem:s13+$0x90]  }
0x91: {  	v23 =	vadd.f32 v35, v23;
	v35 =	vld [tilespmem:s13+$0x1B0];
	v22 =	vadd.f32 v50, v22  }
0x92: {  	v24 =	vadd.f32 v36, v24;
	v38 =	vld [tilespmem:s13+$0xB0]  }
0x93: {  	v23 =	vadd.f32 v39, v23;
	v39 =	vld [tilespmem:s13+$0x210];
	v22 =	vadd.f32 v54, v22  }
0x94: {  	v24 =	vadd.f32 v40, v24;
	v40 =	vld [tilespmem:s13+$0x320]  }
0x95: {  	v42 =	vld [tilespmem:s13+$0x110];
	v23 =	vadd.f32 v43, v23;
	v22 =	vadd.f32 v58, v22  }
0x96: {  	v43 =	vld [tilespmem:s13+$0x230];
	v24 =	vadd.f32 v44, v24  }
0x97: {  	v44 =	vld [tilespmem:s13+$0x3A0];
	v23 =	vadd.f32 v47, v23;
	v22 =	vadd.f32 v62, v22  }
0x98: {  	v46 =	vld [tilespmem:s13+$0x180]  }
0x99: {  	v47 =	vld [tilespmem:s13+$0x330];
	v23 =	vadd.f32 v51, v23;
	v2 =	vadd.f32 v2, v22  }
0x9a: {  	v54 =	vld [tilespmem:s13+$0x200]  }
0x9b: {  	v50 =	vld [tilespmem:s13+$0x1A0];
	v23 =	vadd.f32 v55, v23;
	v2 =	vadd.f32 v3, v2  }
0x9c: {  	v24 =	vadd.f32 v48, v24;
	v62 =	vld [tilespmem:s13+$0x280]  }
0x9d: {  	v51 =	vld [tilespmem:s13+$0x300];
	v23 =	vadd.f32 v59, v23;
	v2 =	vadd.f32 v46, v2  }
0x9e: {  	v24 =	vadd.f32 v52, v24;
	v52 =	vld [tilespmem:s13+$0x410]  }
0x9f: {  	v55 =	vld [tilespmem:s13+$0x400];
	v23 =	vadd.f32 v26, v23;
	v2 =	vadd.f32 v54, v2  }
0xa0: {  	v54 =	vld [tilespmem:s13+$0x380]  }
0xa1: {  	v58 =	vld [tilespmem:s13+$0x220];
	v23 =	vadd.f32 v34, v23;
	v2 =	vadd.f32 v62, v2  }
0xa2: {  	v25 =	vadd.f32 v29, v25;
	v24 =	vadd.f32 v56, v24;
	v59 =	vld [tilespmem:s13+$0x480]  }
0xa3: {  	v22 =	vld [tilespmem:s13+$0x290];
	v23 =	vadd.f32 v42, v23;
	v2 =	vadd.f32 v51, v2  }
0xa4: {  	v25 =	vadd.f32 v33, v25;
	v24 =	vadd.f32 v60, v24;
	v62 =	vld [tilespmem:$0x15300]  }
0xa5: {  	v60 =	vld [tilespmem:s13+$0x4B0];
	v23 =	vadd.f32 v31, v23;
	v2 =	vadd.f32 v54, v2  }
0xa6: {  	v25 =	vadd.f32 v37, v25;
	v48 =	vmov s1;
	v26 =	vld [tilespmem:s13+$0x390]  }
0xa7: {  	v21 =	vperm.xlane v21, v48;
	v3 =	vld [tilespmem:s13+$0x2B0];
	v23 =	vadd.f32 v39, v23;
	v2 =	vadd.f32 v55, v2  }
0xa8: {  	v25 =	vadd.f32 v41, v25;
	v46 =	vld [tilespmem:s13+$0x310]  }
0xa9: {  	v22 =	vadd.f32 v22, v23;
	v23 =	vld [tilespmem:s13+$0x4A0];
	v56 =	vmul.f32 v62, v21;
	v2 =	vadd.f32 v59, v2  }
0xaa: {  	v24 =	vadd.f32 v63, v24;
	v51 =	vld [tilespmem:s13+$0x3B0]  }
0xab: {  	v25 =	vadd.f32 v45, v25;
	v54 =	vld [tilespmem:s13+$0x420];
	v2 =	vsub.f32 v2, v56  }
0xac: {  	v0 =	vadd.f32 v0, v24;
	v55 =	vld [tilespmem:s13+$0x430]  }
0xad: {  	v25 =	vadd.f32 v49, v25;
	v22 =	vadd.f32 v46, v22;
	v59 =	vld [tilespmem:s13+$0x490];
	[tilespmem:s0+$0xFFFFFFC0] =	vst v2  }
0xae: {  	v0 =	vadd.f32 v4, v0;
	v62 =	vld [tilespmem:$0x15310]  }
0xaf: {  	v4 =	vadd.f32 v26, v22;
	v2 =	vadd.f32 v53, v25  }
0xb0: {  	v0 =	vadd.f32 v50, v0  }
0xb1: {  	v4 =	vadd.f32 v52, v4;
	v2 =	vadd.f32 v57, v2  }
0xb2: {  	v0 =	vadd.f32 v58, v0  }
0xb3: {  	v4 =	vadd.f32 v59, v4;
	v2 =	vadd.f32 v61, v2;
	v22 =	vmul.f32 v62, v21  }
0xb4: {  	v0 =	vadd.f32 v32, v0  }
0xb5: {  	v2 =	vadd.f32 v30, v2;
	v4 =	vsub.f32 v4, v22;
	_ =	sdelay $0x1  }
0xb6: {  	v0 =	vadd.f32 v40, v0;
	v2 =	vadd.f32 v38, v2;
	[tilespmem:s0+$0xFFFFFFD0] =	vst v4  }
0xb7: {  	v4 =	vld [tilespmem:$0x15320]  }
0xb8: {  	v0 =	vadd.f32 v44, v0;
	v2 =	vadd.f32 v27, v2;
	_ =	sdelay $0x1  }
0xb9: {  	v0 =	vadd.f32 v54, v0;
	v2 =	vadd.f32 v35, v2;
	_ =	sdelay $0x1  }
0xba: {  	v0 =	vadd.f32 v23, v0;
	v2 =	vadd.f32 v43, v2;
	v4 =	vmul.f32 v4, v21;
	_ =	sdelay $0x1  }
0xbb: {  	v2 =	vadd.f32 v3, v2;
	v0 =	vsub.f32 v0, v4;
	_ =	sdelay $0x1  }
0xbc: {  	v2 =	vadd.f32 v47, v2;
	[tilespmem:s0+$0xFFFFFFE0] =	vst v0  }
0xbd: {  	v0 =	vld [tilespmem:$0x15330]  }
0xbe: {  	v2 =	vadd.f32 v51, v2;
	_ =	sdelay $0x1  }
0xbf: {  	v2 =	vadd.f32 v55, v2;
	_ =	sdelay $0x1  }
0xc0: {  	v2 =	vadd.f32 v60, v2;
	v0 =	vmul.f32 v0, v21;
	_ =	sdelay $0x1  }
0xc1: {  	v0 =	vsub.f32 v2, v0;
	_ =	sdelay $0x1  }
0xc2: {  	[tilespmem:s0+$0xFFFFFFF0] =	vst v0  }
0xc3: {  	v0 =	vld [tilespmem:s13+$0xFFFFFB40]  }
0xc4: {  	v2 =	vld [tilespmem:s13+$0xFFFFFB50]  }
0xc5: {  	v3 =	vld [tilespmem:s13+$0xFFFFFB60]  }
0xc6: {  	v4 =	vld [tilespmem:s13+$0xFFFFFB70]  }
0xc7: {  	v22 =	vld [tilespmem:s13+$0xFFFFFBC0]  }
0xc8: {  	v23 =	vld [tilespmem:s13+$0xFFFFFBD0]  }
0xc9: {  	v24 =	vld [tilespmem:s13+$0xFFFFFBE0]  }
0xca: {  	v25 =	vld [tilespmem:s13+$0xFFFFFBF0]  }
0xcb: {  	v63 =	vld [tilespmem:s13+$0xFFFFFC40]  }
0xcc: {  	v27 =	vld [tilespmem:s13+$0xFFFFFC50]  }
0xcd: {  	v28 =	vld [tilespmem:s13+$0xFFFFFC60]  }
0xce: {  	v29 =	vld [tilespmem:s13+$0xFFFFFC70]  }
0xcf: {  	v30 =	vld [tilespmem:s13+$0xFFFFFCC0]  }
0xd0: {  	v31 =	vld [tilespmem:s13+$0xFFFFFCD0]  }
0xd1: {  	v32 =	vld [tilespmem:s13+$0xFFFFFCE0]  }
0xd2: {  	v33 =	vld [tilespmem:s13+$0xFFFFFCF0]  }
0xd3: {  	v34 =	vld [tilespmem:s13+$0xFFFFFD40]  }
0xd4: {  	v35 =	vld [tilespmem:s13+$0xFFFFFD50]  }
0xd5: {  	v36 =	vld [tilespmem:s13+$0xFFFFFD60]  }
0xd6: {  	v37 =	vld [tilespmem:s13+$0xFFFFFD70]  }
0xd7: {  	v38 =	vld [tilespmem:s13+$0xFFFFFDC0]  }
0xd8: {  	v39 =	vld [tilespmem:s13+$0xFFFFFDD0]  }
0xd9: {  	v40 =	vld [tilespmem:s13+$0xFFFFFDE0]  }
0xda: {  	v41 =	vld [tilespmem:s13+$0xFFFFFDF0]  }
0xdb: {  	v42 =	vld [tilespmem:s13+$0xFFFFFE40]  }
0xdc: {  	v43 =	vld [tilespmem:s13+$0xFFFFFE50]  }
0xdd: {  	v44 =	vld [tilespmem:s13+$0xFFFFFE60]  }
0xde: {  	v45 =	vld [tilespmem:s13+$0xFFFFFE70]  }
0xdf: {  	v46 =	vld [tilespmem:s13+$0xFFFFFEC0]  }
0xe0: {  	v47 =	vld [tilespmem:s13+$0xFFFFFED0]  }
0xe1: {  	v48 =	vld [tilespmem:s13+$0xFFFFFEE0]  }
0xe2: {  	v49 =	vld [tilespmem:s13+$0xFFFFFEF0]  }
0xe3: {  	v50 =	vld [tilespmem:s13+$0xFFFFFF40]  }
0xe4: {  	v51 =	vld [tilespmem:s13+$0xFFFFFF50]  }
0xe5: {  	v52 =	vld [tilespmem:s13+$0xFFFFFF60]  }
0xe6: {  	v53 =	vld [tilespmem:s13+$0xFFFFFF70]  }
0xe7: {  	v54 =	vld [tilespmem:s13+$0xFFFFFFC0]  }
0xe8: {  	v55 =	vld [tilespmem:s13+$0xFFFFFFD0]  }
0xe9: {  	v56 =	vld [tilespmem:s13+$0xFFFFFFE0]  }
0xea: {  	v57 =	vld [tilespmem:s13+$0xFFFFFFF0]  }
0xeb: {  	v58 =	vld [tilespmem:s13+$0x40];
	v0 =	vadd.f32 v22, v0  }
0xec: {  	v59 =	vld [tilespmem:s13+$0x60]  }
0xed: {  	v26 =	vld [tilespmem:s13+$0x70];
	v0 =	vadd.f32 v63, v0  }
0xee: {  	v60 =	vld [tilespmem:s13+$0xC0]  }
0xef: {  	v61 =	vld [tilespmem:s13+$0xE0];
	v0 =	vadd.f32 v30, v0  }
0xf0: {  	v62 =	vld [tilespmem:s13+$0x140]  }
0xf1: {  	v22 =	vld [tilespmem:s13+$0x50];
	v0 =	vadd.f32 v34, v0  }
0xf2: {  	v2 =	vadd.f32 v23, v2;
	v23 =	vld [tilespmem:s13+$0x170]  }
0xf3: {  	v3 =	vadd.f32 v24, v3;
	v24 =	vld [tilespmem:s13+$0x2C0];
	v0 =	vadd.f32 v38, v0  }
0xf4: {  	v63 =	vld [tilespmem:s13+$0x160]  }
0xf5: {  	v2 =	vadd.f32 v27, v2;
	v27 =	vld [tilespmem:s13+$0x1D0];
	v0 =	vadd.f32 v42, v0  }
0xf6: {  	v3 =	vadd.f32 v28, v3;
	v28 =	vld [tilespmem:s13+$0x2E0]  }
0xf7: {  	v30 =	vld [tilespmem:s13+$0xD0];
	v0 =	vadd.f32 v46, v0  }
0xf8: {  	v2 =	vadd.f32 v31, v2;
	v31 =	vld [tilespmem:s13+$0x1F0]  }
0xf9: {  	v3 =	vadd.f32 v32, v3;
	v34 =	vld [tilespmem:s13+$0xF0];
	v0 =	vadd.f32 v50, v0  }
0xfa: {  	v2 =	vadd.f32 v35, v2;
	v35 =	vld [tilespmem:s13+$0x250]  }
0xfb: {  	v3 =	vadd.f32 v36, v3;
	v36 =	vld [tilespmem:s13+$0x360];
	v0 =	vadd.f32 v54, v0  }
0xfc: {  	v38 =	vld [tilespmem:s13+$0x150]  }
0xfd: {  	v2 =	vadd.f32 v39, v2;
	v39 =	vld [tilespmem:s13+$0x270];
	v0 =	vadd.f32 v58, v0  }
0xfe: {  	v3 =	vadd.f32 v40, v3;
	v42 =	vld [tilespmem:s13+$0x1C0]  }
0xff: {  	v2 =	vadd.f32 v43, v2;
	v43 =	vld [tilespmem:s13+$0x2D0];
	v0 =	vadd.f32 v60, v0  }
0x100: {  	v3 =	vadd.f32 v44, v3;
	v50 =	vld [tilespmem:s13+$0x240]  }
0x101: {  	v44 =	vld [tilespmem:s13+$0x4C0];
	v2 =	vadd.f32 v47, v2;
	v0 =	vadd.f32 v62, v0  }
0x102: {  	v46 =	vld [tilespmem:s13+$0x1E0]  }
0x103: {  	v47 =	vld [tilespmem:s13+$0x2F0];
	v2 =	vadd.f32 v51, v2;
	v0 =	vadd.f32 v42, v0  }
0x104: {  	v3 =	vadd.f32 v48, v3;
	v58 =	vld [tilespmem:s13+$0x340]  }
0x105: {  	v48 =	vld [tilespmem:$0x15340];
	v2 =	vadd.f32 v55, v2;
	v0 =	vadd.f32 v50, v0  }
0x106: {  	v60 =	vld [tilespmem:s13+$0x3C0]  }
0x107: {  	v51 =	vld [tilespmem:s13+$0x3E0];
	v2 =	vadd.f32 v22, v2;
	v0 =	vadd.f32 v24, v0  }
0x108: {  	v4 =	vadd.f32 v25, v4;
	v3 =	vadd.f32 v52, v3;
	v62 =	vld [tilespmem:s13+$0x440]  }
0x109: {  	v52 =	vld [tilespmem:s13+$0x3F0];
	v2 =	vadd.f32 v30, v2;
	v0 =	vadd.f32 v58, v0  }
0x10a: {  	v4 =	vadd.f32 v29, v4;
	v54 =	vld [tilespmem:s13+$0x260]  }
0x10b: {  	v55 =	vld [tilespmem:s13+$0x450];
	v2 =	vadd.f32 v38, v2;
	v0 =	vadd.f32 v60, v0  }
0x10c: {  	v4 =	vadd.f32 v33, v4;
	v3 =	vadd.f32 v56, v3;
	v56 =	vld [tilespmem:s13+$0x460]  }
0x10d: {  	v22 =	vld [tilespmem:s13+$0x3D0];
	v2 =	vadd.f32 v27, v2;
	v0 =	vadd.f32 v62, v0  }
0x10e: {  	v4 =	vadd.f32 v37, v4;
	v3 =	vadd.f32 v59, v3;
	v42 =	vld [tilespmem:s13+$0x350]  }
0x10f: {  	v29 =	vmul.f32 v48, v21;
	v59 =	vld [tilespmem:s13+$0x4D0];
	v2 =	vadd.f32 v35, v2;
	v0 =	vadd.f32 v44, v0  }
0x110: {  	v4 =	vadd.f32 v41, v4;
	v50 =	vld [tilespmem:s13+$0x370]  }
0x111: {  	v2 =	vadd.f32 v43, v2;
	v58 =	vld [tilespmem:s13+$0x470];
	v0 =	vsub.f32 v0, v29  }
0x112: {  	v4 =	vadd.f32 v45, v4;
	v3 =	vadd.f32 v61, v3;
	v60 =	vld [tilespmem:s13+$0x4E0]  }
0x113: {  	v2 =	vadd.f32 v42, v2;
	v62 =	vld [tilespmem:s13+$0x4F0];
	[tilespmem:s0+$0x0] =	vst v0  }
0x114: {  	v3 =	vadd.f32 v63, v3;
	v0 =	vadd.f32 v49, v4;
	v4 =	vld [tilespmem:$0x15350]  }
0x115: {  	v2 =	vadd.f32 v22, v2  }
0x116: {  	v3 =	vadd.f32 v46, v3  }
0x117: {  	v2 =	vadd.f32 v55, v2;
	v0 =	vadd.f32 v53, v0  }
0x118: {  	v3 =	vadd.f32 v54, v3  }
0x119: {  	v2 =	vadd.f32 v59, v2;
	v0 =	vadd.f32 v57, v0;
	v4 =	vmul.f32 v4, v21  }
0x11a: {  	v3 =	vadd.f32 v28, v3  }
0x11b: {  	v0 =	vadd.f32 v26, v0;
	v2 =	vsub.f32 v2, v4;
	_ =	sdelay $0x1  }
0x11c: {  	v3 =	vadd.f32 v36, v3;
	v0 =	vadd.f32 v34, v0;
	[tilespmem:s0+$0x10] =	vst v2  }
0x11d: {  	v2 =	vld [tilespmem:$0x15360]  }
0x11e: {  	v3 =	vadd.f32 v51, v3;
	v0 =	vadd.f32 v23, v0;
	_ =	sdelay $0x1  }
0x11f: {  	v3 =	vadd.f32 v56, v3;
	v0 =	vadd.f32 v31, v0;
	_ =	sdelay $0x1  }
0x120: {  	v3 =	vadd.f32 v60, v3;
	v0 =	vadd.f32 v39, v0;
	v2 =	vmul.f32 v2, v21;
	_ =	sdelay $0x1  }
0x121: {  	v0 =	vadd.f32 v47, v0;
	v2 =	vsub.f32 v3, v2;
	_ =	sdelay $0x1  }
0x122: {  	v0 =	vadd.f32 v50, v0;
	[tilespmem:s0+$0x20] =	vst v2  }
0x123: {  	v2 =	vld [tilespmem:$0x15370]  }
0x124: {  	v0 =	vadd.f32 v52, v0;
	_ =	sdelay $0x1  }
0x125: {  	v0 =	vadd.f32 v58, v0  }
0x126: {  	p2 =	sne.s32 s1, $0xF  }
.Ltmp2:
0x127: {  	v0 =	vadd.f32 v62, v0;
	v2 =	vmul.f32 v2, v21;
	(pc) =	sbr.rel @p2 .LBB2_6-.Ltmp2, $3  }
0x128: {  	_ = 	snop  }
0x129: {  	v0 =	vsub.f32 v0, v2;
	_ =	sdelay $0x1  }
0x12a: {  	s1 =	sadd.s32 $0x1, s1;
	s13 =	sadd.s32 $0xA00, s13;
	[tilespmem:s0+$0x30] =	vst v0;
	s0 =	sadd.s32 $0x80, s0  }
0x12b: {  	s31 =	sadd.s32 s9, s31  }
0x12c: {  	s0 =	sadd.s32 s3, s31  }
0x12d: {  	[hbm4b:s0+s4] =	stream.linear.scatter [tilespmem:s22], [sflag:$0x5], $0x800, $0x38;
	[tilespmem:$0x15400] =	vst v63  }
0x12e: {  	s0 =	simm.s32 @!p0 $0x1  }
0x12f: {  	_ =	swait.ge @!p0 [sflag:s0], $0x140  }
0x130: {  	v2 =	vld [tilespmem:$0x1FFC0];
	_ =	sdelay $0x1  }
0x131: {  	v3 =	vld [tilespmem:$0x1FFD0];
	_ =	sdelay $0x1  }
0x132: {  	s1 =	simm.s32 @!p0 $0x140;
	[sflag:s0] =	ssyncset.done @!p0 $0x0;
	v4 =	vld [tilespmem:$0x1FFE0]  }
0x133: {  	s13 =	simm.s32 @!p0 $0x300;
	[sflag:s0] =	ssyncadd.s32 @!p0 $0xFFFFFEC0;
	s0 =	simm.s32 @!p0 $0x0  }
0x134: {  	v21 =	vld [tilespmem:$0x1FFF0];
	[tilespmem:s13], [sflag:$0x3] =	stream.indirect.gather @!p0 [hbm4b:s2+s1], $0x80, s0, s1, $0xb8  }
0x135: {  	v0 =	vld.idx.msk [tilespmem:v5+s18+$0x0], $0xffff  }
0x136: {  	v2 =	vld.idx.msk [tilespmem:v2+s18+$0x0], $0xffff;
	_ =	sdelay $0x1  }
0x137: {  	v3 =	vld.idx.msk [tilespmem:v3+s18+$0x0], $0xffff;
	_ =	sdelay $0x1  }
0x138: {  	v4 =	vld.idx.msk [tilespmem:v4+s18+$0x0], $0xffff  }
0x139: {  	vm0 =	veq.s32 v0, $0x0;
	vm1 =	veq.s32 v2, $0x0  }
0x13a: {  	v21 =	vld.idx.msk [tilespmem:v21+s18+$0x0], $0xffff;
	v0 =	vsel vm0, $0x3F800000, v1;
	v2 =	vsel vm1, $0x3F800000, v1  }
0x13b: {  	vm10 =	veq.s32 v3, $0x0;
	v0 =	vadd.f32 v2, v0  }
0x13c: {  	v3 =	vld.idx.msk [tilespmem:v6+s18+$0x0], $0xffff;
	v2 =	vsel vm10, $0x3F800000, v1  }
0x13d: {  	vm11 =	veq.s32 v4, $0x0;
	v0 =	vadd.f32 v2, v0  }
0x13e: {  	v4 =	vld.idx.msk [tilespmem:v7+s18+$0x0], $0xffff;
	v2 =	vsel vm11, $0x3F800000, v1  }
0x13f: {  	vm12 =	veq.s32 v21, $0x0;
	v0 =	vadd.f32 v2, v0  }
0x140: {  	v21 =	vld.idx.msk [tilespmem:v8+s18+$0x0], $0xffff;
	v2 =	vsel vm12, $0x3F800000, v1  }
0x141: {  	vm13 =	veq.s32 v3, $0x0;
	v0 =	vadd.f32 v2, v0  }
0x142: {  	v3 =	vld.idx.msk [tilespmem:v9+s18+$0x0], $0xffff;
	v2 =	vsel vm13, $0x3F800000, v1  }
0x143: {  	vm14 =	veq.s32 v4, $0x0;
	v0 =	vadd.f32 v2, v0  }
0x144: {  	v4 =	vld.idx.msk [tilespmem:v10+s18+$0x0], $0xffff;
	v2 =	vsel vm14, $0x3F800000, v1  }
0x145: {  	vm15 =	veq.s32 v21, $0x0;
	v0 =	vadd.f32 v2, v0  }
0x146: {  	v21 =	vld.idx.msk [tilespmem:v11+s18+$0x0], $0xffff;
	v2 =	vsel vm15, $0x3F800000, v1  }
0x147: {  	vm4 =	veq.s32 v3, $0x0;
	v0 =	vadd.f32 v2, v0  }
0x148: {  	v3 =	vld.idx.msk [tilespmem:v12+s18+$0x0], $0xffff;
	v2 =	vsel vm4, $0x3F800000, v1  }
0x149: {  	vm5 =	veq.s32 v4, $0x0;
	v0 =	vadd.f32 v2, v0  }
0x14a: {  	v4 =	vld.idx.msk [tilespmem:v13+s18+$0x0], $0xffff;
	v2 =	vsel vm5, $0x3F800000, v1  }
0x14b: {  	vm6 =	veq.s32 v21, $0x0;
	v0 =	vadd.f32 v2, v0  }
0x14c: {  	v21 =	vld.idx.msk [tilespmem:v14+s18+$0x0], $0xffff;
	v2 =	vsel vm6, $0x3F800000, v1  }
0x14d: {  	vm7 =	veq.s32 v3, $0x0;
	v0 =	vadd.f32 v2, v0  }
0x14e: {  	v3 =	vld.idx.msk [tilespmem:v15+s18+$0x0], $0xffff;
	v2 =	vsel vm7, $0x3F800000, v1  }
0x14f: {  	vm8 =	veq.s32 v4, $0x0;
	v0 =	vadd.f32 v2, v0  }
0x150: {  	v4 =	vld.idx.msk [tilespmem:v16+s18+$0x0], $0xffff;
	v2 =	vsel vm8, $0x3F800000, v1  }
0x151: {  	vm9 =	veq.s32 v21, $0x0;
	v0 =	vadd.f32 v2, v0  }
0x152: {  	v21 =	vld.idx.msk [tilespmem:v17+s18+$0x0], $0xffff;
	v2 =	vsel vm9, $0x3F800000, v1  }
0x153: {  	vm10 =	veq.s32 v3, $0x0;
	v0 =	vadd.f32 v2, v0  }
0x154: {  	v3 =	vld.idx.msk [tilespmem:v18+s18+$0x0], $0xffff;
	v2 =	vsel vm10, $0x3F800000, v1  }
0x155: {  	vm11 =	veq.s32 v4, $0x0;
	v0 =	vadd.f32 v2, v0  }
0x156: {  	v4 =	vld.idx.msk [tilespmem:v19+s18+$0x0], $0xffff;
	v2 =	vsel vm11, $0x3F800000, v1  }
0x157: {  	vm12 =	veq.s32 v21, $0x0;
	v0 =	vadd.f32 v2, v0  }
0x158: {  	v21 =	vld.idx.msk [tilespmem:v20+s18+$0x0], $0xffff;
	v2 =	vsel vm12, $0x3F800000, v1  }
0x159: {  	vm13 =	veq.s32 v3, $0x0;
	v0 =	vadd.f32 v2, v0  }
0x15a: {  	v2 =	vsel vm13, $0x3F800000, v1  }
0x15b: {  	vm14 =	veq.s32 v4, $0x0;
	v0 =	vadd.f32 v2, v0  }
0x15c: {  	v2 =	vsel vm14, $0x3F800000, v1  }
0x15d: {  	vm15 =	veq.s32 v21, $0x0;
	v0 =	vadd.f32 v2, v0  }
0x15e: {  	v2 =	vsel vm15, $0x3F800000, v1  }
0x15f: {  	v0 =	vadd.f32 v2, v0  }
0x160: {  	s1 =	sadd.s32 @!p0 s30, s10  }
0x161: {  	s1 =	smul.u32 @!p0 $0x14, s1;
	[tilespmem:$0x15380] =	vst v0  }
0x162: {  	_ =	swait.ge [sflag:s23], $0xA000  }
0x163: {  	s1 =	sshrl.u32 @!p0 s1, $0x3;
	[sflag:s23] =	ssyncset.done $0x0  }
0x164: {  	s13 =	simm.s32 @!p0 $0x180;
	s1 =	sadd.s32 @!p0 s5, s1;
	[sflag:s23] =	ssyncadd.s32 $0xFFFF6000  }
0x165: {  	[tilespmem:s13], [sflag:$0x2] =	stream.linear.gather @!p0 [hbm4b:s1+s0], $0x140, $0x38;
	[tilespmem:$0x15400] =	vst v63  }
0x166: {  	p0 =	por p0, !p1  }
0x167: {  	_ =	swait.ge @p0 [sflag:s26], $0x800  }
0x168: {  	s1 =	simm.s32 $0x0;
	[sflag:s26] =	ssyncset.done @p0 $0x0  }
0x169: {  	s0 =	simm.s32 $0x14B40;
	s13 =	simm.s32 $0xA800;
	[sflag:s26] =	ssyncadd.s32 @p0 $0xFFFFF800  }
.LBB2_8:
0x16a: {  	v0 =	vld [tilespmem:$0x15380]  }
0x16b: {  	v2 =	vld [tilespmem:s13+$0xFFFFFB00]  }
0x16c: {  	v3 =	vld [tilespmem:s13+$0xFFFFFB10]  }
0x16d: {  	v4 =	vld [tilespmem:s13+$0xFFFFFB20]  }
0x16e: {  	v21 =	vld [tilespmem:s13+$0xFFFFFB30]  }
0x16f: {  	v22 =	vld [tilespmem:s13+$0xFFFFFB80]  }
0x170: {  	v23 =	vld [tilespmem:s13+$0xFFFFFB90]  }
0x171: {  	v24 =	vld [tilespmem:s13+$0xFFFFFBA0]  }
0x172: {  	v25 =	vld [tilespmem:s13+$0xFFFFFBB0]  }
0x173: {  	v26 =	vld [tilespmem:s13+$0xFFFFFC00]  }
0x174: {  	v27 =	vld [tilespmem:s13+$0xFFFFFC10]  }
0x175: {  	v28 =	vld [tilespmem:s13+$0xFFFFFC20]  }
0x176: {  	v29 =	vld [tilespmem:s13+$0xFFFFFC30]  }
0x177: {  	v30 =	vld [tilespmem:s13+$0xFFFFFC80]  }
0x178: {  	v31 =	vld [tilespmem:s13+$0xFFFFFC90]  }
0x179: {  	v32 =	vld [tilespmem:s13+$0xFFFFFCA0]  }
0x17a: {  	v33 =	vld [tilespmem:s13+$0xFFFFFCB0]  }
0x17b: {  	v34 =	vld [tilespmem:s13+$0xFFFFFD00]  }
0x17c: {  	v35 =	vld [tilespmem:s13+$0xFFFFFD10]  }
0x17d: {  	v36 =	vld [tilespmem:s13+$0xFFFFFD20]  }
0x17e: {  	v37 =	vld [tilespmem:s13+$0xFFFFFD30]  }
0x17f: {  	v38 =	vld [tilespmem:s13+$0xFFFFFD80]  }
0x180: {  	v39 =	vld [tilespmem:s13+$0xFFFFFD90]  }
0x181: {  	v40 =	vld [tilespmem:s13+$0xFFFFFDA0]  }
0x182: {  	v41 =	vld [tilespmem:s13+$0xFFFFFDB0]  }
0x183: {  	v42 =	vld [tilespmem:s13+$0xFFFFFE00]  }
0x184: {  	v43 =	vld [tilespmem:s13+$0xFFFFFE10]  }
0x185: {  	v44 =	vld [tilespmem:s13+$0xFFFFFE20]  }
0x186: {  	v45 =	vld [tilespmem:s13+$0xFFFFFE30]  }
0x187: {  	v46 =	vld [tilespmem:s13+$0xFFFFFE80]  }
0x188: {  	v47 =	vld [tilespmem:s13+$0xFFFFFE90]  }
0x189: {  	v48 =	vld [tilespmem:s13+$0xFFFFFEA0]  }
0x18a: {  	v49 =	vld [tilespmem:s13+$0xFFFFFEB0]  }
0x18b: {  	v50 =	vld [tilespmem:s13+$0xFFFFFF00]  }
0x18c: {  	v51 =	vld [tilespmem:s13+$0xFFFFFF10]  }
0x18d: {  	v52 =	vld [tilespmem:s13+$0xFFFFFF20]  }
0x18e: {  	v53 =	vld [tilespmem:s13+$0xFFFFFF30]  }
0x18f: {  	v54 =	vld [tilespmem:s13+$0xFFFFFF80]  }
0x190: {  	v55 =	vld [tilespmem:s13+$0xFFFFFF90]  }
0x191: {  	v56 =	vld [tilespmem:s13+$0xFFFFFFA0]  }
0x192: {  	v57 =	vld [tilespmem:s13+$0xFFFFFFB0]  }
0x193: {  	v58 =	vld [tilespmem:s13+$0x0];
	v2 =	vadd.f32 v22, v2  }
0x194: {  	v59 =	vld [tilespmem:s13+$0x20]  }
0x195: {  	v60 =	vld [tilespmem:s13+$0x80];
	v2 =	vadd.f32 v26, v2  }
0x196: {  	v61 =	vld [tilespmem:s13+$0xA0]  }
0x197: {  	v62 =	vld [tilespmem:s13+$0x100];
	v2 =	vadd.f32 v30, v2  }
0x198: {  	v63 =	vld [tilespmem:s13+$0x120]  }
0x199: {  	v22 =	vld [tilespmem:s13+$0x10];
	v2 =	vadd.f32 v34, v2  }
0x19a: {  	v3 =	vadd.f32 v23, v3;
	v23 =	vld [tilespmem:s13+$0x130]  }
0x19b: {  	v4 =	vadd.f32 v24, v4;
	v26 =	vld [tilespmem:s13+$0x30];
	v2 =	vadd.f32 v38, v2  }
0x19c: {  	v3 =	vadd.f32 v27, v3;
	v27 =	vld [tilespmem:s13+$0x190]  }
0x19d: {  	v4 =	vadd.f32 v28, v4;
	v28 =	vld [tilespmem:s13+$0x2A0];
	v2 =	vadd.f32 v42, v2  }
0x19e: {  	v30 =	vld [tilespmem:s13+$0x90]  }
0x19f: {  	v3 =	vadd.f32 v31, v3;
	v31 =	vld [tilespmem:s13+$0x1B0];
	v2 =	vadd.f32 v46, v2  }
0x1a0: {  	v4 =	vadd.f32 v32, v4;
	v34 =	vld [tilespmem:s13+$0xB0]  }
0x1a1: {  	v3 =	vadd.f32 v35, v3;
	v35 =	vld [tilespmem:s13+$0x210];
	v2 =	vadd.f32 v50, v2  }
0x1a2: {  	v4 =	vadd.f32 v36, v4;
	v36 =	vld [tilespmem:s13+$0x320]  }
0x1a3: {  	v38 =	vld [tilespmem:s13+$0x110];
	v2 =	vadd.f32 v54, v2  }
0x1a4: {  	v3 =	vadd.f32 v39, v3;
	v39 =	vld [tilespmem:s13+$0x230]  }
0x1a5: {  	v4 =	vadd.f32 v40, v4;
	v40 =	vld [tilespmem:s13+$0x3A0];
	v2 =	vadd.f32 v58, v2  }
0x1a6: {  	v42 =	vld [tilespmem:s13+$0x180]  }
0x1a7: {  	v3 =	vadd.f32 v43, v3;
	v43 =	vld [tilespmem:s13+$0x290];
	v2 =	vadd.f32 v60, v2  }
0x1a8: {  	v50 =	vld [tilespmem:s13+$0x200]  }
0x1a9: {  	v46 =	vld [tilespmem:s13+$0x1A0];
	v3 =	vadd.f32 v47, v3;
	v2 =	vadd.f32 v62, v2  }
0x1aa: {  	v4 =	vadd.f32 v44, v4;
	v58 =	vld [tilespmem:s13+$0x280]  }
0x1ab: {  	v47 =	vld [tilespmem:s13+$0x2B0];
	v3 =	vadd.f32 v51, v3;
	v2 =	vadd.f32 v42, v2  }
0x1ac: {  	v4 =	vadd.f32 v48, v4;
	v62 =	vld [tilespmem:s13+$0x300]  }
0x1ad: {  	v48 =	vld [tilespmem:s13+$0x3B0];
	v3 =	vadd.f32 v55, v3;
	v2 =	vadd.f32 v50, v2  }
0x1ae: {  	v4 =	vadd.f32 v52, v4;
	v55 =	vld [tilespmem:s13+$0x380]  }
0x1af: {  	v52 =	vld [tilespmem:s13+$0x420];
	v3 =	vadd.f32 v22, v3;
	v2 =	vadd.f32 v58, v2  }
0x1b0: {  	v21 =	vadd.f32 v25, v21;
	v58 =	vld [tilespmem:s13+$0x400]  }
0x1b1: {  	v3 =	vadd.f32 v30, v3;
	v60 =	vld [tilespmem:s13+$0x480];
	v2 =	vadd.f32 v62, v2  }
0x1b2: {  	v21 =	vadd.f32 v29, v21;
	v4 =	vadd.f32 v56, v4;
	v62 =	vld [tilespmem:$0x15300]  }
0x1b3: {  	v54 =	vld [tilespmem:s13+$0x220];
	v3 =	vadd.f32 v38, v3;
	v2 =	vadd.f32 v55, v2  }
0x1b4: {  	v33 =	vadd.f32 v33, v21;
	v44 =	vmov s1;
	v22 =	vld [tilespmem:s13+$0x390];
	v4 =	vadd.f32 v59, v4  }
0x1b5: {  	v21 =	vperm.xlane v0, v44;
	v59 =	vld [tilespmem:s13+$0x4A0];
	v0 =	vadd.f32 v27, v3;
	v2 =	vadd.f32 v58, v2  }
0x1b6: {  	v51 =	vadd.f32 v37, v33;
	v42 =	vld [tilespmem:s13+$0x310]  }
0x1b7: {  	v3 =	vld [tilespmem:s13+$0x410];
	v0 =	vadd.f32 v35, v0;
	v56 =	vmul.f32 v62, v21;
	v2 =	vadd.f32 v60, v2  }
0x1b8: {  	v24 =	vadd.f32 v41, v51;
	v50 =	vld [tilespmem:s13+$0x330]  }
0x1b9: {  	v0 =	vadd.f32 v43, v0;
	v55 =	vld [tilespmem:s13+$0x430];
	v2 =	vsub.f32 v2, v56  }
0x1ba: {  	v4 =	vadd.f32 v61, v4;
	v58 =	vld [tilespmem:s13+$0x490]  }
0x1bb: {  	v24 =	vadd.f32 v45, v24;
	v0 =	vadd.f32 v42, v0;
	v60 =	vld [tilespmem:s13+$0x4B0];
	[tilespmem:s0+$0xFFFFFFC0] =	vst v2  }
0x1bc: {  	v4 =	vadd.f32 v63, v4;
	v62 =	vld [tilespmem:$0x15310]  }
0x1bd: {  	v0 =	vadd.f32 v22, v0;
	v2 =	vadd.f32 v49, v24  }
0x1be: {  	v4 =	vadd.f32 v46, v4  }
0x1bf: {  	v0 =	vadd.f32 v3, v0;
	v2 =	vadd.f32 v53, v2  }
0x1c0: {  	v3 =	vadd.f32 v54, v4  }
0x1c1: {  	v0 =	vadd.f32 v58, v0;
	v2 =	vadd.f32 v57, v2;
	v4 =	vmul.f32 v62, v21  }
0x1c2: {  	v3 =	vadd.f32 v28, v3  }
0x1c3: {  	v2 =	vadd.f32 v26, v2;
	v0 =	vsub.f32 v0, v4;
	_ =	sdelay $0x1  }
0x1c4: {  	v3 =	vadd.f32 v36, v3;
	v2 =	vadd.f32 v34, v2;
	[tilespmem:s0+$0xFFFFFFD0] =	vst v0  }
0x1c5: {  	v0 =	vld [tilespmem:$0x15320]  }
0x1c6: {  	v3 =	vadd.f32 v40, v3;
	v2 =	vadd.f32 v23, v2;
	_ =	sdelay $0x1  }
0x1c7: {  	v3 =	vadd.f32 v52, v3;
	v2 =	vadd.f32 v31, v2;
	_ =	sdelay $0x1  }
0x1c8: {  	v3 =	vadd.f32 v59, v3;
	v2 =	vadd.f32 v39, v2;
	v0 =	vmul.f32 v0, v21;
	_ =	sdelay $0x1  }
0x1c9: {  	v2 =	vadd.f32 v47, v2;
	v0 =	vsub.f32 v3, v0;
	_ =	sdelay $0x1  }
0x1ca: {  	v2 =	vadd.f32 v50, v2;
	[tilespmem:s0+$0xFFFFFFE0] =	vst v0  }
0x1cb: {  	v0 =	vld [tilespmem:$0x15330]  }
0x1cc: {  	v2 =	vadd.f32 v48, v2;
	_ =	sdelay $0x1  }
0x1cd: {  	v2 =	vadd.f32 v55, v2;
	_ =	sdelay $0x1  }
0x1ce: {  	v2 =	vadd.f32 v60, v2;
	v0 =	vmul.f32 v0, v21;
	_ =	sdelay $0x1  }
0x1cf: {  	v0 =	vsub.f32 v2, v0;
	_ =	sdelay $0x1  }
0x1d0: {  	[tilespmem:s0+$0xFFFFFFF0] =	vst v0  }
0x1d1: {  	v0 =	vld [tilespmem:s13+$0xFFFFFB40]  }
0x1d2: {  	v2 =	vld [tilespmem:s13+$0xFFFFFB50]  }
0x1d3: {  	v3 =	vld [tilespmem:s13+$0xFFFFFB60]  }
0x1d4: {  	v4 =	vld [tilespmem:s13+$0xFFFFFB70]  }
0x1d5: {  	v22 =	vld [tilespmem:s13+$0xFFFFFBC0]  }
0x1d6: {  	v23 =	vld [tilespmem:s13+$0xFFFFFBD0]  }
0x1d7: {  	v24 =	vld [tilespmem:s13+$0xFFFFFBE0]  }
0x1d8: {  	v25 =	vld [tilespmem:s13+$0xFFFFFBF0]  }
0x1d9: {  	v63 =	vld [tilespmem:s13+$0xFFFFFC40]  }
0x1da: {  	v27 =	vld [tilespmem:s13+$0xFFFFFC50]  }
0x1db: {  	v28 =	vld [tilespmem:s13+$0xFFFFFC60]  }
0x1dc: {  	v29 =	vld [tilespmem:s13+$0xFFFFFC70]  }
0x1dd: {  	v30 =	vld [tilespmem:s13+$0xFFFFFCC0]  }
0x1de: {  	v31 =	vld [tilespmem:s13+$0xFFFFFCD0]  }
0x1df: {  	v32 =	vld [tilespmem:s13+$0xFFFFFCE0]  }
0x1e0: {  	v33 =	vld [tilespmem:s13+$0xFFFFFCF0]  }
0x1e1: {  	v34 =	vld [tilespmem:s13+$0xFFFFFD40]  }
0x1e2: {  	v35 =	vld [tilespmem:s13+$0xFFFFFD50]  }
0x1e3: {  	v36 =	vld [tilespmem:s13+$0xFFFFFD60]  }
0x1e4: {  	v37 =	vld [tilespmem:s13+$0xFFFFFD70]  }
0x1e5: {  	v38 =	vld [tilespmem:s13+$0xFFFFFDC0]  }
0x1e6: {  	v39 =	vld [tilespmem:s13+$0xFFFFFDD0]  }
0x1e7: {  	v40 =	vld [tilespmem:s13+$0xFFFFFDE0]  }
0x1e8: {  	v41 =	vld [tilespmem:s13+$0xFFFFFDF0]  }
0x1e9: {  	v42 =	vld [tilespmem:s13+$0xFFFFFE40]  }
0x1ea: {  	v43 =	vld [tilespmem:s13+$0xFFFFFE50]  }
0x1eb: {  	v44 =	vld [tilespmem:s13+$0xFFFFFE60]  }
0x1ec: {  	v45 =	vld [tilespmem:s13+$0xFFFFFE70]  }
0x1ed: {  	v46 =	vld [tilespmem:s13+$0xFFFFFEC0]  }
0x1ee: {  	v47 =	vld [tilespmem:s13+$0xFFFFFED0]  }
0x1ef: {  	v48 =	vld [tilespmem:s13+$0xFFFFFEE0]  }
0x1f0: {  	v49 =	vld [tilespmem:s13+$0xFFFFFEF0]  }
0x1f1: {  	v50 =	vld [tilespmem:s13+$0xFFFFFF40]  }
0x1f2: {  	v51 =	vld [tilespmem:s13+$0xFFFFFF50]  }
0x1f3: {  	v52 =	vld [tilespmem:s13+$0xFFFFFF60]  }
0x1f4: {  	v53 =	vld [tilespmem:s13+$0xFFFFFF70]  }
0x1f5: {  	v54 =	vld [tilespmem:s13+$0xFFFFFFC0]  }
0x1f6: {  	v55 =	vld [tilespmem:s13+$0xFFFFFFD0]  }
0x1f7: {  	v56 =	vld [tilespmem:s13+$0xFFFFFFE0]  }
0x1f8: {  	v57 =	vld [tilespmem:s13+$0xFFFFFFF0]  }
0x1f9: {  	v58 =	vld [tilespmem:s13+$0x40];
	v0 =	vadd.f32 v22, v0  }
0x1fa: {  	v59 =	vld [tilespmem:s13+$0x60]  }
0x1fb: {  	v26 =	vld [tilespmem:s13+$0x70];
	v0 =	vadd.f32 v63, v0  }
0x1fc: {  	v60 =	vld [tilespmem:s13+$0xC0]  }
0x1fd: {  	v61 =	vld [tilespmem:s13+$0xE0];
	v0 =	vadd.f32 v30, v0  }
0x1fe: {  	v62 =	vld [tilespmem:s13+$0x140]  }
0x1ff: {  	v22 =	vld [tilespmem:s13+$0x50];
	v0 =	vadd.f32 v34, v0  }
0x200: {  	v2 =	vadd.f32 v23, v2;
	v23 =	vld [tilespmem:s13+$0x170]  }
0x201: {  	v3 =	vadd.f32 v24, v3;
	v24 =	vld [tilespmem:s13+$0x2C0];
	v0 =	vadd.f32 v38, v0  }
0x202: {  	v63 =	vld [tilespmem:s13+$0x160]  }
0x203: {  	v2 =	vadd.f32 v27, v2;
	v27 =	vld [tilespmem:s13+$0x1D0];
	v0 =	vadd.f32 v42, v0  }
0x204: {  	v3 =	vadd.f32 v28, v3;
	v28 =	vld [tilespmem:s13+$0x2E0]  }
0x205: {  	v30 =	vld [tilespmem:s13+$0xD0];
	v0 =	vadd.f32 v46, v0  }
0x206: {  	v2 =	vadd.f32 v31, v2;
	v31 =	vld [tilespmem:s13+$0x1F0]  }
0x207: {  	v3 =	vadd.f32 v32, v3;
	v34 =	vld [tilespmem:s13+$0xF0];
	v0 =	vadd.f32 v50, v0  }
0x208: {  	v2 =	vadd.f32 v35, v2;
	v35 =	vld [tilespmem:s13+$0x250]  }
0x209: {  	v3 =	vadd.f32 v36, v3;
	v36 =	vld [tilespmem:s13+$0x360];
	v0 =	vadd.f32 v54, v0  }
0x20a: {  	v38 =	vld [tilespmem:s13+$0x150]  }
0x20b: {  	v2 =	vadd.f32 v39, v2;
	v39 =	vld [tilespmem:s13+$0x270];
	v0 =	vadd.f32 v58, v0  }
0x20c: {  	v3 =	vadd.f32 v40, v3;
	v42 =	vld [tilespmem:s13+$0x1C0]  }
0x20d: {  	v2 =	vadd.f32 v43, v2;
	v43 =	vld [tilespmem:s13+$0x2D0];
	v0 =	vadd.f32 v60, v0  }
0x20e: {  	v3 =	vadd.f32 v44, v3;
	v50 =	vld [tilespmem:s13+$0x240]  }
0x20f: {  	v44 =	vld [tilespmem:s13+$0x4C0];
	v2 =	vadd.f32 v47, v2;
	v0 =	vadd.f32 v62, v0  }
0x210: {  	v46 =	vld [tilespmem:s13+$0x1E0]  }
0x211: {  	v47 =	vld [tilespmem:s13+$0x2F0];
	v2 =	vadd.f32 v51, v2;
	v0 =	vadd.f32 v42, v0  }
0x212: {  	v3 =	vadd.f32 v48, v3;
	v58 =	vld [tilespmem:s13+$0x340]  }
0x213: {  	v48 =	vld [tilespmem:$0x15340];
	v2 =	vadd.f32 v55, v2;
	v0 =	vadd.f32 v50, v0  }
0x214: {  	v60 =	vld [tilespmem:s13+$0x3C0]  }
0x215: {  	v51 =	vld [tilespmem:s13+$0x3E0];
	v2 =	vadd.f32 v22, v2;
	v0 =	vadd.f32 v24, v0  }
0x216: {  	v4 =	vadd.f32 v25, v4;
	v3 =	vadd.f32 v52, v3;
	v62 =	vld [tilespmem:s13+$0x440]  }
0x217: {  	v52 =	vld [tilespmem:s13+$0x3F0];
	v2 =	vadd.f32 v30, v2;
	v0 =	vadd.f32 v58, v0  }
0x218: {  	v4 =	vadd.f32 v29, v4;
	v54 =	vld [tilespmem:s13+$0x260]  }
0x219: {  	v55 =	vld [tilespmem:s13+$0x450];
	v2 =	vadd.f32 v38, v2;
	v0 =	vadd.f32 v60, v0  }
0x21a: {  	v4 =	vadd.f32 v33, v4;
	v3 =	vadd.f32 v56, v3;
	v56 =	vld [tilespmem:s13+$0x460]  }
0x21b: {  	v22 =	vld [tilespmem:s13+$0x3D0];
	v2 =	vadd.f32 v27, v2;
	v0 =	vadd.f32 v62, v0  }
0x21c: {  	v4 =	vadd.f32 v37, v4;
	v3 =	vadd.f32 v59, v3;
	v42 =	vld [tilespmem:s13+$0x350]  }
0x21d: {  	v29 =	vmul.f32 v48, v21;
	v59 =	vld [tilespmem:s13+$0x4D0];
	v2 =	vadd.f32 v35, v2;
	v0 =	vadd.f32 v44, v0  }
0x21e: {  	v4 =	vadd.f32 v41, v4;
	v50 =	vld [tilespmem:s13+$0x370]  }
0x21f: {  	v2 =	vadd.f32 v43, v2;
	v58 =	vld [tilespmem:s13+$0x470];
	v0 =	vsub.f32 v0, v29  }
0x220: {  	v4 =	vadd.f32 v45, v4;
	v3 =	vadd.f32 v61, v3;
	v60 =	vld [tilespmem:s13+$0x4E0]  }
0x221: {  	v2 =	vadd.f32 v42, v2;
	v62 =	vld [tilespmem:s13+$0x4F0];
	[tilespmem:s0+$0x0] =	vst v0  }
0x222: {  	v3 =	vadd.f32 v63, v3;
	v0 =	vadd.f32 v49, v4;
	v4 =	vld [tilespmem:$0x15350]  }
0x223: {  	v2 =	vadd.f32 v22, v2  }
0x224: {  	v3 =	vadd.f32 v46, v3  }
0x225: {  	v2 =	vadd.f32 v55, v2;
	v0 =	vadd.f32 v53, v0  }
0x226: {  	v3 =	vadd.f32 v54, v3  }
0x227: {  	v2 =	vadd.f32 v59, v2;
	v0 =	vadd.f32 v57, v0;
	v4 =	vmul.f32 v4, v21  }
0x228: {  	v3 =	vadd.f32 v28, v3  }
0x229: {  	v0 =	vadd.f32 v26, v0;
	v2 =	vsub.f32 v2, v4;
	_ =	sdelay $0x1  }
0x22a: {  	v3 =	vadd.f32 v36, v3;
	v0 =	vadd.f32 v34, v0;
	[tilespmem:s0+$0x10] =	vst v2  }
0x22b: {  	v2 =	vld [tilespmem:$0x15360]  }
0x22c: {  	v3 =	vadd.f32 v51, v3;
	v0 =	vadd.f32 v23, v0;
	_ =	sdelay $0x1  }
0x22d: {  	v3 =	vadd.f32 v56, v3;
	v0 =	vadd.f32 v31, v0;
	_ =	sdelay $0x1  }
0x22e: {  	v3 =	vadd.f32 v60, v3;
	v0 =	vadd.f32 v39, v0;
	v2 =	vmul.f32 v2, v21;
	_ =	sdelay $0x1  }
0x22f: {  	v0 =	vadd.f32 v47, v0;
	v2 =	vsub.f32 v3, v2;
	_ =	sdelay $0x1  }
0x230: {  	v0 =	vadd.f32 v50, v0;
	[tilespmem:s0+$0x20] =	vst v2  }
0x231: {  	v2 =	vld [tilespmem:$0x15370]  }
0x232: {  	v0 =	vadd.f32 v52, v0;
	_ =	sdelay $0x1  }
0x233: {  	v0 =	vadd.f32 v58, v0  }
0x234: {  	p0 =	sne.s32 s1, $0xF  }
.Ltmp3:
0x235: {  	v0 =	vadd.f32 v62, v0;
	v2 =	vmul.f32 v2, v21;
	(pc) =	sbr.rel @p0 .LBB2_8-.Ltmp3, $3  }
0x236: {  	_ = 	snop  }
0x237: {  	v0 =	vsub.f32 v0, v2;
	_ =	sdelay $0x1  }
0x238: {  	s1 =	sadd.s32 $0x1, s1;
	s13 =	sadd.s32 $0xA00, s13;
	[tilespmem:s0+$0x30] =	vst v0;
	s0 =	sadd.s32 $0x80, s0  }
0x239: {  	s29 =	sadd.s32 $0x1, s29  }
0x23a: {  	p0 =	sne.s32 s29, $0x10  }
.Ltmp4:
0x23b: {  	_ = 	snop;
	(pc) =	sbr.rel @p0 .LBB2_2-.Ltmp4, $3  }
0x23c: {  	_ =	sdelay $0x1  }
0x23d: {  	s0 =	sadd.s32 s31, s11  }
0x23e: {  	[hbm4b:s0+s4] =	stream.linear.scatter [tilespmem:s24], [sflag:$0x6], $0x800, $0x38;
	[tilespmem:$0x15400] =	vst v63  }
0x23f: {  	s28 =	sadd.s32 $0x1, s28  }
0x240: {  	_ =	swait.ge [sflag:s25], $0x800;
	p0 =	sne.s32 s28, s12  }
.Ltmp5:
0x241: {  	[sflag:s25] =	ssyncset.done $0x0;
	(pc) =	sbr.rel @p0 .LBB2_1-.Ltmp5, $4  }
0x242: {  	[sflag:s25] =	ssyncadd.s32 $0xFFFFF800  }
0x243: {  	_ =	swait.ge [sflag:s26], $0x800  }
0x244: {  	[sflag:s26] =	ssyncset.done $0x0  }
0x245: {  	[sflag:s26] =	ssyncadd.s32 $0xFFFFF800  }
0x246: {  	_ =	sfence.sel $0x180000  }
0x247: {  	[bflag:$0x0] =	sbarrier.arrive $0xFFFF  }
0x248: {  	_ =	strace $0x90000047  }
0x249: {  	s0 =	stileid.u32;
	[bflag:$0x2] =	sbarrier.arrive $0xFFFF  }
0x24a: {  	p0 =	sne.s32 s0, $0x0;
	s0 =	rddreg [dreg:$0x3]  }
0x24b: {  	s0 =	sadd.s32 @!p0 $0x100000, s0  }
0x24c: {  	[sflag:s0] =	ssyncadd.tile.s32 @!p0 $0x1;
	_ =	shalt  }
.Lfunc_end2:
_tile_overlayer_lowered:
.L_overlay_start_2:
0x24d: {  	(tag) =	ssettag $0x2  }
0x24e: {  	s0 =	rddreg [dreg:$0x0];
	s2 =	stileid.u32  }
0x24f: {  	s1 =	rddreg [dreg:$0x1];
	p0 =	sne.s32 s2, $0x0  }
0x250: {  	s3 =	rddreg [dreg:$0x2];
	[bflag:$0x3] =	sbarrier.arrive $0xFFFF;
	s2 =	simm.s32 @!p0 $0x1C07  }
0x251: {  	[timem:s3], [sflag:s2] =	dma.local @!p0 [hbm:s0], s1  }
0x252: {  	s0 =	simm.s32 @!p0 $0x7  }
0x253: {  	_ =	swait.ge @!p0 [sflag:s0], s1  }
0x254: {  	s1 =	ssub.s32 @!p0 $0x0, s1;
	[sflag:s0] =	ssyncset.done @!p0 $0x0  }
0x255: {  	[sflag:s0] =	ssyncadd.s32 @!p0 s1  }
0x256: {  	[bflag:$0x3] =	sbarrier.arrive $0xFFFF  }
0x257: {  	_ =	shalt  }

</sc_bundles>
